<compile_context>
chip_gen: v7x
topology: tpu7x:2x2x1
jax: 0.10.2.dev20260603
libtpu: 0.0.44.dev20260713+nightly
codegen_flags: <defaults>
</compile_context>

<pallas_src>
import functools

import numpy as np
import jax
import jax.numpy as jnp
from jax import lax
from jax.experimental import pallas as pl
from jax.experimental.pallas import tpu as pltpu
from jax.experimental.pallas import tpu_sc as plsc

_DEG = 3
_NB = 7
_KNOTS = [float(v) for v in np.linspace(-7.0, 7.0, _NB + _DEG + 1).astype(np.float32)]

_BE = 1000
_BN = 1000
_CK = 128
_ZR = 1000



def _sc_gather(h, src2):
    n_nodes, H = h.shape
    nch, _ = src2.shape
    E = nch * _CK
    info = plsc.get_sparse_core_info()
    NC, NS = info.num_cores, info.num_subcores
    NW = NC * NS
    base_cnt = nch // NW
    rem = nch - base_cnt * NW
    pairs = (base_cnt + 2) // 2
    mesh = plsc.VectorSubcoreMesh(core_axis_name="c", subcore_axis_name="s")

    @functools.partial(
        pl.kernel,
        out_type=jax.ShapeDtypeStruct((E, H), jnp.float32),
        mesh=mesh,
        compiler_params=pltpu.CompilerParams(use_tc_tiling_on_sc=False),
        scratch_types=[
            pltpu.VMEM((base_cnt + 1, _CK), jnp.int32),
            pltpu.VMEM((_CK, H), jnp.float32),
            pltpu.VMEM((_CK, H), jnp.float32),
            pltpu.SemaphoreType.DMA,
            pltpu.SemaphoreType.DMA,
            pltpu.SemaphoreType.DMA,
            pltpu.SemaphoreType.DMA,
        ],
    )
    def gk(h_hbm, src_hbm, out_hbm, idx_v, rows_a, rows_b, sga, sgb, swa, swb):
        wid = lax.axis_index("s") * NC + lax.axis_index("c")
        start = wid * base_cnt + jnp.minimum(wid, rem)
        cnt = base_cnt + jnp.where(wid < rem, 1, 0)
        rows = (rows_a, rows_b)
        sg = (sga, sgb)
        sw = (swa, swb)
        pltpu.sync_copy(src_hbm.at[pl.ds(start, base_cnt), :], idx_v.at[pl.ds(0, base_cnt), :])

        @pl.when(wid < rem)
        def _():
            pltpu.sync_copy(src_hbm.at[pl.ds(start + base_cnt, 1), :],
                            idx_v.at[pl.ds(base_cnt, 1), :])

        def body(j, carry):
            for b in range(2):
                slot = 2 * j + b

                @pl.when(slot < cnt)
                def _(slot=slot, b=b):
                    base = pl.multiple_of((start + slot) * _CK, _CK)

                    @pl.when(j > 0)
                    def _():
                        pltpu.make_async_copy(rows[b], out_hbm.at[pl.ds(base, _CK), :], sw[b]).wait()

                    pltpu.async_copy(h_hbm.at[idx_v.at[slot]], rows[b], sg[b])

            for b in range(2):
                slot = 2 * j + b

                @pl.when(slot < cnt)
                def _(slot=slot, b=b):
                    base = pl.multiple_of((start + slot) * _CK, _CK)
                    pltpu.make_async_copy(h_hbm.at[idx_v.at[slot]], rows[b], sg[b]).wait()
                    pltpu.async_copy(rows[b], out_hbm.at[pl.ds(base, _CK), :], sw[b])

            return carry

        lax.fori_loop(0, pairs, body, 0)
        for b in range(2):
            pltpu.make_async_copy(rows[b], out_hbm.at[pl.ds(0, _CK), :], sw[b]).wait()

    return gk(h, src2)


def _sc_scatter(val, dst2, zeros_blk, n_nodes):
    E, H = val.shape
    info = plsc.get_sparse_core_info()
    NC, NS = info.num_cores, info.num_subcores
    NW = NC * NS
    nch = E // _CK
    base_cnt = nch // NW
    rem = nch - base_cnt * NW
    pairs = (base_cnt + 2) // 2
    NZ = n_nodes // _ZR
    mesh = plsc.VectorSubcoreMesh(core_axis_name="c", subcore_axis_name="s")

    @functools.partial(
        pl.kernel,
        out_type=jax.ShapeDtypeStruct((NC, n_nodes, H), jnp.float32),
        mesh=mesh,
        compiler_params=pltpu.CompilerParams(use_tc_tiling_on_sc=False),
        scratch_types=[
            pltpu.VMEM((base_cnt + 1, _CK), jnp.int32),
            pltpu.VMEM((_CK, H), jnp.float32),
            pltpu.VMEM((_CK, H), jnp.float32),
            pltpu.SemaphoreType.DMA,
            pltpu.SemaphoreType.DMA,
            pltpu.VMEM_SHARED((n_nodes, H), jnp.float32),
        ],
    )
    def sk(val_hbm, dst_hbm, z_hbm, out_hbm, idx_v, rows_a, rows_b, sva, svb, acc):
        c = lax.axis_index("c")
        s = lax.axis_index("s")
        wid = s * NC + c
        start = wid * base_cnt + jnp.minimum(wid, rem)
        cnt = base_cnt + jnp.where(wid < rem, 1, 0)
        rows = (rows_a, rows_b)
        sv = (sva, svb)

        @pl.when(s < NZ)
        def _():
            off = pl.multiple_of(s * _ZR, 8)
            pltpu.sync_copy(z_hbm, acc.at[pl.ds(off, _ZR), :])

        pltpu.sync_copy(dst_hbm.at[pl.ds(start, base_cnt), :], idx_v.at[pl.ds(0, base_cnt), :])

        @pl.when(wid < rem)
        def _():
            pltpu.sync_copy(dst_hbm.at[pl.ds(start + base_cnt, 1), :],
                            idx_v.at[pl.ds(base_cnt, 1), :])

        plsc.subcore_barrier()

        def body(j, carry):
            for b in range(2):
                slot = 2 * j + b

                @pl.when(slot < cnt)
                def _(slot=slot, b=b):
                    base = pl.multiple_of((start + slot) * _CK, _CK)
                    pltpu.async_copy(val_hbm.at[pl.ds(base, _CK), :], rows[b], sv[b])

            for b in range(2):
                slot = 2 * j + b

                @pl.when(slot < cnt)
                def _(slot=slot, b=b):
                    base = pl.multiple_of((start + slot) * _CK, _CK)
                    pltpu.make_async_copy(val_hbm.at[pl.ds(base, _CK), :], rows[b], sv[b]).wait()
                    pltpu.sync_copy(rows[b], acc.at[idx_v.at[slot]], add=True)

            return carry

        lax.fori_loop(0, pairs, body, 0)
        plsc.subcore_barrier()

        @pl.when(s < NZ)
        def _():
            off = pl.multiple_of(s * _ZR, 8)
            pltpu.sync_copy(acc.at[pl.ds(off, _ZR), :], out_hbm.at[c, pl.ds(off, _ZR), :])

    return sk(val, dst2, zeros_blk)



def _embed(x, W_emb, b_emb, ln_g, ln_b):
    n_nodes, D = x.shape
    H = W_emb.shape[0]
    G = n_nodes // _BN

    def body(x_ref, w_ref, b_ref, g_ref, bb_ref, out_ref):
        xv = x_ref[...]
        hm = lax.dot_general(xv, w_ref[...], (((1,), (1,)), ((), ())),
                             preferred_element_type=jnp.float32) + b_ref[...]
        mu = jnp.mean(hm, axis=1, keepdims=True)
        var = jnp.mean((hm - mu) ** 2, axis=1, keepdims=True)
        hn = (hm - mu) / jnp.sqrt(var + 1e-5) * g_ref[...] + bb_ref[...]
        out_ref[...] = jnp.maximum(hn, 0.0)

    return pl.pallas_call(
        body,
        grid=(G,),
        in_specs=[
            pl.BlockSpec((_BN, D), lambda i: (i, 0)),
            pl.BlockSpec((H, D), lambda i: (0, 0)),
            pl.BlockSpec((1, H), lambda i: (0, 0)),
            pl.BlockSpec((1, H), lambda i: (0, 0)),
            pl.BlockSpec((1, H), lambda i: (0, 0)),
        ],
        out_specs=pl.BlockSpec((_BN, H), lambda i: (i, 0)),
        out_shape=jax.ShapeDtypeStruct((n_nodes, H), jnp.float32),
    )(x, W_emb, b_emb.reshape(1, H), ln_g.reshape(1, H), ln_b.reshape(1, H))


def _bspline_tr(hs, left, et_e, et_o, coeffs_ref, wb_ref, ws_ref, R):
    t0 = _KNOTS[0]
    inv_dt = 1.0 / (_KNOTS[1] - _KNOTS[0])
    base = hs * jax.nn.sigmoid(hs)
    u = (hs - t0) * inv_dt
    ifl = jnp.floor(u)
    f = u - ifl
    ii = ifl.astype(jnp.int32)
    f2 = f * f
    f3 = f2 * f
    onemf = 1.0 - f
    w0 = onemf * onemf * onemf * (1.0 / 6.0)
    w1 = 0.5 * f3 - f2 + (2.0 / 3.0)
    w2 = -0.5 * f3 + 0.5 * f2 + 0.5 * f + (1.0 / 6.0)
    w3 = f3 * (1.0 / 6.0)
    etw = jnp.where(left, et_e, et_o)
    ohb = [etw == r for r in range(R - 1)]

    def _mix(vals_by_r):
        acc = jnp.broadcast_to(jnp.asarray(vals_by_r[R - 1], hs.dtype), hs.shape)
        for r in range(R - 1):
            acc = jnp.where(ohb[r], vals_by_r[r], acc)
        return acc

    ce = [_mix([coeffs_ref[r, n] for r in range(R)]) for n in range(_NB)]
    em = [ii == m for m in range(_NB + _DEG)]
    spline = jnp.zeros_like(hs)
    for k, w in enumerate((w0, w1, w2, w3)):
        cej = jnp.zeros_like(hs)
        for n in range(_NB):
            cej = jnp.where(em[n + 3 - k], ce[n], cej)
        spline = spline + w * cej
    wb = _mix([wb_ref[r] for r in range(R)])
    ws = _mix([ws_ref[r] for r in range(R)])
    return wb * base + ws * spline


def _edge_transform(hs2, etp, coeffs, w_base, w_spline, attention):
    EP, W = hs2.shape
    H = W // 2
    G = EP // _BE
    R = w_base.shape[0]

    def body(hs_ref, et_ref, coeffs_ref, wb_ref, ws_ref, att_ref, tr_ref, sc_ref):
        hs_v = hs_ref[...]
        etpair = et_ref[0]
        et_e = etpair[:, 0:1]
        et_o = etpair[:, 1:2]
        lane = lax.broadcasted_iota(jnp.int32, (_BE, W), 1)
        left = lane < H
        tr = _bspline_tr(hs_v, left, et_e, et_o, coeffs_ref, wb_ref, ws_ref, R)
        trw = tr * att_ref[...]
        half = (lax.broadcasted_iota(jnp.int32, (W, 2), 0) // H
                == lax.broadcasted_iota(jnp.int32, (W, 2), 1)).astype(jnp.float32)
        sc = lax.dot_general(trw, half, (((1,), (0,)), ((), ())),
                             precision=lax.Precision.HIGHEST,
                             preferred_element_type=jnp.float32)
        tr_ref[...] = tr
        sc_ref[0] = sc

    att2 = jnp.concatenate([attention, attention]).reshape(1, W)
    return pl.pallas_call(
        body,
        grid=(G,),
        in_specs=[
            pl.BlockSpec((_BE, W), lambda i: (i, 0)),
            pl.BlockSpec((1, _BE, 2), lambda i: (i, 0, 0)),
            pl.BlockSpec(memory_space=pltpu.SMEM),
            pl.BlockSpec(memory_space=pltpu.SMEM),
            pl.BlockSpec(memory_space=pltpu.SMEM),
            pl.BlockSpec((1, W), lambda i: (0, 0)),
        ],
        out_specs=[
            pl.BlockSpec((_BE, W), lambda i: (i, 0)),
            pl.BlockSpec((1, _BE, 2), lambda i: (i, 0, 0)),
        ],
        out_shape=[
            jax.ShapeDtypeStruct((EP, W), jnp.float32),
            jax.ShapeDtypeStruct((G, _BE, 2), jnp.float32),
        ],
    )(hs2, etp, coeffs, w_base, w_spline, att2)


def _scale(tr2, sc3, etp, sc_d, et_d):
    EP, W = tr2.shape
    H = W // 2
    G = EP // _BE
    R = 4

    def body(tr_ref, sc_ref, et_ref, scd_ref, etd_ref, val_ref, attn_ref, m_scr, s_scr):
        i = pl.program_id(0)

        @pl.when(i == 0)
        def _():
            scd = scd_ref[...]
            etd = etd_ref[...]
            for r in range(R):
                scm = jnp.where(etd == r, scd, -1e30)
                mr = jnp.max(scm)
                m_scr[r] = mr
                s_scr[r] = jnp.sum(jnp.exp(scm - mr))

        sc = sc_ref[0]
        et = et_ref[0]
        m_e = jnp.zeros_like(sc)
        s_e = jnp.ones_like(sc)
        for r in range(R):
            m_e = jnp.where(et == r, m_scr[r], m_e)
            s_e = jnp.where(et == r, s_scr[r], s_e)
        attn = jnp.exp(sc - m_e) / s_e
        lane = lax.broadcasted_iota(jnp.int32, (_BE, W), 1)
        attn_wide = jnp.where(lane < H, attn[:, 0:1], attn[:, 1:2])
        val_ref[...] = tr_ref[...] * attn_wide
        attn_ref[0] = attn

    return pl.pallas_call(
        body,
        grid=(G,),
        in_specs=[
            pl.BlockSpec((_BE, W), lambda i: (i, 0)),
            pl.BlockSpec((1, _BE, 2), lambda i: (i, 0, 0)),
            pl.BlockSpec((1, _BE, 2), lambda i: (i, 0, 0)),
            pl.BlockSpec(sc_d.shape, lambda i: (0, 0)),
            pl.BlockSpec(et_d.shape, lambda i: (0, 0)),
        ],
        out_specs=[
            pl.BlockSpec((_BE, W), lambda i: (i, 0)),
            pl.BlockSpec((1, _BE, 2), lambda i: (i, 0, 0)),
        ],
        out_shape=[
            jax.ShapeDtypeStruct((EP, W), jnp.float32),
            jax.ShapeDtypeStruct((G, _BE, 2), jnp.float32),
        ],
        scratch_shapes=[
            pltpu.SMEM((R,), jnp.float32),
            pltpu.SMEM((R,), jnp.float32),
        ],
    )(tr2, sc3, etp, sc_d, et_d)


def _gru(msg2, h, W_ih, W_hh, b_ih, b_hh):
    n_nodes, H = h.shape
    NC = msg2.shape[0]
    G = n_nodes // _BN

    def body(msg_ref, h_ref, wih_ref, whh_ref, bih_ref, bhh_ref, out_ref):
        msg = msg_ref[0]
        for c in range(1, NC):
            msg = msg + msg_ref[c]
        hv = h_ref[...]
        gi = lax.dot_general(msg, wih_ref[...], (((1,), (1,)), ((), ())),
                             preferred_element_type=jnp.float32) + bih_ref[...]
        gh = lax.dot_general(hv, whh_ref[...], (((1,), (1,)), ((), ())),
                             preferred_element_type=jnp.float32) + bhh_ref[...]
        rg = jax.nn.sigmoid(gi[:, :H] + gh[:, :H])
        zg = jax.nn.sigmoid(gi[:, H:2 * H] + gh[:, H:2 * H])
        ng = jnp.tanh(gi[:, 2 * H:] + rg * gh[:, 2 * H:])
        out_ref[...] = (1.0 - zg) * ng + zg * hv

    return pl.pallas_call(
        body,
        grid=(G,),
        in_specs=[
            pl.BlockSpec((NC, _BN, H), lambda i: (0, i, 0)),
            pl.BlockSpec((_BN, H), lambda i: (i, 0)),
            pl.BlockSpec((3 * H, H), lambda i: (0, 0)),
            pl.BlockSpec((3 * H, H), lambda i: (0, 0)),
            pl.BlockSpec((1, 3 * H), lambda i: (0, 0)),
            pl.BlockSpec((1, 3 * H), lambda i: (0, 0)),
        ],
        out_specs=pl.BlockSpec((_BN, H), lambda i: (i, 0)),
        out_shape=jax.ShapeDtypeStruct((n_nodes, H), jnp.float32),
    )(msg2, h, W_ih, W_hh, b_ih.reshape(1, 3 * H), b_hh.reshape(1, 3 * H))



def kernel(x, edge_index, edge_type, W_emb, b_emb, ln_g, ln_b, w_base, w_spline,
           coeffs, attention, W_ih, W_hh, b_ih, b_hh):
    n_nodes, _ = x.shape
    H = W_emb.shape[0]
    E = edge_type.shape[0]
    R = w_base.shape[0]
    src2 = edge_index[0].astype(jnp.int32).reshape(E // _CK, _CK)
    dst2 = edge_index[1].astype(jnp.int32).reshape(E // _CK, _CK)
    et = edge_type.astype(jnp.int32)
    etp = et.reshape(E // (2 * _BE), _BE, 2)
    et_d = et.reshape(E // 128, 128)
    zeros_blk = jnp.zeros((_ZR, H), jnp.float32)

    h = _embed(x, W_emb, b_emb, ln_g, ln_b)
    attns = []
    for _ in range(2):
        hs = _sc_gather(h, src2)
        hs2 = hs.reshape(E // 2, 2 * H)
        tr2, sc3 = _edge_transform(hs2, etp, coeffs, w_base, w_spline, attention)
        val2, attn3 = _scale(tr2, sc3, etp, sc3.reshape(E // 128, 128), et_d)
        msg2 = _sc_scatter(val2.reshape(E, H), dst2, zeros_blk, n_nodes)
        h = _gru(msg2, h, W_ih, W_hh, b_ih, b_hh)
        attns.append(attn3.reshape(E))
    return h, jnp.stack(attns)

# --- scband reference (transcript-rebuilt; emitter-appended) ---
"""Pipeline reference for scband-kang-51539607552784 (READ-ONLY COPY).

The authoritative reference and input builder live on the scoring server;
editing this copy changes nothing except your own understanding.
"""

import jax, jax.numpy as jnp
import numpy as np

N = 10000
E = 160000
D_IN = 256
H = 64
R = 4
LAYERS = 2
DEG = 3
GRID = 5
NB = GRID + DEG - 1  # 7 basis functions
KNOTS = jnp.linspace(-7.0, 7.0, NB + DEG + 1)


def bspline_basis(x):
    # Cox-de Boor recursion on a uniform knot grid spanning the (-5, 5) range (extended for degree)
    t = KNOTS
    xe = x[..., None]
    B = ((xe >= t[:-1]) & (xe < t[1:])).astype(x.dtype)
    for d in range(1, DEG + 1):
        m = t.shape[0] - d - 1
        left = (xe - t[:m]) / (t[d:d + m] - t[:m]) * B[..., :m]
        right = (t[d + 1:d + 1 + m] - xe) / (t[d + 1:d + 1 + m] - t[1:1 + m]) * B[..., 1:1 + m]
        B = left + right
    return B  # [..., NB]


def setup_inputs(seed: int = 0):
    key = jax.random.key(seed)
    ks = jax.random.split(key, 12)
    x = jax.random.normal(ks[0], (N, D_IN), dtype=jnp.float32)
    edge_index = jax.random.randint(ks[1], (2, E), 0, N)
    edge_type = jax.random.randint(ks[2], (E,), 0, R)
    W_emb = jax.random.normal(ks[3], (H, D_IN), dtype=jnp.float32) * 0.05
    b_emb = jnp.zeros((H,), dtype=jnp.float32)
    ln_g = jnp.ones((H,), dtype=jnp.float32)
    ln_b = jnp.zeros((H,), dtype=jnp.float32)
    w_base = jnp.ones((R,), dtype=jnp.float32)
    w_spline = jnp.ones((R,), dtype=jnp.float32)
    coeffs = jax.random.normal(ks[4], (R, NB), dtype=jnp.float32) * 0.1
    attention = jax.random.normal(ks[5], (H,), dtype=jnp.float32)
    W_ih = jax.random.normal(ks[6], (3 * H, H), dtype=jnp.float32) * 0.05
    W_hh = jax.random.normal(ks[7], (3 * H, H), dtype=jnp.float32) * 0.05
    b_ih = jnp.zeros((3 * H,), dtype=jnp.float32)
    b_hh = jnp.zeros((3 * H,), dtype=jnp.float32)
    return {"x": x, "edge_index": edge_index, "edge_type": edge_type,
            "W_emb": W_emb, "b_emb": b_emb, "ln_g": ln_g, "ln_b": ln_b,
            "w_base": w_base, "w_spline": w_spline, "coeffs": coeffs,
            "attention": attention, "W_ih": W_ih, "W_hh": W_hh,
            "b_ih": b_ih, "b_hh": b_hh}


def _forward(x, W_emb, b_emb, ln_g, ln_b, w_base, w_spline, coeffs, attention,
             W_ih, W_hh, b_ih, b_hh, src, dst, edge_type):
    # node embedding: Linear -> LayerNorm -> ReLU (dropout = identity at inference)
    h = x @ W_emb.T + b_emb
    mu = jnp.mean(h, axis=-1, keepdims=True)
    var = jnp.mean((h - mu) ** 2, axis=-1, keepdims=True)
    h = (h - mu) / jnp.sqrt(var + 1e-5) * ln_g + ln_b
    h = jax.nn.relu(h)
    attn_layers = []
    for _ in range(LAYERS):
        hs = h[src]                              # gather  [E, H]
        base = jax.nn.silu(hs)
        bv = bspline_basis(hs)                   # [E, H, NB]
        ce = coeffs[edge_type]                   # per-edge relation coeffs [E, NB]
        spline = jnp.einsum('ehn,en->eh', bv, ce)
        tr = w_base[edge_type][:, None] * base + w_spline[edge_type][:, None] * spline
        sc = jnp.sum(tr * attention, axis=-1)    # [E]
        attn_all = jnp.zeros((E,), dtype=h.dtype)
        for r in range(R):                       # per-relation softmax over that relation's edges
            mask = edge_type == r
            sm = jax.nn.softmax(jnp.where(mask, sc, -1e30))
            attn_all = attn_all + jnp.where(mask, sm, 0.0)
        messages = jnp.zeros_like(h).at[dst].add(tr * attn_all[:, None])  # scatter-add
        attn_layers.append(attn_all)
        # torch GRUCell(input=messages, hidden=h)
        gi = messages @ W_ih.T + b_ih
        gh = h @ W_hh.T + b_hh
        i_r, i_z, i_n = jnp.split(gi, 3, axis=-1)
        h_r, h_z, h_n = jnp.split(gh, 3, axis=-1)
        rg = jax.nn.sigmoid(i_r + h_r)
        zg = jax.nn.sigmoid(i_z + h_z)
        ng = jnp.tanh(i_n + rg * h_n)
        h = (1.0 - zg) * ng + zg * h
    return h, jnp.stack(attn_layers)


def reference(x, edge_index, edge_type, W_emb, b_emb, ln_g, ln_b, w_base, w_spline,
              coeffs, attention, W_ih, W_hh, b_ih, b_hh):
    src = edge_index[0]
    dst = edge_index[1]
    return _forward(x, W_emb, b_emb, ln_g, ln_b, w_base, w_spline, coeffs, attention,
                    W_ih, W_hh, b_ih, b_hh, src, dst, edge_type)

if __name__ == "__main__":
    import jax
    _d = setup_inputs()
    print(jax.jit(kernel)(*tuple(_d.values())))

</pallas_src>

<mosaic_0001>
#map = affine_map<(d0, d1) -> (0, 0)>
module attributes {stable_mosaic.version = 14 : i64} {
  func.func @gk(%arg0: i32, %arg1: i32, %arg2: memref<10000x64xf32, #tpu.memory_space<hbm>>, %arg3: memref<1250x128xi32, #tpu.memory_space<hbm>>, %arg4: memref<160000x64xf32, #tpu.memory_space<hbm>>, %arg5: memref<40x128xi32, #tpu.memory_space<vmem>>, %arg6: memref<128x64xf32, #tpu.memory_space<vmem>>, %arg7: memref<128x64xf32, #tpu.memory_space<vmem>>, %arg8: memref<!tpu.dma_semaphore, #tpu.memory_space<semaphore_mem>>, %arg9: memref<!tpu.dma_semaphore, #tpu.memory_space<semaphore_mem>>, %arg10: memref<!tpu.dma_semaphore, #tpu.memory_space<semaphore_mem>>, %arg11: memref<!tpu.dma_semaphore, #tpu.memory_space<semaphore_mem>>) attributes {dimension_semantics = [#tpu.dimension_semantics<core_parallel>, #tpu.dimension_semantics<subcore_parallel>], iteration_bounds = array<i64: 2, 16>, scalar_prefetch = 0 : i64, scratch_operands = 7 : i64, tpu.core_type = #tpu.core_type<sc_vector_subcore>, window_params = [{transform_indices = #map}, {transform_indices = #map}, {transform_indices = #map}]} {
    %mul3A = arith.constant 2 : i32
    %mul3A_0 = arith.muli %arg1, %mul3A : i32
    %add3A = arith.addi %mul3A_0, %arg0 : i32
    %mul3A_1 = arith.constant 39 : i32
    %mul3A_2 = arith.muli %add3A, %mul3A_1 : i32
    %min3A = arith.constant 2 : i32
    %min3A_3 = arith.minsi %add3A, %min3A : i32
    %add3A_4 = arith.addi %mul3A_2, %min3A_3 : i32
    %lt3A = arith.constant 2 : i32
    %lt3A_5 = arith.cmpi slt, %add3A, %lt3A : i32
    %jit3A = arith.constant 1 : i32
    %jit3A_6 = arith.constant 0 : i32
    %select_n3A = arith.select %lt3A_5, %jit3A, %jit3A_6 : i32
    %add3A_7 = arith.constant 39 : i32
    %add3A_8 = arith.addi %add3A_7, %select_n3A : i32
    "tpu.region"() ({
      %run_scoped3A = tpu.sem_alloc : memref<!tpu.dma_semaphore, #tpu.memory_space<semaphore_mem>>
      %dma_start3A = arith.constant 0 : i32
      %dma_start3A_28 = arith.constant 0 : i32
      %dma_start3A_29 = tpu.memref_slice %arg5[%dma_start3A, %dma_start3A_28] : memref<40x128xi32, #tpu.memory_space<vmem>> -> memref<39x128xi32, #tpu.memory_space<vmem>>
      %dma_start3A_30 = arith.constant 0 : i32
      %dma_start3A_31 = tpu.memref_slice %arg3[%add3A_4, %dma_start3A_30] : memref<1250x128xi32, #tpu.memory_space<hbm>> -> memref<39x128xi32, #tpu.memory_space<hbm>>
      %dma_start3A_32 = arith.constant 0 : i32
      %dma_start3A_33 = arith.constant 0 : i32
      %dma_start3A_34 = tpu.memref_slice %arg5[%dma_start3A_32, %dma_start3A_33] : memref<40x128xi32, #tpu.memory_space<vmem>> -> memref<39x128xi32, #tpu.memory_space<vmem>>
      %dma_start3A_35 = arith.constant 0 : i32
      %dma_start3A_36 = tpu.memref_slice %arg3[%add3A_4, %dma_start3A_35] : memref<1250x128xi32, #tpu.memory_space<hbm>> -> memref<39x128xi32, #tpu.memory_space<hbm>>
      tpu.enqueue_dma source(%dma_start3A_36 : memref<39x128xi32, #tpu.memory_space<hbm>>) target(%dma_start3A_34 : memref<39x128xi32, #tpu.memory_space<vmem>>) target_semaphore(%run_scoped3A : memref<!tpu.dma_semaphore, #tpu.memory_space<semaphore_mem>>)
      %dma_wait3A_37 = arith.constant 0 : i32
      %dma_wait3A_38 = arith.constant 0 : i32
      %dma_wait3A_39 = tpu.memref_slice %arg5[%dma_wait3A_37, %dma_wait3A_38] : memref<40x128xi32, #tpu.memory_space<vmem>> -> memref<39x128xi32, #tpu.memory_space<vmem>>
      %dma_wait3A_40 = arith.constant 0 : i32
      %dma_wait3A_41 = tpu.memref_slice %arg3[%add3A_4, %dma_wait3A_40] : memref<1250x128xi32, #tpu.memory_space<hbm>> -> memref<39x128xi32, #tpu.memory_space<hbm>>
      %dma_wait3A_42 = arith.constant 0 : i32
      %dma_wait3A_43 = arith.constant 0 : i32
      %dma_wait3A_44 = tpu.memref_slice %arg5[%dma_wait3A_42, %dma_wait3A_43] : memref<40x128xi32, #tpu.memory_space<vmem>> -> memref<39x128xi32, #tpu.memory_space<vmem>>
      %dma_wait3A_45 = arith.constant 0 : i32
      %dma_wait3A_46 = tpu.memref_slice %arg3[%add3A_4, %dma_wait3A_45] : memref<1250x128xi32, #tpu.memory_space<hbm>> -> memref<39x128xi32, #tpu.memory_space<hbm>>
      tpu.wait_dma2 semaphore(%run_scoped3A : memref<!tpu.dma_semaphore, #tpu.memory_space<semaphore_mem>>) src(%dma_wait3A_46 : memref<39x128xi32, #tpu.memory_space<hbm>>) dst(%dma_wait3A_44 : memref<39x128xi32, #tpu.memory_space<vmem>>)
      tpu.yield
    }) : () -> ()
    %lt3A_9 = arith.constant 2 : i32
    %lt3A_10 = arith.cmpi slt, %add3A, %lt3A_9 : i32
    %convert_element_type3A = arith.extui %lt3A_10 : i1 to i32
    %cond3A = arith.constant 0 : i32
    %cond3A_11 = arith.cmpi ne, %convert_element_type3A, %cond3A : i32
    scf.if %cond3A_11 {
      %add3A_28 = arith.constant 39 : i32
      %add3A_29 = arith.addi %add3A_4, %add3A_28 : i32
      "tpu.region"() ({
        %run_scoped3A = tpu.sem_alloc : memref<!tpu.dma_semaphore, #tpu.memory_space<semaphore_mem>>
        %dma_start3A = arith.constant 39 : i32
        %dma_start3A_30 = arith.constant 0 : i32
        %dma_start3A_31 = tpu.memref_slice %arg5[%dma_start3A, %dma_start3A_30] : memref<40x128xi32, #tpu.memory_space<vmem>> -> memref<1x128xi32, #tpu.memory_space<vmem>>
        %dma_start3A_32 = arith.constant 0 : i32
        %dma_start3A_33 = tpu.memref_slice %arg3[%add3A_29, %dma_start3A_32] : memref<1250x128xi32, #tpu.memory_space<hbm>> -> memref<1x128xi32, #tpu.memory_space<hbm>>
        %dma_start3A_34 = arith.constant 39 : i32
        %dma_start3A_35 = arith.constant 0 : i32
        %dma_start3A_36 = tpu.memref_slice %arg5[%dma_start3A_34, %dma_start3A_35] : memref<40x128xi32, #tpu.memory_space<vmem>> -> memref<1x128xi32, #tpu.memory_space<vmem>>
        %dma_start3A_37 = arith.constant 0 : i32
        %dma_start3A_38 = tpu.memref_slice %arg3[%add3A_29, %dma_start3A_37] : memref<1250x128xi32, #tpu.memory_space<hbm>> -> memref<1x128xi32, #tpu.memory_space<hbm>>
        tpu.enqueue_dma source(%dma_start3A_38 : memref<1x128xi32, #tpu.memory_space<hbm>>) target(%dma_start3A_36 : memref<1x128xi32, #tpu.memory_space<vmem>>) target_semaphore(%run_scoped3A : memref<!tpu.dma_semaphore, #tpu.memory_space<semaphore_mem>>)
        %dma_wait3A_39 = arith.constant 39 : i32
        %dma_wait3A_40 = arith.constant 0 : i32
        %dma_wait3A_41 = tpu.memref_slice %arg5[%dma_wait3A_39, %dma_wait3A_40] : memref<40x128xi32, #tpu.memory_space<vmem>> -> memref<1x128xi32, #tpu.memory_space<vmem>>
        %dma_wait3A_42 = arith.constant 0 : i32
        %dma_wait3A_43 = tpu.memref_slice %arg3[%add3A_29, %dma_wait3A_42] : memref<1250x128xi32, #tpu.memory_space<hbm>> -> memref<1x128xi32, #tpu.memory_space<hbm>>
        %dma_wait3A_44 = arith.constant 39 : i32
        %dma_wait3A_45 = arith.constant 0 : i32
        %dma_wait3A_46 = tpu.memref_slice %arg5[%dma_wait3A_44, %dma_wait3A_45] : memref<40x128xi32, #tpu.memory_space<vmem>> -> memref<1x128xi32, #tpu.memory_space<vmem>>
        %dma_wait3A_47 = arith.constant 0 : i32
        %dma_wait3A_48 = tpu.memref_slice %arg3[%add3A_29, %dma_wait3A_47] : memref<1250x128xi32, #tpu.memory_space<hbm>> -> memref<1x128xi32, #tpu.memory_space<hbm>>
        tpu.wait_dma2 semaphore(%run_scoped3A : memref<!tpu.dma_semaphore, #tpu.memory_space<semaphore_mem>>) src(%dma_wait3A_48 : memref<1x128xi32, #tpu.memory_space<hbm>>) dst(%dma_wait3A_46 : memref<1x128xi32, #tpu.memory_space<vmem>>)
        tpu.yield
      }) : () -> ()
    } else {
    }
    %scan3A = arith.constant 0 : i32
    %scan3A_12 = arith.constant 0 : i32
    %scan3A_13 = arith.constant 20 : i32
    %scan3A_14 = arith.addi %scan3A_12, %scan3A_13 : i32
    %scan3A_15 = arith.constant 1 : i32
    scf.for %scan3A_28 = %scan3A_12 to %scan3A_14 step %scan3A_15  : i32 {
      %mul3A_29 = arith.constant 2 : i32
      %mul3A_30 = arith.muli %mul3A_29, %scan3A_28 : i32
      %add3A_31 = arith.constant 0 : i32
      %add3A_32 = arith.addi %mul3A_30, %add3A_31 : i32
      %lt3A_33 = arith.cmpi slt, %add3A_32, %add3A_8 : i32
      %convert_element_type3A_34 = arith.extui %lt3A_33 : i1 to i32
      %cond3A_35 = arith.constant 0 : i32
      %cond3A_36 = arith.cmpi ne, %convert_element_type3A_34, %cond3A_35 : i32
      scf.if %cond3A_36 {
        %add3A_61 = arith.addi %add3A_4, %add3A_32 : i32
        %mul3A_62 = arith.constant 128 : i32
        %mul3A_63 = arith.muli %add3A_61, %mul3A_62 : i32
        %multiple_of3A = tpu.assume_multiple %mul3A_63, 128 : i32
        %gt3A = arith.constant 0 : i32
        %gt3A_64 = arith.cmpi sgt, %scan3A_28, %gt3A : i32
        %convert_element_type3A_65 = arith.extui %gt3A_64 : i1 to i32
        %cond3A_66 = arith.constant 0 : i32
        %cond3A_67 = arith.cmpi ne, %convert_element_type3A_65, %cond3A_66 : i32
        scf.if %cond3A_67 {
          %dma_wait3A_73 = arith.constant 0 : i32
          %dma_wait3A_74 = tpu.memref_slice %arg4[%multiple_of3A, %dma_wait3A_73] : memref<160000x64xf32, #tpu.memory_space<hbm>> -> memref<128x64xf32, #tpu.memory_space<hbm>>
          %dma_wait3A_75 = arith.constant 0 : i32
          %dma_wait3A_76 = tpu.memref_slice %arg4[%multiple_of3A, %dma_wait3A_75] : memref<160000x64xf32, #tpu.memory_space<hbm>> -> memref<128x64xf32, #tpu.memory_space<hbm>>
          tpu.wait_dma2 semaphore(%arg10 : memref<!tpu.dma_semaphore, #tpu.memory_space<semaphore_mem>>) src(%arg6 : memref<128x64xf32, #tpu.memory_space<vmem>>) dst(%dma_wait3A_76 : memref<128x64xf32, #tpu.memory_space<hbm>>)
        } else {
        }
        %dma_start3A = arith.constant 0 : i32
        %dma_start3A_68 = tpu.memref_slice %arg5[%add3A_32, %dma_start3A] : memref<40x128xi32, #tpu.memory_space<vmem>> -> memref<1x128xi32, #tpu.memory_space<vmem>>
        %dma_start3A_69 = tpu.memref_squeeze %dma_start3A_68 : memref<1x128xi32, #tpu.memory_space<vmem>> -> memref<128xi32, #tpu.memory_space<vmem>>
        %dma_start3A_70 = arith.constant 0 : i32
        %dma_start3A_71 = arith.constant 0 : i32
        %dma_start3A_72 = tpu.memref_slice %arg2[%dma_start3A_70, %dma_start3A_71] : memref<10000x64xf32, #tpu.memory_space<hbm>> -> memref<10000x64xf32, #tpu.memory_space<hbm>>
        tpu.enqueue_indirect_dma source(%dma_start3A_72 : memref<10000x64xf32, #tpu.memory_space<hbm>>) target(%arg6 : memref<128x64xf32, #tpu.memory_space<vmem>>) offsets(%dma_start3A_69 : memref<128xi32, #tpu.memory_space<vmem>>) semaphore(%arg8 : memref<!tpu.dma_semaphore, #tpu.memory_space<semaphore_mem>>)
      } else {
      }
      %mul3A_37 = arith.constant 2 : i32
      %mul3A_38 = arith.muli %mul3A_37, %scan3A_28 : i32
      %add3A_39 = arith.constant 1 : i32
      %add3A_40 = arith.addi %mul3A_38, %add3A_39 : i32
      %lt3A_41 = arith.cmpi slt, %add3A_40, %add3A_8 : i32
      %convert_element_type3A_42 = arith.extui %lt3A_41 : i1 to i32
      %cond3A_43 = arith.constant 0 : i32
      %cond3A_44 = arith.cmpi ne, %convert_element_type3A_42, %cond3A_43 : i32
      scf.if %cond3A_44 {
        %add3A_61 = arith.addi %add3A_4, %add3A_40 : i32
        %mul3A_62 = arith.constant 128 : i32
        %mul3A_63 = arith.muli %add3A_61, %mul3A_62 : i32
        %multiple_of3A = tpu.assume_multiple %mul3A_63, 128 : i32
        %gt3A = arith.constant 0 : i32
        %gt3A_64 = arith.cmpi sgt, %scan3A_28, %gt3A : i32
        %convert_element_type3A_65 = arith.extui %gt3A_64 : i1 to i32
        %cond3A_66 = arith.constant 0 : i32
        %cond3A_67 = arith.cmpi ne, %convert_element_type3A_65, %cond3A_66 : i32
        scf.if %cond3A_67 {
          %dma_wait3A_73 = arith.constant 0 : i32
          %dma_wait3A_74 = tpu.memref_slice %arg4[%multiple_of3A, %dma_wait3A_73] : memref<160000x64xf32, #tpu.memory_space<hbm>> -> memref<128x64xf32, #tpu.memory_space<hbm>>
          %dma_wait3A_75 = arith.constant 0 : i32
          %dma_wait3A_76 = tpu.memref_slice %arg4[%multiple_of3A, %dma_wait3A_75] : memref<160000x64xf32, #tpu.memory_space<hbm>> -> memref<128x64xf32, #tpu.memory_space<hbm>>
          tpu.wait_dma2 semaphore(%arg11 : memref<!tpu.dma_semaphore, #tpu.memory_space<semaphore_mem>>) src(%arg7 : memref<128x64xf32, #tpu.memory_space<vmem>>) dst(%dma_wait3A_76 : memref<128x64xf32, #tpu.memory_space<hbm>>)
        } else {
        }
        %dma_start3A = arith.constant 0 : i32
        %dma_start3A_68 = tpu.memref_slice %arg5[%add3A_40, %dma_start3A] : memref<40x128xi32, #tpu.memory_space<vmem>> -> memref<1x128xi32, #tpu.memory_space<vmem>>
        %dma_start3A_69 = tpu.memref_squeeze %dma_start3A_68 : memref<1x128xi32, #tpu.memory_space<vmem>> -> memref<128xi32, #tpu.memory_space<vmem>>
        %dma_start3A_70 = arith.constant 0 : i32
        %dma_start3A_71 = arith.constant 0 : i32
        %dma_start3A_72 = tpu.memref_slice %arg2[%dma_start3A_70, %dma_start3A_71] : memref<10000x64xf32, #tpu.memory_space<hbm>> -> memref<10000x64xf32, #tpu.memory_space<hbm>>
        tpu.enqueue_indirect_dma source(%dma_start3A_72 : memref<10000x64xf32, #tpu.memory_space<hbm>>) target(%arg7 : memref<128x64xf32, #tpu.memory_space<vmem>>) offsets(%dma_start3A_69 : memref<128xi32, #tpu.memory_space<vmem>>) semaphore(%arg9 : memref<!tpu.dma_semaphore, #tpu.memory_space<semaphore_mem>>)
      } else {
      }
      %mul3A_45 = arith.constant 2 : i32
      %mul3A_46 = arith.muli %mul3A_45, %scan3A_28 : i32
      %add3A_47 = arith.constant 0 : i32
      %add3A_48 = arith.addi %mul3A_46, %add3A_47 : i32
      %lt3A_49 = arith.cmpi slt, %add3A_48, %add3A_8 : i32
      %convert_element_type3A_50 = arith.extui %lt3A_49 : i1 to i32
      %cond3A_51 = arith.constant 0 : i32
      %cond3A_52 = arith.cmpi ne, %convert_element_type3A_50, %cond3A_51 : i32
      scf.if %cond3A_52 {
        %add3A_61 = arith.addi %add3A_4, %add3A_48 : i32
        %mul3A_62 = arith.constant 128 : i32
        %mul3A_63 = arith.muli %add3A_61, %mul3A_62 : i32
        %multiple_of3A = tpu.assume_multiple %mul3A_63, 128 : i32
        %dma_wait3A_64 = arith.constant 0 : i32
        %dma_wait3A_65 = tpu.memref_slice %arg5[%add3A_48, %dma_wait3A_64] : memref<40x128xi32, #tpu.memory_space<vmem>> -> memref<1x128xi32, #tpu.memory_space<vmem>>
        %dma_wait3A_66 = tpu.memref_squeeze %dma_wait3A_65 : memref<1x128xi32, #tpu.memory_space<vmem>> -> memref<128xi32, #tpu.memory_space<vmem>>
        %dma_wait3A_67 = arith.constant 0 : i32
        %dma_wait3A_68 = arith.constant 0 : i32
        %dma_wait3A_69 = tpu.memref_slice %arg2[%dma_wait3A_67, %dma_wait3A_68] : memref<10000x64xf32, #tpu.memory_space<hbm>> -> memref<10000x64xf32, #tpu.memory_space<hbm>>
        tpu.wait_indirect_dma semaphore(%arg8 : memref<!tpu.dma_semaphore, #tpu.memory_space<semaphore_mem>>) src(%dma_wait3A_69 : memref<10000x64xf32, #tpu.memory_space<hbm>>) dst(%arg6 : memref<128x64xf32, #tpu.memory_space<vmem>>)
        %dma_start3A = arith.constant 0 : i32
        %dma_start3A_70 = tpu.memref_slice %arg4[%multiple_of3A, %dma_start3A] : memref<160000x64xf32, #tpu.memory_space<hbm>> -> memref<128x64xf32, #tpu.memory_space<hbm>>
        %dma_start3A_71 = arith.constant 0 : i32
        %dma_start3A_72 = tpu.memref_slice %arg4[%multiple_of3A, %dma_start3A_71] : memref<160000x64xf32, #tpu.memory_space<hbm>> -> memref<128x64xf32, #tpu.memory_space<hbm>>
        tpu.enqueue_dma source(%arg6 : memref<128x64xf32, #tpu.memory_space<vmem>>) target(%dma_start3A_72 : memref<128x64xf32, #tpu.memory_space<hbm>>) target_semaphore(%arg10 : memref<!tpu.dma_semaphore, #tpu.memory_space<semaphore_mem>>)
      } else {
      }
      %mul3A_53 = arith.constant 2 : i32
      %mul3A_54 = arith.muli %mul3A_53, %scan3A_28 : i32
      %add3A_55 = arith.constant 1 : i32
      %add3A_56 = arith.addi %mul3A_54, %add3A_55 : i32
      %lt3A_57 = arith.cmpi slt, %add3A_56, %add3A_8 : i32
      %convert_element_type3A_58 = arith.extui %lt3A_57 : i1 to i32
      %cond3A_59 = arith.constant 0 : i32
      %cond3A_60 = arith.cmpi ne, %convert_element_type3A_58, %cond3A_59 : i32
      scf.if %cond3A_60 {
        %add3A_61 = arith.addi %add3A_4, %add3A_56 : i32
        %mul3A_62 = arith.constant 128 : i32
        %mul3A_63 = arith.muli %add3A_61, %mul3A_62 : i32
        %multiple_of3A = tpu.assume_multiple %mul3A_63, 128 : i32
        %dma_wait3A_64 = arith.constant 0 : i32
        %dma_wait3A_65 = tpu.memref_slice %arg5[%add3A_56, %dma_wait3A_64] : memref<40x128xi32, #tpu.memory_space<vmem>> -> memref<1x128xi32, #tpu.memory_space<vmem>>
        %dma_wait3A_66 = tpu.memref_squeeze %dma_wait3A_65 : memref<1x128xi32, #tpu.memory_space<vmem>> -> memref<128xi32, #tpu.memory_space<vmem>>
        %dma_wait3A_67 = arith.constant 0 : i32
        %dma_wait3A_68 = arith.constant 0 : i32
        %dma_wait3A_69 = tpu.memref_slice %arg2[%dma_wait3A_67, %dma_wait3A_68] : memref<10000x64xf32, #tpu.memory_space<hbm>> -> memref<10000x64xf32, #tpu.memory_space<hbm>>
        tpu.wait_indirect_dma semaphore(%arg9 : memref<!tpu.dma_semaphore, #tpu.memory_space<semaphore_mem>>) src(%dma_wait3A_69 : memref<10000x64xf32, #tpu.memory_space<hbm>>) dst(%arg7 : memref<128x64xf32, #tpu.memory_space<vmem>>)
        %dma_start3A = arith.constant 0 : i32
        %dma_start3A_70 = tpu.memref_slice %arg4[%multiple_of3A, %dma_start3A] : memref<160000x64xf32, #tpu.memory_space<hbm>> -> memref<128x64xf32, #tpu.memory_space<hbm>>
        %dma_start3A_71 = arith.constant 0 : i32
        %dma_start3A_72 = tpu.memref_slice %arg4[%multiple_of3A, %dma_start3A_71] : memref<160000x64xf32, #tpu.memory_space<hbm>> -> memref<128x64xf32, #tpu.memory_space<hbm>>
        tpu.enqueue_dma source(%arg7 : memref<128x64xf32, #tpu.memory_space<vmem>>) target(%dma_start3A_72 : memref<128x64xf32, #tpu.memory_space<hbm>>) target_semaphore(%arg11 : memref<!tpu.dma_semaphore, #tpu.memory_space<semaphore_mem>>)
      } else {
      }
    }
    %scan3A_16 = arith.constant 20 : i32
    %dma_wait3A = arith.constant 0 : i32
    %dma_wait3A_17 = arith.constant 0 : i32
    %dma_wait3A_18 = tpu.memref_slice %arg4[%dma_wait3A, %dma_wait3A_17] : memref<160000x64xf32, #tpu.memory_space<hbm>> -> memref<128x64xf32, #tpu.memory_space<hbm>>
    %dma_wait3A_19 = arith.constant 0 : i32
    %dma_wait3A_20 = arith.constant 0 : i32
    %dma_wait3A_21 = tpu.memref_slice %arg4[%dma_wait3A_19, %dma_wait3A_20] : memref<160000x64xf32, #tpu.memory_space<hbm>> -> memref<128x64xf32, #tpu.memory_space<hbm>>
    tpu.wait_dma2 semaphore(%arg10 : memref<!tpu.dma_semaphore, #tpu.memory_space<semaphore_mem>>) src(%arg6 : memref<128x64xf32, #tpu.memory_space<vmem>>) dst(%dma_wait3A_21 : memref<128x64xf32, #tpu.memory_space<hbm>>)
    %dma_wait3A_22 = arith.constant 0 : i32
    %dma_wait3A_23 = arith.constant 0 : i32
    %dma_wait3A_24 = tpu.memref_slice %arg4[%dma_wait3A_22, %dma_wait3A_23] : memref<160000x64xf32, #tpu.memory_space<hbm>> -> memref<128x64xf32, #tpu.memory_space<hbm>>
    %dma_wait3A_25 = arith.constant 0 : i32
    %dma_wait3A_26 = arith.constant 0 : i32
    %dma_wait3A_27 = tpu.memref_slice %arg4[%dma_wait3A_25, %dma_wait3A_26] : memref<160000x64xf32, #tpu.memory_space<hbm>> -> memref<128x64xf32, #tpu.memory_space<hbm>>
    tpu.wait_dma2 semaphore(%arg11 : memref<!tpu.dma_semaphore, #tpu.memory_space<semaphore_mem>>) src(%arg7 : memref<128x64xf32, #tpu.memory_space<vmem>>) dst(%dma_wait3A_27 : memref<128x64xf32, #tpu.memory_space<hbm>>)
    return
  }
}

#map = affine_map<(d0, d1) -> (0, 0)>
module attributes {stable_mosaic.version = 14 : i64} {
  func.func @gk(%arg0: i32, %arg1: i32, %arg2: memref<10000x64xf32, #tpu.memory_space<hbm>>, %arg3: memref<1250x128xi32, #tpu.memory_space<hbm>>, %arg4: memref<160000x64xf32, #tpu.memory_space<hbm>>, %arg5: memref<40x128xi32, #tpu.memory_space<vmem>>, %arg6: memref<128x64xf32, #tpu.memory_space<vmem>>, %arg7: memref<128x64xf32, #tpu.memory_space<vmem>>, %arg8: memref<!tpu.dma_semaphore, #tpu.memory_space<semaphore_mem>>, %arg9: memref<!tpu.dma_semaphore, #tpu.memory_space<semaphore_mem>>, %arg10: memref<!tpu.dma_semaphore, #tpu.memory_space<semaphore_mem>>, %arg11: memref<!tpu.dma_semaphore, #tpu.memory_space<semaphore_mem>>) attributes {dimension_semantics = [#tpu.dimension_semantics<core_parallel>, #tpu.dimension_semantics<subcore_parallel>], iteration_bounds = array<i64: 2, 16>, scalar_prefetch = 0 : i64, scratch_operands = 7 : i64, tpu.core_type = #tpu.core_type<sc_vector_subcore>, window_params = [{transform_indices = #map}, {transform_indices = #map}, {transform_indices = #map}]} {
    %mul3A = arith.constant 2 : i32
    %mul3A_0 = arith.muli %arg1, %mul3A : i32
    %add3A = arith.addi %mul3A_0, %arg0 : i32
    %mul3A_1 = arith.constant 39 : i32
    %mul3A_2 = arith.muli %add3A, %mul3A_1 : i32
    %min3A = arith.constant 2 : i32
    %min3A_3 = arith.minsi %add3A, %min3A : i32
    %add3A_4 = arith.addi %mul3A_2, %min3A_3 : i32
    %lt3A = arith.constant 2 : i32
    %lt3A_5 = arith.cmpi slt, %add3A, %lt3A : i32
    %jit3A = arith.constant 1 : i32
    %jit3A_6 = arith.constant 0 : i32
    %select_n3A = arith.select %lt3A_5, %jit3A, %jit3A_6 : i32
    %add3A_7 = arith.constant 39 : i32
    %add3A_8 = arith.addi %add3A_7, %select_n3A : i32
    "tpu.region"() ({
      %run_scoped3A = tpu.sem_alloc : memref<!tpu.dma_semaphore, #tpu.memory_space<semaphore_mem>>
      %dma_start3A = arith.constant 0 : i32
      %dma_start3A_28 = arith.constant 0 : i32
      %dma_start3A_29 = tpu.memref_slice %arg5[%dma_start3A, %dma_start3A_28] : memref<40x128xi32, #tpu.memory_space<vmem>> -> memref<39x128xi32, #tpu.memory_space<vmem>>
      %dma_start3A_30 = arith.constant 0 : i32
      %dma_start3A_31 = tpu.memref_slice %arg3[%add3A_4, %dma_start3A_30] : memref<1250x128xi32, #tpu.memory_space<hbm>> -> memref<39x128xi32, #tpu.memory_space<hbm>>
      %dma_start3A_32 = arith.constant 0 : i32
      %dma_start3A_33 = arith.constant 0 : i32
      %dma_start3A_34 = tpu.memref_slice %arg5[%dma_start3A_32, %dma_start3A_33] : memref<40x128xi32, #tpu.memory_space<vmem>> -> memref<39x128xi32, #tpu.memory_space<vmem>>
      %dma_start3A_35 = arith.constant 0 : i32
      %dma_start3A_36 = tpu.memref_slice %arg3[%add3A_4, %dma_start3A_35] : memref<1250x128xi32, #tpu.memory_space<hbm>> -> memref<39x128xi32, #tpu.memory_space<hbm>>
      tpu.enqueue_dma source(%dma_start3A_36 : memref<39x128xi32, #tpu.memory_space<hbm>>) target(%dma_start3A_34 : memref<39x128xi32, #tpu.memory_space<vmem>>) target_semaphore(%run_scoped3A : memref<!tpu.dma_semaphore, #tpu.memory_space<semaphore_mem>>)
      %dma_wait3A_37 = arith.constant 0 : i32
      %dma_wait3A_38 = arith.constant 0 : i32
      %dma_wait3A_39 = tpu.memref_slice %arg5[%dma_wait3A_37, %dma_wait3A_38] : memref<40x128xi32, #tpu.memory_space<vmem>> -> memref<39x128xi32, #tpu.memory_space<vmem>>
      %dma_wait3A_40 = arith.constant 0 : i32
      %dma_wait3A_41 = tpu.memref_slice %arg3[%add3A_4, %dma_wait3A_40] : memref<1250x128xi32, #tpu.memory_space<hbm>> -> memref<39x128xi32, #tpu.memory_space<hbm>>
      %dma_wait3A_42 = arith.constant 0 : i32
      %dma_wait3A_43 = arith.constant 0 : i32
      %dma_wait3A_44 = tpu.memref_slice %arg5[%dma_wait3A_42, %dma_wait3A_43] : memref<40x128xi32, #tpu.memory_space<vmem>> -> memref<39x128xi32, #tpu.memory_space<vmem>>
      %dma_wait3A_45 = arith.constant 0 : i32
      %dma_wait3A_46 = tpu.memref_slice %arg3[%add3A_4, %dma_wait3A_45] : memref<1250x128xi32, #tpu.memory_space<hbm>> -> memref<39x128xi32, #tpu.memory_space<hbm>>
      tpu.wait_dma2 semaphore(%run_scoped3A : memref<!tpu.dma_semaphore, #tpu.memory_space<semaphore_mem>>) src(%dma_wait3A_46 : memref<39x128xi32, #tpu.memory_space<hbm>>) dst(%dma_wait3A_44 : memref<39x128xi32, #tpu.memory_space<vmem>>)
      tpu.yield
    }) : () -> ()
    %lt3A_9 = arith.constant 2 : i32
    %lt3A_10 = arith.cmpi slt, %add3A, %lt3A_9 : i32
    %convert_element_type3A = arith.extui %lt3A_10 : i1 to i32
    %cond3A = arith.constant 0 : i32
    %cond3A_11 = arith.cmpi ne, %convert_element_type3A, %cond3A : i32
    scf.if %cond3A_11 {
      %add3A_28 = arith.constant 39 : i32
      %add3A_29 = arith.addi %add3A_4, %add3A_28 : i32
      "tpu.region"() ({
        %run_scoped3A = tpu.sem_alloc : memref<!tpu.dma_semaphore, #tpu.memory_space<semaphore_mem>>
        %dma_start3A = arith.constant 39 : i32
        %dma_start3A_30 = arith.constant 0 : i32
        %dma_start3A_31 = tpu.memref_slice %arg5[%dma_start3A, %dma_start3A_30] : memref<40x128xi32, #tpu.memory_space<vmem>> -> memref<1x128xi32, #tpu.memory_space<vmem>>
        %dma_start3A_32 = arith.constant 0 : i32
        %dma_start3A_33 = tpu.memref_slice %arg3[%add3A_29, %dma_start3A_32] : memref<1250x128xi32, #tpu.memory_space<hbm>> -> memref<1x128xi32, #tpu.memory_space<hbm>>
        %dma_start3A_34 = arith.constant 39 : i32
        %dma_start3A_35 = arith.constant 0 : i32
        %dma_start3A_36 = tpu.memref_slice %arg5[%dma_start3A_34, %dma_start3A_35] : memref<40x128xi32, #tpu.memory_space<vmem>> -> memref<1x128xi32, #tpu.memory_space<vmem>>
        %dma_start3A_37 = arith.constant 0 : i32
        %dma_start3A_38 = tpu.memref_slice %arg3[%add3A_29, %dma_start3A_37] : memref<1250x128xi32, #tpu.memory_space<hbm>> -> memref<1x128xi32, #tpu.memory_space<hbm>>
        tpu.enqueue_dma source(%dma_start3A_38 : memref<1x128xi32, #tpu.memory_space<hbm>>) target(%dma_start3A_36 : memref<1x128xi32, #tpu.memory_space<vmem>>) target_semaphore(%run_scoped3A : memref<!tpu.dma_semaphore, #tpu.memory_space<semaphore_mem>>)
        %dma_wait3A_39 = arith.constant 39 : i32
        %dma_wait3A_40 = arith.constant 0 : i32
        %dma_wait3A_41 = tpu.memref_slice %arg5[%dma_wait3A_39, %dma_wait3A_40] : memref<40x128xi32, #tpu.memory_space<vmem>> -> memref<1x128xi32, #tpu.memory_space<vmem>>
        %dma_wait3A_42 = arith.constant 0 : i32
        %dma_wait3A_43 = tpu.memref_slice %arg3[%add3A_29, %dma_wait3A_42] : memref<1250x128xi32, #tpu.memory_space<hbm>> -> memref<1x128xi32, #tpu.memory_space<hbm>>
        %dma_wait3A_44 = arith.constant 39 : i32
        %dma_wait3A_45 = arith.constant 0 : i32
        %dma_wait3A_46 = tpu.memref_slice %arg5[%dma_wait3A_44, %dma_wait3A_45] : memref<40x128xi32, #tpu.memory_space<vmem>> -> memref<1x128xi32, #tpu.memory_space<vmem>>
        %dma_wait3A_47 = arith.constant 0 : i32
        %dma_wait3A_48 = tpu.memref_slice %arg3[%add3A_29, %dma_wait3A_47] : memref<1250x128xi32, #tpu.memory_space<hbm>> -> memref<1x128xi32, #tpu.memory_space<hbm>>
        tpu.wait_dma2 semaphore(%run_scoped3A : memref<!tpu.dma_semaphore, #tpu.memory_space<semaphore_mem>>) src(%dma_wait3A_48 : memref<1x128xi32, #tpu.memory_space<hbm>>) dst(%dma_wait3A_46 : memref<1x128xi32, #tpu.memory_space<vmem>>)
        tpu.yield
      }) : () -> ()
    } else {
    }
    %scan3A = arith.constant 0 : i32
    %scan3A_12 = arith.constant 0 : i32
    %scan3A_13 = arith.constant 20 : i32
    %scan3A_14 = arith.addi %scan3A_12, %scan3A_13 : i32
    %scan3A_15 = arith.constant 1 : i32
    scf.for %scan3A_28 = %scan3A_12 to %scan3A_14 step %scan3A_15  : i32 {
      %mul3A_29 = arith.constant 2 : i32
      %mul3A_30 = arith.muli %mul3A_29, %scan3A_28 : i32
      %add3A_31 = arith.constant 0 : i32
      %add3A_32 = arith.addi %mul3A_30, %add3A_31 : i32
      %lt3A_33 = arith.cmpi slt, %add3A_32, %add3A_8 : i32
      %convert_element_type3A_34 = arith.extui %lt3A_33 : i1 to i32
      %cond3A_35 = arith.constant 0 : i32
      %cond3A_36 = arith.cmpi ne, %convert_element_type3A_34, %cond3A_35 : i32
      scf.if %cond3A_36 {
        %add3A_61 = arith.addi %add3A_4, %add3A_32 : i32
        %mul3A_62 = arith.constant 128 : i32
        %mul3A_63 = arith.muli %add3A_61, %mul3A_62 : i32
        %multiple_of3A = tpu.assume_multiple %mul3A_63, 128 : i32
        %gt3A = arith.constant 0 : i32
        %gt3A_64 = arith.cmpi sgt, %scan3A_28, %gt3A : i32
        %convert_element_type3A_65 = arith.extui %gt3A_64 : i1 to i32
        %cond3A_66 = arith.constant 0 : i32
        %cond3A_67 = arith.cmpi ne, %convert_element_type3A_65, %cond3A_66 : i32
        scf.if %cond3A_67 {
          %dma_wait3A_73 = arith.constant 0 : i32
          %dma_wait3A_74 = tpu.memref_slice %arg4[%multiple_of3A, %dma_wait3A_73] : memref<160000x64xf32, #tpu.memory_space<hbm>> -> memref<128x64xf32, #tpu.memory_space<hbm>>
          %dma_wait3A_75 = arith.constant 0 : i32
          %dma_wait3A_76 = tpu.memref_slice %arg4[%multiple_of3A, %dma_wait3A_75] : memref<160000x64xf32, #tpu.memory_space<hbm>> -> memref<128x64xf32, #tpu.memory_space<hbm>>
          tpu.wait_dma2 semaphore(%arg10 : memref<!tpu.dma_semaphore, #tpu.memory_space<semaphore_mem>>) src(%arg6 : memref<128x64xf32, #tpu.memory_space<vmem>>) dst(%dma_wait3A_76 : memref<128x64xf32, #tpu.memory_space<hbm>>)
        } else {
        }
        %dma_start3A = arith.constant 0 : i32
        %dma_start3A_68 = tpu.memref_slice %arg5[%add3A_32, %dma_start3A] : memref<40x128xi32, #tpu.memory_space<vmem>> -> memref<1x128xi32, #tpu.memory_space<vmem>>
        %dma_start3A_69 = tpu.memref_squeeze %dma_start3A_68 : memref<1x128xi32, #tpu.memory_space<vmem>> -> memref<128xi32, #tpu.memory_space<vmem>>
        %dma_start3A_70 = arith.constant 0 : i32
        %dma_start3A_71 = arith.constant 0 : i32
        %dma_start3A_72 = tpu.memref_slice %arg2[%dma_start3A_70, %dma_start3A_71] : memref<10000x64xf32, #tpu.memory_space<hbm>> -> memref<10000x64xf32, #tpu.memory_space<hbm>>
        tpu.enqueue_indirect_dma source(%dma_start3A_72 : memref<10000x64xf32, #tpu.memory_space<hbm>>) target(%arg6 : memref<128x64xf32, #tpu.memory_space<vmem>>) offsets(%dma_start3A_69 : memref<128xi32, #tpu.memory_space<vmem>>) semaphore(%arg8 : memref<!tpu.dma_semaphore, #tpu.memory_space<semaphore_mem>>)
      } else {
      }
      %mul3A_37 = arith.constant 2 : i32
      %mul3A_38 = arith.muli %mul3A_37, %scan3A_28 : i32
      %add3A_39 = arith.constant 1 : i32
      %add3A_40 = arith.addi %mul3A_38, %add3A_39 : i32
      %lt3A_41 = arith.cmpi slt, %add3A_40, %add3A_8 : i32
      %convert_element_type3A_42 = arith.extui %lt3A_41 : i1 to i32
      %cond3A_43 = arith.constant 0 : i32
      %cond3A_44 = arith.cmpi ne, %convert_element_type3A_42, %cond3A_43 : i32
      scf.if %cond3A_44 {
        %add3A_61 = arith.addi %add3A_4, %add3A_40 : i32
        %mul3A_62 = arith.constant 128 : i32
        %mul3A_63 = arith.muli %add3A_61, %mul3A_62 : i32
        %multiple_of3A = tpu.assume_multiple %mul3A_63, 128 : i32
        %gt3A = arith.constant 0 : i32
        %gt3A_64 = arith.cmpi sgt, %scan3A_28, %gt3A : i32
        %convert_element_type3A_65 = arith.extui %gt3A_64 : i1 to i32
        %cond3A_66 = arith.constant 0 : i32
        %cond3A_67 = arith.cmpi ne, %convert_element_type3A_65, %cond3A_66 : i32
        scf.if %cond3A_67 {
          %dma_wait3A_73 = arith.constant 0 : i32
          %dma_wait3A_74 = tpu.memref_slice %arg4[%multiple_of3A, %dma_wait3A_73] : memref<160000x64xf32, #tpu.memory_space<hbm>> -> memref<128x64xf32, #tpu.memory_space<hbm>>
          %dma_wait3A_75 = arith.constant 0 : i32
          %dma_wait3A_76 = tpu.memref_slice %arg4[%multiple_of3A, %dma_wait3A_75] : memref<160000x64xf32, #tpu.memory_space<hbm>> -> memref<128x64xf32, #tpu.memory_space<hbm>>
          tpu.wait_dma2 semaphore(%arg11 : memref<!tpu.dma_semaphore, #tpu.memory_space<semaphore_mem>>) src(%arg7 : memref<128x64xf32, #tpu.memory_space<vmem>>) dst(%dma_wait3A_76 : memref<128x64xf32, #tpu.memory_space<hbm>>)
        } else {
        }
        %dma_start3A = arith.constant 0 : i32
        %dma_start3A_68 = tpu.memref_slice %arg5[%add3A_40, %dma_start3A] : memref<40x128xi32, #tpu.memory_space<vmem>> -> memref<1x128xi32, #tpu.memory_space<vmem>>
        %dma_start3A_69 = tpu.memref_squeeze %dma_start3A_68 : memref<1x128xi32, #tpu.memory_space<vmem>> -> memref<128xi32, #tpu.memory_space<vmem>>
        %dma_start3A_70 = arith.constant 0 : i32
        %dma_start3A_71 = arith.constant 0 : i32
        %dma_start3A_72 = tpu.memref_slice %arg2[%dma_start3A_70, %dma_start3A_71] : memref<10000x64xf32, #tpu.memory_space<hbm>> -> memref<10000x64xf32, #tpu.memory_space<hbm>>
        tpu.enqueue_indirect_dma source(%dma_start3A_72 : memref<10000x64xf32, #tpu.memory_space<hbm>>) target(%arg7 : memref<128x64xf32, #tpu.memory_space<vmem>>) offsets(%dma_start3A_69 : memref<128xi32, #tpu.memory_space<vmem>>) semaphore(%arg9 : memref<!tpu.dma_semaphore, #tpu.memory_space<semaphore_mem>>)
      } else {
      }
      %mul3A_45 = arith.constant 2 : i32
      %mul3A_46 = arith.muli %mul3A_45, %scan3A_28 : i32
      %add3A_47 = arith.constant 0 : i32
      %add3A_48 = arith.addi %mul3A_46, %add3A_47 : i32
      %lt3A_49 = arith.cmpi slt, %add3A_48, %add3A_8 : i32
      %convert_element_type3A_50 = arith.extui %lt3A_49 : i1 to i32
      %cond3A_51 = arith.constant 0 : i32
      %cond3A_52 = arith.cmpi ne, %convert_element_type3A_50, %cond3A_51 : i32
      scf.if %cond3A_52 {
        %add3A_61 = arith.addi %add3A_4, %add3A_48 : i32
        %mul3A_62 = arith.constant 128 : i32
        %mul3A_63 = arith.muli %add3A_61, %mul3A_62 : i32
        %multiple_of3A = tpu.assume_multiple %mul3A_63, 128 : i32
        %dma_wait3A_64 = arith.constant 0 : i32
        %dma_wait3A_65 = tpu.memref_slice %arg5[%add3A_48, %dma_wait3A_64] : memref<40x128xi32, #tpu.memory_space<vmem>> -> memref<1x128xi32, #tpu.memory_space<vmem>>
        %dma_wait3A_66 = tpu.memref_squeeze %dma_wait3A_65 : memref<1x128xi32, #tpu.memory_space<vmem>> -> memref<128xi32, #tpu.memory_space<vmem>>
        %dma_wait3A_67 = arith.constant 0 : i32
        %dma_wait3A_68 = arith.constant 0 : i32
        %dma_wait3A_69 = tpu.memref_slice %arg2[%dma_wait3A_67, %dma_wait3A_68] : memref<10000x64xf32, #tpu.memory_space<hbm>> -> memref<10000x64xf32, #tpu.memory_space<hbm>>
        tpu.wait_indirect_dma semaphore(%arg8 : memref<!tpu.dma_semaphore, #tpu.memory_space<semaphore_mem>>) src(%dma_wait3A_69 : memref<10000x64xf32, #tpu.memory_space<hbm>>) dst(%arg6 : memref<128x64xf32, #tpu.memory_space<vmem>>)
        %dma_start3A = arith.constant 0 : i32
        %dma_start3A_70 = tpu.memref_slice %arg4[%multiple_of3A, %dma_start3A] : memref<160000x64xf32, #tpu.memory_space<hbm>> -> memref<128x64xf32, #tpu.memory_space<hbm>>
        %dma_start3A_71 = arith.constant 0 : i32
        %dma_start3A_72 = tpu.memref_slice %arg4[%multiple_of3A, %dma_start3A_71] : memref<160000x64xf32, #tpu.memory_space<hbm>> -> memref<128x64xf32, #tpu.memory_space<hbm>>
        tpu.enqueue_dma source(%arg6 : memref<128x64xf32, #tpu.memory_space<vmem>>) target(%dma_start3A_72 : memref<128x64xf32, #tpu.memory_space<hbm>>) target_semaphore(%arg10 : memref<!tpu.dma_semaphore, #tpu.memory_space<semaphore_mem>>)
      } else {
      }
      %mul3A_53 = arith.constant 2 : i32
      %mul3A_54 = arith.muli %mul3A_53, %scan3A_28 : i32
      %add3A_55 = arith.constant 1 : i32
      %add3A_56 = arith.addi %mul3A_54, %add3A_55 : i32
      %lt3A_57 = arith.cmpi slt, %add3A_56, %add3A_8 : i32
      %convert_element_type3A_58 = arith.extui %lt3A_57 : i1 to i32
      %cond3A_59 = arith.constant 0 : i32
      %cond3A_60 = arith.cmpi ne, %convert_element_type3A_58, %cond3A_59 : i32
      scf.if %cond3A_60 {
        %add3A_61 = arith.addi %add3A_4, %add3A_56 : i32
        %mul3A_62 = arith.constant 128 : i32
        %mul3A_63 = arith.muli %add3A_61, %mul3A_62 : i32
        %multiple_of3A = tpu.assume_multiple %mul3A_63, 128 : i32
        %dma_wait3A_64 = arith.constant 0 : i32
        %dma_wait3A_65 = tpu.memref_slice %arg5[%add3A_56, %dma_wait3A_64] : memref<40x128xi32, #tpu.memory_space<vmem>> -> memref<1x128xi32, #tpu.memory_space<vmem>>
        %dma_wait3A_66 = tpu.memref_squeeze %dma_wait3A_65 : memref<1x128xi32, #tpu.memory_space<vmem>> -> memref<128xi32, #tpu.memory_space<vmem>>
        %dma_wait3A_67 = arith.constant 0 : i32
        %dma_wait3A_68 = arith.constant 0 : i32
        %dma_wait3A_69 = tpu.memref_slice %arg2[%dma_wait3A_67, %dma_wait3A_68] : memref<10000x64xf32, #tpu.memory_space<hbm>> -> memref<10000x64xf32, #tpu.memory_space<hbm>>
        tpu.wait_indirect_dma semaphore(%arg9 : memref<!tpu.dma_semaphore, #tpu.memory_space<semaphore_mem>>) src(%dma_wait3A_69 : memref<10000x64xf32, #tpu.memory_space<hbm>>) dst(%arg7 : memref<128x64xf32, #tpu.memory_space<vmem>>)
        %dma_start3A = arith.constant 0 : i32
        %dma_start3A_70 = tpu.memref_slice %arg4[%multiple_of3A, %dma_start3A] : memref<160000x64xf32, #tpu.memory_space<hbm>> -> memref<128x64xf32, #tpu.memory_space<hbm>>
        %dma_start3A_71 = arith.constant 0 : i32
        %dma_start3A_72 = tpu.memref_slice %arg4[%multiple_of3A, %dma_start3A_71] : memref<160000x64xf32, #tpu.memory_space<hbm>> -> memref<128x64xf32, #tpu.memory_space<hbm>>
        tpu.enqueue_dma source(%arg7 : memref<128x64xf32, #tpu.memory_space<vmem>>) target(%dma_start3A_72 : memref<128x64xf32, #tpu.memory_space<hbm>>) target_semaphore(%arg11 : memref<!tpu.dma_semaphore, #tpu.memory_space<semaphore_mem>>)
      } else {
      }
    }
    %scan3A_16 = arith.constant 20 : i32
    %dma_wait3A = arith.constant 0 : i32
    %dma_wait3A_17 = arith.constant 0 : i32
    %dma_wait3A_18 = tpu.memref_slice %arg4[%dma_wait3A, %dma_wait3A_17] : memref<160000x64xf32, #tpu.memory_space<hbm>> -> memref<128x64xf32, #tpu.memory_space<hbm>>
    %dma_wait3A_19 = arith.constant 0 : i32
    %dma_wait3A_20 = arith.constant 0 : i32
    %dma_wait3A_21 = tpu.memref_slice %arg4[%dma_wait3A_19, %dma_wait3A_20] : memref<160000x64xf32, #tpu.memory_space<hbm>> -> memref<128x64xf32, #tpu.memory_space<hbm>>
    tpu.wait_dma2 semaphore(%arg10 : memref<!tpu.dma_semaphore, #tpu.memory_space<semaphore_mem>>) src(%arg6 : memref<128x64xf32, #tpu.memory_space<vmem>>) dst(%dma_wait3A_21 : memref<128x64xf32, #tpu.memory_space<hbm>>)
    %dma_wait3A_22 = arith.constant 0 : i32
    %dma_wait3A_23 = arith.constant 0 : i32
    %dma_wait3A_24 = tpu.memref_slice %arg4[%dma_wait3A_22, %dma_wait3A_23] : memref<160000x64xf32, #tpu.memory_space<hbm>> -> memref<128x64xf32, #tpu.memory_space<hbm>>
    %dma_wait3A_25 = arith.constant 0 : i32
    %dma_wait3A_26 = arith.constant 0 : i32
    %dma_wait3A_27 = tpu.memref_slice %arg4[%dma_wait3A_25, %dma_wait3A_26] : memref<160000x64xf32, #tpu.memory_space<hbm>> -> memref<128x64xf32, #tpu.memory_space<hbm>>
    tpu.wait_dma2 semaphore(%arg11 : memref<!tpu.dma_semaphore, #tpu.memory_space<semaphore_mem>>) src(%arg7 : memref<128x64xf32, #tpu.memory_space<vmem>>) dst(%dma_wait3A_27 : memref<128x64xf32, #tpu.memory_space<hbm>>)
    return
  }
}

#map = affine_map<(d0, d1) -> (0, 0)>
#map1 = affine_map<(d0, d1) -> (0, 0, 0)>
module attributes {stable_mosaic.version = 14 : i64} {
  func.func @sk(%arg0: i32, %arg1: i32, %arg2: memref<160000x64xf32, #tpu.memory_space<hbm>>, %arg3: memref<1250x128xi32, #tpu.memory_space<hbm>>, %arg4: memref<1000x64xf32, #tpu.memory_space<hbm>>, %arg5: memref<2x10000x64xf32, #tpu.memory_space<hbm>>, %arg6: memref<40x128xi32, #tpu.memory_space<vmem>>, %arg7: memref<128x64xf32, #tpu.memory_space<vmem>>, %arg8: memref<128x64xf32, #tpu.memory_space<vmem>>, %arg9: memref<!tpu.dma_semaphore, #tpu.memory_space<semaphore_mem>>, %arg10: memref<!tpu.dma_semaphore, #tpu.memory_space<semaphore_mem>>, %arg11: memref<10000x64xf32, #tpu.memory_space<vmem_shared>>) attributes {dimension_semantics = [#tpu.dimension_semantics<core_parallel>, #tpu.dimension_semantics<subcore_parallel>], iteration_bounds = array<i64: 2, 16>, scalar_prefetch = 0 : i64, scratch_operands = 6 : i64, tpu.core_type = #tpu.core_type<sc_vector_subcore>, window_params = [{transform_indices = #map}, {transform_indices = #map}, {transform_indices = #map}, {transform_indices = #map1}]} {
    %mul3A = arith.constant 2 : i32
    %mul3A_0 = arith.muli %arg1, %mul3A : i32
    %add3A = arith.addi %mul3A_0, %arg0 : i32
    %mul3A_1 = arith.constant 39 : i32
    %mul3A_2 = arith.muli %add3A, %mul3A_1 : i32
    %min3A = arith.constant 2 : i32
    %min3A_3 = arith.minsi %add3A, %min3A : i32
    %add3A_4 = arith.addi %mul3A_2, %min3A_3 : i32
    %lt3A = arith.constant 2 : i32
    %lt3A_5 = arith.cmpi slt, %add3A, %lt3A : i32
    %jit3A = arith.constant 1 : i32
    %jit3A_6 = arith.constant 0 : i32
    %select_n3A = arith.select %lt3A_5, %jit3A, %jit3A_6 : i32
    %add3A_7 = arith.constant 39 : i32
    %add3A_8 = arith.addi %add3A_7, %select_n3A : i32
    %lt3A_9 = arith.constant 10 : i32
    %lt3A_10 = arith.cmpi slt, %arg1, %lt3A_9 : i32
    %convert_element_type3A = arith.extui %lt3A_10 : i1 to i32
    %cond3A = arith.constant 0 : i32
    %cond3A_11 = arith.cmpi ne, %convert_element_type3A, %cond3A : i32
    scf.if %cond3A_11 {
      %mul3A_28 = arith.constant 1000 : i32
      %mul3A_29 = arith.muli %arg1, %mul3A_28 : i32
      %multiple_of3A = tpu.assume_multiple %mul3A_29, 8 : i32
      "tpu.region"() ({
        %run_scoped3A = tpu.sem_alloc : memref<!tpu.dma_semaphore, #tpu.memory_space<semaphore_mem>>
        %dma_start3A = arith.constant 0 : i32
        %dma_start3A_30 = tpu.memref_slice %arg11[%multiple_of3A, %dma_start3A] : memref<10000x64xf32, #tpu.memory_space<vmem_shared>> -> memref<1000x64xf32, #tpu.memory_space<vmem_shared>>
        tpu.enqueue_dma source(%arg4 : memref<1000x64xf32, #tpu.memory_space<hbm>>) target(%dma_start3A_30 : memref<1000x64xf32, #tpu.memory_space<vmem_shared>>) target_semaphore(%run_scoped3A : memref<!tpu.dma_semaphore, #tpu.memory_space<semaphore_mem>>)
        %dma_wait3A = arith.constant 0 : i32
        %dma_wait3A_31 = tpu.memref_slice %arg11[%multiple_of3A, %dma_wait3A] : memref<10000x64xf32, #tpu.memory_space<vmem_shared>> -> memref<1000x64xf32, #tpu.memory_space<vmem_shared>>
        tpu.wait_dma2 semaphore(%run_scoped3A : memref<!tpu.dma_semaphore, #tpu.memory_space<semaphore_mem>>) src(%arg4 : memref<1000x64xf32, #tpu.memory_space<hbm>>) dst(%dma_wait3A_31 : memref<1000x64xf32, #tpu.memory_space<vmem_shared>>)
        tpu.yield
      }) : () -> ()
    } else {
    }
    "tpu.region"() ({
      %run_scoped3A = tpu.sem_alloc : memref<!tpu.dma_semaphore, #tpu.memory_space<semaphore_mem>>
      %dma_start3A = arith.constant 0 : i32
      %dma_start3A_28 = arith.constant 0 : i32
      %dma_start3A_29 = tpu.memref_slice %arg6[%dma_start3A, %dma_start3A_28] : memref<40x128xi32, #tpu.memory_space<vmem>> -> memref<39x128xi32, #tpu.memory_space<vmem>>
      %dma_start3A_30 = arith.constant 0 : i32
      %dma_start3A_31 = tpu.memref_slice %arg3[%add3A_4, %dma_start3A_30] : memref<1250x128xi32, #tpu.memory_space<hbm>> -> memref<39x128xi32, #tpu.memory_space<hbm>>
      %dma_start3A_32 = arith.constant 0 : i32
      %dma_start3A_33 = arith.constant 0 : i32
      %dma_start3A_34 = tpu.memref_slice %arg6[%dma_start3A_32, %dma_start3A_33] : memref<40x128xi32, #tpu.memory_space<vmem>> -> memref<39x128xi32, #tpu.memory_space<vmem>>
      %dma_start3A_35 = arith.constant 0 : i32
      %dma_start3A_36 = tpu.memref_slice %arg3[%add3A_4, %dma_start3A_35] : memref<1250x128xi32, #tpu.memory_space<hbm>> -> memref<39x128xi32, #tpu.memory_space<hbm>>
      tpu.enqueue_dma source(%dma_start3A_36 : memref<39x128xi32, #tpu.memory_space<hbm>>) target(%dma_start3A_34 : memref<39x128xi32, #tpu.memory_space<vmem>>) target_semaphore(%run_scoped3A : memref<!tpu.dma_semaphore, #tpu.memory_space<semaphore_mem>>)
      %dma_wait3A = arith.constant 0 : i32
      %dma_wait3A_37 = arith.constant 0 : i32
      %dma_wait3A_38 = tpu.memref_slice %arg6[%dma_wait3A, %dma_wait3A_37] : memref<40x128xi32, #tpu.memory_space<vmem>> -> memref<39x128xi32, #tpu.memory_space<vmem>>
      %dma_wait3A_39 = arith.constant 0 : i32
      %dma_wait3A_40 = tpu.memref_slice %arg3[%add3A_4, %dma_wait3A_39] : memref<1250x128xi32, #tpu.memory_space<hbm>> -> memref<39x128xi32, #tpu.memory_space<hbm>>
      %dma_wait3A_41 = arith.constant 0 : i32
      %dma_wait3A_42 = arith.constant 0 : i32
      %dma_wait3A_43 = tpu.memref_slice %arg6[%dma_wait3A_41, %dma_wait3A_42] : memref<40x128xi32, #tpu.memory_space<vmem>> -> memref<39x128xi32, #tpu.memory_space<vmem>>
      %dma_wait3A_44 = arith.constant 0 : i32
      %dma_wait3A_45 = tpu.memref_slice %arg3[%add3A_4, %dma_wait3A_44] : memref<1250x128xi32, #tpu.memory_space<hbm>> -> memref<39x128xi32, #tpu.memory_space<hbm>>
      tpu.wait_dma2 semaphore(%run_scoped3A : memref<!tpu.dma_semaphore, #tpu.memory_space<semaphore_mem>>) src(%dma_wait3A_45 : memref<39x128xi32, #tpu.memory_space<hbm>>) dst(%dma_wait3A_43 : memref<39x128xi32, #tpu.memory_space<vmem>>)
      tpu.yield
    }) : () -> ()
    %lt3A_12 = arith.constant 2 : i32
    %lt3A_13 = arith.cmpi slt, %add3A, %lt3A_12 : i32
    %convert_element_type3A_14 = arith.extui %lt3A_13 : i1 to i32
    %cond3A_15 = arith.constant 0 : i32
    %cond3A_16 = arith.cmpi ne, %convert_element_type3A_14, %cond3A_15 : i32
    scf.if %cond3A_16 {
      %add3A_28 = arith.constant 39 : i32
      %add3A_29 = arith.addi %add3A_4, %add3A_28 : i32
      "tpu.region"() ({
        %run_scoped3A = tpu.sem_alloc : memref<!tpu.dma_semaphore, #tpu.memory_space<semaphore_mem>>
        %dma_start3A = arith.constant 39 : i32
        %dma_start3A_30 = arith.constant 0 : i32
        %dma_start3A_31 = tpu.memref_slice %arg6[%dma_start3A, %dma_start3A_30] : memref<40x128xi32, #tpu.memory_space<vmem>> -> memref<1x128xi32, #tpu.memory_space<vmem>>
        %dma_start3A_32 = arith.constant 0 : i32
        %dma_start3A_33 = tpu.memref_slice %arg3[%add3A_29, %dma_start3A_32] : memref<1250x128xi32, #tpu.memory_space<hbm>> -> memref<1x128xi32, #tpu.memory_space<hbm>>
        %dma_start3A_34 = arith.constant 39 : i32
        %dma_start3A_35 = arith.constant 0 : i32
        %dma_start3A_36 = tpu.memref_slice %arg6[%dma_start3A_34, %dma_start3A_35] : memref<40x128xi32, #tpu.memory_space<vmem>> -> memref<1x128xi32, #tpu.memory_space<vmem>>
        %dma_start3A_37 = arith.constant 0 : i32
        %dma_start3A_38 = tpu.memref_slice %arg3[%add3A_29, %dma_start3A_37] : memref<1250x128xi32, #tpu.memory_space<hbm>> -> memref<1x128xi32, #tpu.memory_space<hbm>>
        tpu.enqueue_dma source(%dma_start3A_38 : memref<1x128xi32, #tpu.memory_space<hbm>>) target(%dma_start3A_36 : memref<1x128xi32, #tpu.memory_space<vmem>>) target_semaphore(%run_scoped3A : memref<!tpu.dma_semaphore, #tpu.memory_space<semaphore_mem>>)
        %dma_wait3A = arith.constant 39 : i32
        %dma_wait3A_39 = arith.constant 0 : i32
        %dma_wait3A_40 = tpu.memref_slice %arg6[%dma_wait3A, %dma_wait3A_39] : memref<40x128xi32, #tpu.memory_space<vmem>> -> memref<1x128xi32, #tpu.memory_space<vmem>>
        %dma_wait3A_41 = arith.constant 0 : i32
        %dma_wait3A_42 = tpu.memref_slice %arg3[%add3A_29, %dma_wait3A_41] : memref<1250x128xi32, #tpu.memory_space<hbm>> -> memref<1x128xi32, #tpu.memory_space<hbm>>
        %dma_wait3A_43 = arith.constant 39 : i32
        %dma_wait3A_44 = arith.constant 0 : i32
        %dma_wait3A_45 = tpu.memref_slice %arg6[%dma_wait3A_43, %dma_wait3A_44] : memref<40x128xi32, #tpu.memory_space<vmem>> -> memref<1x128xi32, #tpu.memory_space<vmem>>
        %dma_wait3A_46 = arith.constant 0 : i32
        %dma_wait3A_47 = tpu.memref_slice %arg3[%add3A_29, %dma_wait3A_46] : memref<1250x128xi32, #tpu.memory_space<hbm>> -> memref<1x128xi32, #tpu.memory_space<hbm>>
        tpu.wait_dma2 semaphore(%run_scoped3A : memref<!tpu.dma_semaphore, #tpu.memory_space<semaphore_mem>>) src(%dma_wait3A_47 : memref<1x128xi32, #tpu.memory_space<hbm>>) dst(%dma_wait3A_45 : memref<1x128xi32, #tpu.memory_space<vmem>>)
        tpu.yield
      }) : () -> ()
    } else {
    }
    %barrier3A = arith.constant 0 : index
    tpu.barrier barrier_id(%barrier3A)
    %scan3A = arith.constant 0 : i32
    %scan3A_17 = arith.constant 0 : i32
    %scan3A_18 = arith.constant 20 : i32
    %scan3A_19 = arith.addi %scan3A_17, %scan3A_18 : i32
    %scan3A_20 = arith.constant 1 : i32
    scf.for %scan3A_28 = %scan3A_17 to %scan3A_19 step %scan3A_20  : i32 {
      %mul3A_29 = arith.constant 2 : i32
      %mul3A_30 = arith.muli %mul3A_29, %scan3A_28 : i32
      %add3A_31 = arith.constant 0 : i32
      %add3A_32 = arith.addi %mul3A_30, %add3A_31 : i32
      %lt3A_33 = arith.cmpi slt, %add3A_32, %add3A_8 : i32
      %convert_element_type3A_34 = arith.extui %lt3A_33 : i1 to i32
      %cond3A_35 = arith.constant 0 : i32
      %cond3A_36 = arith.cmpi ne, %convert_element_type3A_34, %cond3A_35 : i32
      scf.if %cond3A_36 {
        %add3A_61 = arith.addi %add3A_4, %add3A_32 : i32
        %mul3A_62 = arith.constant 128 : i32
        %mul3A_63 = arith.muli %add3A_61, %mul3A_62 : i32
        %multiple_of3A = tpu.assume_multiple %mul3A_63, 128 : i32
        %dma_start3A = arith.constant 0 : i32
        %dma_start3A_64 = tpu.memref_slice %arg2[%multiple_of3A, %dma_start3A] : memref<160000x64xf32, #tpu.memory_space<hbm>> -> memref<128x64xf32, #tpu.memory_space<hbm>>
        %dma_start3A_65 = arith.constant 0 : i32
        %dma_start3A_66 = tpu.memref_slice %arg2[%multiple_of3A, %dma_start3A_65] : memref<160000x64xf32, #tpu.memory_space<hbm>> -> memref<128x64xf32, #tpu.memory_space<hbm>>
        tpu.enqueue_dma source(%dma_start3A_66 : memref<128x64xf32, #tpu.memory_space<hbm>>) target(%arg7 : memref<128x64xf32, #tpu.memory_space<vmem>>) target_semaphore(%arg9 : memref<!tpu.dma_semaphore, #tpu.memory_space<semaphore_mem>>)
      } else {
      }
      %mul3A_37 = arith.constant 2 : i32
      %mul3A_38 = arith.muli %mul3A_37, %scan3A_28 : i32
      %add3A_39 = arith.constant 1 : i32
      %add3A_40 = arith.addi %mul3A_38, %add3A_39 : i32
      %lt3A_41 = arith.cmpi slt, %add3A_40, %add3A_8 : i32
      %convert_element_type3A_42 = arith.extui %lt3A_41 : i1 to i32
      %cond3A_43 = arith.constant 0 : i32
      %cond3A_44 = arith.cmpi ne, %convert_element_type3A_42, %cond3A_43 : i32
      scf.if %cond3A_44 {
        %add3A_61 = arith.addi %add3A_4, %add3A_40 : i32
        %mul3A_62 = arith.constant 128 : i32
        %mul3A_63 = arith.muli %add3A_61, %mul3A_62 : i32
        %multiple_of3A = tpu.assume_multiple %mul3A_63, 128 : i32
        %dma_start3A = arith.constant 0 : i32
        %dma_start3A_64 = tpu.memref_slice %arg2[%multiple_of3A, %dma_start3A] : memref<160000x64xf32, #tpu.memory_space<hbm>> -> memref<128x64xf32, #tpu.memory_space<hbm>>
        %dma_start3A_65 = arith.constant 0 : i32
        %dma_start3A_66 = tpu.memref_slice %arg2[%multiple_of3A, %dma_start3A_65] : memref<160000x64xf32, #tpu.memory_space<hbm>> -> memref<128x64xf32, #tpu.memory_space<hbm>>
        tpu.enqueue_dma source(%dma_start3A_66 : memref<128x64xf32, #tpu.memory_space<hbm>>) target(%arg8 : memref<128x64xf32, #tpu.memory_space<vmem>>) target_semaphore(%arg10 : memref<!tpu.dma_semaphore, #tpu.memory_space<semaphore_mem>>)
      } else {
      }
      %mul3A_45 = arith.constant 2 : i32
      %mul3A_46 = arith.muli %mul3A_45, %scan3A_28 : i32
      %add3A_47 = arith.constant 0 : i32
      %add3A_48 = arith.addi %mul3A_46, %add3A_47 : i32
      %lt3A_49 = arith.cmpi slt, %add3A_48, %add3A_8 : i32
      %convert_element_type3A_50 = arith.extui %lt3A_49 : i1 to i32
      %cond3A_51 = arith.constant 0 : i32
      %cond3A_52 = arith.cmpi ne, %convert_element_type3A_50, %cond3A_51 : i32
      scf.if %cond3A_52 {
        %add3A_61 = arith.addi %add3A_4, %add3A_48 : i32
        %mul3A_62 = arith.constant 128 : i32
        %mul3A_63 = arith.muli %add3A_61, %mul3A_62 : i32
        %multiple_of3A = tpu.assume_multiple %mul3A_63, 128 : i32
        %dma_wait3A = arith.constant 0 : i32
        %dma_wait3A_64 = tpu.memref_slice %arg2[%multiple_of3A, %dma_wait3A] : memref<160000x64xf32, #tpu.memory_space<hbm>> -> memref<128x64xf32, #tpu.memory_space<hbm>>
        %dma_wait3A_65 = arith.constant 0 : i32
        %dma_wait3A_66 = tpu.memref_slice %arg2[%multiple_of3A, %dma_wait3A_65] : memref<160000x64xf32, #tpu.memory_space<hbm>> -> memref<128x64xf32, #tpu.memory_space<hbm>>
        tpu.wait_dma2 semaphore(%arg9 : memref<!tpu.dma_semaphore, #tpu.memory_space<semaphore_mem>>) src(%dma_wait3A_66 : memref<128x64xf32, #tpu.memory_space<hbm>>) dst(%arg7 : memref<128x64xf32, #tpu.memory_space<vmem>>)
        "tpu.region"() ({
          %run_scoped3A = tpu.sem_alloc : memref<!tpu.dma_semaphore, #tpu.memory_space<semaphore_mem>>
          %dma_start3A = arith.constant 0 : i32
          %dma_start3A_67 = tpu.memref_slice %arg6[%add3A_48, %dma_start3A] : memref<40x128xi32, #tpu.memory_space<vmem>> -> memref<1x128xi32, #tpu.memory_space<vmem>>
          %dma_start3A_68 = tpu.memref_squeeze %dma_start3A_67 : memref<1x128xi32, #tpu.memory_space<vmem>> -> memref<128xi32, #tpu.memory_space<vmem>>
          %dma_start3A_69 = arith.constant 0 : i32
          %dma_start3A_70 = arith.constant 0 : i32
          %dma_start3A_71 = tpu.memref_slice %arg11[%dma_start3A_69, %dma_start3A_70] : memref<10000x64xf32, #tpu.memory_space<vmem_shared>> -> memref<10000x64xf32, #tpu.memory_space<vmem_shared>>
          tpu.enqueue_indirect_dma source(%arg7 : memref<128x64xf32, #tpu.memory_space<vmem>>) target(%dma_start3A_71 : memref<10000x64xf32, #tpu.memory_space<vmem_shared>>) offsets(%dma_start3A_68 : memref<128xi32, #tpu.memory_space<vmem>>) semaphore(%run_scoped3A : memref<!tpu.dma_semaphore, #tpu.memory_space<semaphore_mem>>) {add = true}
          %dma_wait3A_72 = arith.constant 0 : i32
          %dma_wait3A_73 = tpu.memref_slice %arg6[%add3A_48, %dma_wait3A_72] : memref<40x128xi32, #tpu.memory_space<vmem>> -> memref<1x128xi32, #tpu.memory_space<vmem>>
          %dma_wait3A_74 = tpu.memref_squeeze %dma_wait3A_73 : memref<1x128xi32, #tpu.memory_space<vmem>> -> memref<128xi32, #tpu.memory_space<vmem>>
          %dma_wait3A_75 = arith.constant 0 : i32
          %dma_wait3A_76 = arith.constant 0 : i32
          %dma_wait3A_77 = tpu.memref_slice %arg11[%dma_wait3A_75, %dma_wait3A_76] : memref<10000x64xf32, #tpu.memory_space<vmem_shared>> -> memref<10000x64xf32, #tpu.memory_space<vmem_shared>>
          tpu.wait_indirect_dma semaphore(%run_scoped3A : memref<!tpu.dma_semaphore, #tpu.memory_space<semaphore_mem>>) src(%arg7 : memref<128x64xf32, #tpu.memory_space<vmem>>) dst(%dma_wait3A_77 : memref<10000x64xf32, #tpu.memory_space<vmem_shared>>)
          tpu.yield
        }) : () -> ()
      } else {
      }
      %mul3A_53 = arith.constant 2 : i32
      %mul3A_54 = arith.muli %mul3A_53, %scan3A_28 : i32
      %add3A_55 = arith.constant 1 : i32
      %add3A_56 = arith.addi %mul3A_54, %add3A_55 : i32
      %lt3A_57 = arith.cmpi slt, %add3A_56, %add3A_8 : i32
      %convert_element_type3A_58 = arith.extui %lt3A_57 : i1 to i32
      %cond3A_59 = arith.constant 0 : i32
      %cond3A_60 = arith.cmpi ne, %convert_element_type3A_58, %cond3A_59 : i32
      scf.if %cond3A_60 {
        %add3A_61 = arith.addi %add3A_4, %add3A_56 : i32
        %mul3A_62 = arith.constant 128 : i32
        %mul3A_63 = arith.muli %add3A_61, %mul3A_62 : i32
        %multiple_of3A = tpu.assume_multiple %mul3A_63, 128 : i32
        %dma_wait3A = arith.constant 0 : i32
        %dma_wait3A_64 = tpu.memref_slice %arg2[%multiple_of3A, %dma_wait3A] : memref<160000x64xf32, #tpu.memory_space<hbm>> -> memref<128x64xf32, #tpu.memory_space<hbm>>
        %dma_wait3A_65 = arith.constant 0 : i32
        %dma_wait3A_66 = tpu.memref_slice %arg2[%multiple_of3A, %dma_wait3A_65] : memref<160000x64xf32, #tpu.memory_space<hbm>> -> memref<128x64xf32, #tpu.memory_space<hbm>>
        tpu.wait_dma2 semaphore(%arg10 : memref<!tpu.dma_semaphore, #tpu.memory_space<semaphore_mem>>) src(%dma_wait3A_66 : memref<128x64xf32, #tpu.memory_space<hbm>>) dst(%arg8 : memref<128x64xf32, #tpu.memory_space<vmem>>)
        "tpu.region"() ({
          %run_scoped3A = tpu.sem_alloc : memref<!tpu.dma_semaphore, #tpu.memory_space<semaphore_mem>>
          %dma_start3A = arith.constant 0 : i32
          %dma_start3A_67 = tpu.memref_slice %arg6[%add3A_56, %dma_start3A] : memref<40x128xi32, #tpu.memory_space<vmem>> -> memref<1x128xi32, #tpu.memory_space<vmem>>
          %dma_start3A_68 = tpu.memref_squeeze %dma_start3A_67 : memref<1x128xi32, #tpu.memory_space<vmem>> -> memref<128xi32, #tpu.memory_space<vmem>>
          %dma_start3A_69 = arith.constant 0 : i32
          %dma_start3A_70 = arith.constant 0 : i32
          %dma_start3A_71 = tpu.memref_slice %arg11[%dma_start3A_69, %dma_start3A_70] : memref<10000x64xf32, #tpu.memory_space<vmem_shared>> -> memref<10000x64xf32, #tpu.memory_space<vmem_shared>>
          tpu.enqueue_indirect_dma source(%arg8 : memref<128x64xf32, #tpu.memory_space<vmem>>) target(%dma_start3A_71 : memref<10000x64xf32, #tpu.memory_space<vmem_shared>>) offsets(%dma_start3A_68 : memref<128xi32, #tpu.memory_space<vmem>>) semaphore(%run_scoped3A : memref<!tpu.dma_semaphore, #tpu.memory_space<semaphore_mem>>) {add = true}
          %dma_wait3A_72 = arith.constant 0 : i32
          %dma_wait3A_73 = tpu.memref_slice %arg6[%add3A_56, %dma_wait3A_72] : memref<40x128xi32, #tpu.memory_space<vmem>> -> memref<1x128xi32, #tpu.memory_space<vmem>>
          %dma_wait3A_74 = tpu.memref_squeeze %dma_wait3A_73 : memref<1x128xi32, #tpu.memory_space<vmem>> -> memref<128xi32, #tpu.memory_space<vmem>>
          %dma_wait3A_75 = arith.constant 0 : i32
          %dma_wait3A_76 = arith.constant 0 : i32
          %dma_wait3A_77 = tpu.memref_slice %arg11[%dma_wait3A_75, %dma_wait3A_76] : memref<10000x64xf32, #tpu.memory_space<vmem_shared>> -> memref<10000x64xf32, #tpu.memory_space<vmem_shared>>
          tpu.wait_indirect_dma semaphore(%run_scoped3A : memref<!tpu.dma_semaphore, #tpu.memory_space<semaphore_mem>>) src(%arg8 : memref<128x64xf32, #tpu.memory_space<vmem>>) dst(%dma_wait3A_77 : memref<10000x64xf32, #tpu.memory_space<vmem_shared>>)
          tpu.yield
        }) : () -> ()
      } else {
      }
    }
    %scan3A_21 = arith.constant 20 : i32
    %barrier3A_22 = arith.constant 0 : index
    tpu.barrier barrier_id(%barrier3A_22)
    %lt3A_23 = arith.constant 10 : i32
    %lt3A_24 = arith.cmpi slt, %arg1, %lt3A_23 : i32
    %convert_element_type3A_25 = arith.extui %lt3A_24 : i1 to i32
    %cond3A_26 = arith.constant 0 : i32
    %cond3A_27 = arith.cmpi ne, %convert_element_type3A_25, %cond3A_26 : i32
    scf.if %cond3A_27 {
      %mul3A_28 = arith.constant 1000 : i32
      %mul3A_29 = arith.muli %arg1, %mul3A_28 : i32
      %multiple_of3A = tpu.assume_multiple %mul3A_29, 8 : i32
      "tpu.region"() ({
        %run_scoped3A = tpu.sem_alloc : memref<!tpu.dma_semaphore, #tpu.memory_space<semaphore_mem>>
        %dma_start3A = arith.constant 0 : i32
        %dma_start3A_30 = tpu.memref_slice %arg5[%arg0, %multiple_of3A, %dma_start3A] : memref<2x10000x64xf32, #tpu.memory_space<hbm>> -> memref<1x1000x64xf32, #tpu.memory_space<hbm>>
        %dma_start3A_31 = tpu.memref_squeeze %dma_start3A_30 : memref<1x1000x64xf32, #tpu.memory_space<hbm>> -> memref<1000x64xf32, #tpu.memory_space<hbm>>
        %dma_start3A_32 = arith.constant 0 : i32
        %dma_start3A_33 = tpu.memref_slice %arg11[%multiple_of3A, %dma_start3A_32] : memref<10000x64xf32, #tpu.memory_space<vmem_shared>> -> memref<1000x64xf32, #tpu.memory_space<vmem_shared>>
        tpu.enqueue_dma source(%dma_start3A_33 : memref<1000x64xf32, #tpu.memory_space<vmem_shared>>) target(%dma_start3A_31 : memref<1000x64xf32, #tpu.memory_space<hbm>>) target_semaphore(%run_scoped3A : memref<!tpu.dma_semaphore, #tpu.memory_space<semaphore_mem>>)
        %dma_wait3A = arith.constant 0 : i32
        %dma_wait3A_34 = tpu.memref_slice %arg5[%arg0, %multiple_of3A, %dma_wait3A] : memref<2x10000x64xf32, #tpu.memory_space<hbm>> -> memref<1x1000x64xf32, #tpu.memory_space<hbm>>
        %dma_wait3A_35 = tpu.memref_squeeze %dma_wait3A_34 : memref<1x1000x64xf32, #tpu.memory_space<hbm>> -> memref<1000x64xf32, #tpu.memory_space<hbm>>
        %dma_wait3A_36 = arith.constant 0 : i32
        %dma_wait3A_37 = tpu.memref_slice %arg11[%multiple_of3A, %dma_wait3A_36] : memref<10000x64xf32, #tpu.memory_space<vmem_shared>> -> memref<1000x64xf32, #tpu.memory_space<vmem_shared>>
        tpu.wait_dma2 semaphore(%run_scoped3A : memref<!tpu.dma_semaphore, #tpu.memory_space<semaphore_mem>>) src(%dma_wait3A_37 : memref<1000x64xf32, #tpu.memory_space<vmem_shared>>) dst(%dma_wait3A_35 : memref<1000x64xf32, #tpu.memory_space<hbm>>)
        tpu.yield
      }) : () -> ()
    } else {
    }
    return
  }
}

#map = affine_map<(d0, d1) -> (0, 0)>
#map1 = affine_map<(d0, d1) -> (0, 0, 0)>
module attributes {stable_mosaic.version = 14 : i64} {
  func.func @sk(%arg0: i32, %arg1: i32, %arg2: memref<160000x64xf32, #tpu.memory_space<hbm>>, %arg3: memref<1250x128xi32, #tpu.memory_space<hbm>>, %arg4: memref<1000x64xf32, #tpu.memory_space<hbm>>, %arg5: memref<2x10000x64xf32, #tpu.memory_space<hbm>>, %arg6: memref<40x128xi32, #tpu.memory_space<vmem>>, %arg7: memref<128x64xf32, #tpu.memory_space<vmem>>, %arg8: memref<128x64xf32, #tpu.memory_space<vmem>>, %arg9: memref<!tpu.dma_semaphore, #tpu.memory_space<semaphore_mem>>, %arg10: memref<!tpu.dma_semaphore, #tpu.memory_space<semaphore_mem>>, %arg11: memref<10000x64xf32, #tpu.memory_space<vmem_shared>>) attributes {dimension_semantics = [#tpu.dimension_semantics<core_parallel>, #tpu.dimension_semantics<subcore_parallel>], iteration_bounds = array<i64: 2, 16>, scalar_prefetch = 0 : i64, scratch_operands = 6 : i64, tpu.core_type = #tpu.core_type<sc_vector_subcore>, window_params = [{transform_indices = #map}, {transform_indices = #map}, {transform_indices = #map}, {transform_indices = #map1}]} {
    %mul3A = arith.constant 2 : i32
    %mul3A_0 = arith.muli %arg1, %mul3A : i32
    %add3A = arith.addi %mul3A_0, %arg0 : i32
    %mul3A_1 = arith.constant 39 : i32
    %mul3A_2 = arith.muli %add3A, %mul3A_1 : i32
    %min3A = arith.constant 2 : i32
    %min3A_3 = arith.minsi %add3A, %min3A : i32
    %add3A_4 = arith.addi %mul3A_2, %min3A_3 : i32
    %lt3A = arith.constant 2 : i32
    %lt3A_5 = arith.cmpi slt, %add3A, %lt3A : i32
    %jit3A = arith.constant 1 : i32
    %jit3A_6 = arith.constant 0 : i32
    %select_n3A = arith.select %lt3A_5, %jit3A, %jit3A_6 : i32
    %add3A_7 = arith.constant 39 : i32
    %add3A_8 = arith.addi %add3A_7, %select_n3A : i32
    %lt3A_9 = arith.constant 10 : i32
    %lt3A_10 = arith.cmpi slt, %arg1, %lt3A_9 : i32
    %convert_element_type3A = arith.extui %lt3A_10 : i1 to i32
    %cond3A = arith.constant 0 : i32
    %cond3A_11 = arith.cmpi ne, %convert_element_type3A, %cond3A : i32
    scf.if %cond3A_11 {
      %mul3A_28 = arith.constant 1000 : i32
      %mul3A_29 = arith.muli %arg1, %mul3A_28 : i32
      %multiple_of3A = tpu.assume_multiple %mul3A_29, 8 : i32
      "tpu.region"() ({
        %run_scoped3A = tpu.sem_alloc : memref<!tpu.dma_semaphore, #tpu.memory_space<semaphore_mem>>
        %dma_start3A = arith.constant 0 : i32
        %dma_start3A_30 = tpu.memref_slice %arg11[%multiple_of3A, %dma_start3A] : memref<10000x64xf32, #tpu.memory_space<vmem_shared>> -> memref<1000x64xf32, #tpu.memory_space<vmem_shared>>
        tpu.enqueue_dma source(%arg4 : memref<1000x64xf32, #tpu.memory_space<hbm>>) target(%dma_start3A_30 : memref<1000x64xf32, #tpu.memory_space<vmem_shared>>) target_semaphore(%run_scoped3A : memref<!tpu.dma_semaphore, #tpu.memory_space<semaphore_mem>>)
        %dma_wait3A = arith.constant 0 : i32
        %dma_wait3A_31 = tpu.memref_slice %arg11[%multiple_of3A, %dma_wait3A] : memref<10000x64xf32, #tpu.memory_space<vmem_shared>> -> memref<1000x64xf32, #tpu.memory_space<vmem_shared>>
        tpu.wait_dma2 semaphore(%run_scoped3A : memref<!tpu.dma_semaphore, #tpu.memory_space<semaphore_mem>>) src(%arg4 : memref<1000x64xf32, #tpu.memory_space<hbm>>) dst(%dma_wait3A_31 : memref<1000x64xf32, #tpu.memory_space<vmem_shared>>)
        tpu.yield
      }) : () -> ()
    } else {
    }
    "tpu.region"() ({
      %run_scoped3A = tpu.sem_alloc : memref<!tpu.dma_semaphore, #tpu.memory_space<semaphore_mem>>
      %dma_start3A = arith.constant 0 : i32
      %dma_start3A_28 = arith.constant 0 : i32
      %dma_start3A_29 = tpu.memref_slice %arg6[%dma_start3A, %dma_start3A_28] : memref<40x128xi32, #tpu.memory_space<vmem>> -> memref<39x128xi32, #tpu.memory_space<vmem>>
      %dma_start3A_30 = arith.constant 0 : i32
      %dma_start3A_31 = tpu.memref_slice %arg3[%add3A_4, %dma_start3A_30] : memref<1250x128xi32, #tpu.memory_space<hbm>> -> memref<39x128xi32, #tpu.memory_space<hbm>>
      %dma_start3A_32 = arith.constant 0 : i32
      %dma_start3A_33 = arith.constant 0 : i32
      %dma_start3A_34 = tpu.memref_slice %arg6[%dma_start3A_32, %dma_start3A_33] : memref<40x128xi32, #tpu.memory_space<vmem>> -> memref<39x128xi32, #tpu.memory_space<vmem>>
      %dma_start3A_35 = arith.constant 0 : i32
      %dma_start3A_36 = tpu.memref_slice %arg3[%add3A_4, %dma_start3A_35] : memref<1250x128xi32, #tpu.memory_space<hbm>> -> memref<39x128xi32, #tpu.memory_space<hbm>>
      tpu.enqueue_dma source(%dma_start3A_36 : memref<39x128xi32, #tpu.memory_space<hbm>>) target(%dma_start3A_34 : memref<39x128xi32, #tpu.memory_space<vmem>>) target_semaphore(%run_scoped3A : memref<!tpu.dma_semaphore, #tpu.memory_space<semaphore_mem>>)
      %dma_wait3A = arith.constant 0 : i32
      %dma_wait3A_37 = arith.constant 0 : i32
      %dma_wait3A_38 = tpu.memref_slice %arg6[%dma_wait3A, %dma_wait3A_37] : memref<40x128xi32, #tpu.memory_space<vmem>> -> memref<39x128xi32, #tpu.memory_space<vmem>>
      %dma_wait3A_39 = arith.constant 0 : i32
      %dma_wait3A_40 = tpu.memref_slice %arg3[%add3A_4, %dma_wait3A_39] : memref<1250x128xi32, #tpu.memory_space<hbm>> -> memref<39x128xi32, #tpu.memory_space<hbm>>
      %dma_wait3A_41 = arith.constant 0 : i32
      %dma_wait3A_42 = arith.constant 0 : i32
      %dma_wait3A_43 = tpu.memref_slice %arg6[%dma_wait3A_41, %dma_wait3A_42] : memref<40x128xi32, #tpu.memory_space<vmem>> -> memref<39x128xi32, #tpu.memory_space<vmem>>
      %dma_wait3A_44 = arith.constant 0 : i32
      %dma_wait3A_45 = tpu.memref_slice %arg3[%add3A_4, %dma_wait3A_44] : memref<1250x128xi32, #tpu.memory_space<hbm>> -> memref<39x128xi32, #tpu.memory_space<hbm>>
      tpu.wait_dma2 semaphore(%run_scoped3A : memref<!tpu.dma_semaphore, #tpu.memory_space<semaphore_mem>>) src(%dma_wait3A_45 : memref<39x128xi32, #tpu.memory_space<hbm>>) dst(%dma_wait3A_43 : memref<39x128xi32, #tpu.memory_space<vmem>>)
      tpu.yield
    }) : () -> ()
    %lt3A_12 = arith.constant 2 : i32
    %lt3A_13 = arith.cmpi slt, %add3A, %lt3A_12 : i32
    %convert_element_type3A_14 = arith.extui %lt3A_13 : i1 to i32
    %cond3A_15 = arith.constant 0 : i32
    %cond3A_16 = arith.cmpi ne, %convert_element_type3A_14, %cond3A_15 : i32
    scf.if %cond3A_16 {
      %add3A_28 = arith.constant 39 : i32
      %add3A_29 = arith.addi %add3A_4, %add3A_28 : i32
      "tpu.region"() ({
        %run_scoped3A = tpu.sem_alloc : memref<!tpu.dma_semaphore, #tpu.memory_space<semaphore_mem>>
        %dma_start3A = arith.constant 39 : i32
        %dma_start3A_30 = arith.constant 0 : i32
        %dma_start3A_31 = tpu.memref_slice %arg6[%dma_start3A, %dma_start3A_30] : memref<40x128xi32, #tpu.memory_space<vmem>> -> memref<1x128xi32, #tpu.memory_space<vmem>>
        %dma_start3A_32 = arith.constant 0 : i32
        %dma_start3A_33 = tpu.memref_slice %arg3[%add3A_29, %dma_start3A_32] : memref<1250x128xi32, #tpu.memory_space<hbm>> -> memref<1x128xi32, #tpu.memory_space<hbm>>
        %dma_start3A_34 = arith.constant 39 : i32
        %dma_start3A_35 = arith.constant 0 : i32
        %dma_start3A_36 = tpu.memref_slice %arg6[%dma_start3A_34, %dma_start3A_35] : memref<40x128xi32, #tpu.memory_space<vmem>> -> memref<1x128xi32, #tpu.memory_space<vmem>>
        %dma_start3A_37 = arith.constant 0 : i32
        %dma_start3A_38 = tpu.memref_slice %arg3[%add3A_29, %dma_start3A_37] : memref<1250x128xi32, #tpu.memory_space<hbm>> -> memref<1x128xi32, #tpu.memory_space<hbm>>
        tpu.enqueue_dma source(%dma_start3A_38 : memref<1x128xi32, #tpu.memory_space<hbm>>) target(%dma_start3A_36 : memref<1x128xi32, #tpu.memory_space<vmem>>) target_semaphore(%run_scoped3A : memref<!tpu.dma_semaphore, #tpu.memory_space<semaphore_mem>>)
        %dma_wait3A = arith.constant 39 : i32
        %dma_wait3A_39 = arith.constant 0 : i32
        %dma_wait3A_40 = tpu.memref_slice %arg6[%dma_wait3A, %dma_wait3A_39] : memref<40x128xi32, #tpu.memory_space<vmem>> -> memref<1x128xi32, #tpu.memory_space<vmem>>
        %dma_wait3A_41 = arith.constant 0 : i32
        %dma_wait3A_42 = tpu.memref_slice %arg3[%add3A_29, %dma_wait3A_41] : memref<1250x128xi32, #tpu.memory_space<hbm>> -> memref<1x128xi32, #tpu.memory_space<hbm>>
        %dma_wait3A_43 = arith.constant 39 : i32
        %dma_wait3A_44 = arith.constant 0 : i32
        %dma_wait3A_45 = tpu.memref_slice %arg6[%dma_wait3A_43, %dma_wait3A_44] : memref<40x128xi32, #tpu.memory_space<vmem>> -> memref<1x128xi32, #tpu.memory_space<vmem>>
        %dma_wait3A_46 = arith.constant 0 : i32
        %dma_wait3A_47 = tpu.memref_slice %arg3[%add3A_29, %dma_wait3A_46] : memref<1250x128xi32, #tpu.memory_space<hbm>> -> memref<1x128xi32, #tpu.memory_space<hbm>>
        tpu.wait_dma2 semaphore(%run_scoped3A : memref<!tpu.dma_semaphore, #tpu.memory_space<semaphore_mem>>) src(%dma_wait3A_47 : memref<1x128xi32, #tpu.memory_space<hbm>>) dst(%dma_wait3A_45 : memref<1x128xi32, #tpu.memory_space<vmem>>)
        tpu.yield
      }) : () -> ()
    } else {
    }
    %barrier3A = arith.constant 0 : index
    tpu.barrier barrier_id(%barrier3A)
    %scan3A = arith.constant 0 : i32
    %scan3A_17 = arith.constant 0 : i32
    %scan3A_18 = arith.constant 20 : i32
    %scan3A_19 = arith.addi %scan3A_17, %scan3A_18 : i32
    %scan3A_20 = arith.constant 1 : i32
    scf.for %scan3A_28 = %scan3A_17 to %scan3A_19 step %scan3A_20  : i32 {
      %mul3A_29 = arith.constant 2 : i32
      %mul3A_30 = arith.muli %mul3A_29, %scan3A_28 : i32
      %add3A_31 = arith.constant 0 : i32
      %add3A_32 = arith.addi %mul3A_30, %add3A_31 : i32
      %lt3A_33 = arith.cmpi slt, %add3A_32, %add3A_8 : i32
      %convert_element_type3A_34 = arith.extui %lt3A_33 : i1 to i32
      %cond3A_35 = arith.constant 0 : i32
      %cond3A_36 = arith.cmpi ne, %convert_element_type3A_34, %cond3A_35 : i32
      scf.if %cond3A_36 {
        %add3A_61 = arith.addi %add3A_4, %add3A_32 : i32
        %mul3A_62 = arith.constant 128 : i32
        %mul3A_63 = arith.muli %add3A_61, %mul3A_62 : i32
        %multiple_of3A = tpu.assume_multiple %mul3A_63, 128 : i32
        %dma_start3A = arith.constant 0 : i32
        %dma_start3A_64 = tpu.memref_slice %arg2[%multiple_of3A, %dma_start3A] : memref<160000x64xf32, #tpu.memory_space<hbm>> -> memref<128x64xf32, #tpu.memory_space<hbm>>
        %dma_start3A_65 = arith.constant 0 : i32
        %dma_start3A_66 = tpu.memref_slice %arg2[%multiple_of3A, %dma_start3A_65] : memref<160000x64xf32, #tpu.memory_space<hbm>> -> memref<128x64xf32, #tpu.memory_space<hbm>>
        tpu.enqueue_dma source(%dma_start3A_66 : memref<128x64xf32, #tpu.memory_space<hbm>>) target(%arg7 : memref<128x64xf32, #tpu.memory_space<vmem>>) target_semaphore(%arg9 : memref<!tpu.dma_semaphore, #tpu.memory_space<semaphore_mem>>)
      } else {
      }
      %mul3A_37 = arith.constant 2 : i32
      %mul3A_38 = arith.muli %mul3A_37, %scan3A_28 : i32
      %add3A_39 = arith.constant 1 : i32
      %add3A_40 = arith.addi %mul3A_38, %add3A_39 : i32
      %lt3A_41 = arith.cmpi slt, %add3A_40, %add3A_8 : i32
      %convert_element_type3A_42 = arith.extui %lt3A_41 : i1 to i32
      %cond3A_43 = arith.constant 0 : i32
      %cond3A_44 = arith.cmpi ne, %convert_element_type3A_42, %cond3A_43 : i32
      scf.if %cond3A_44 {
        %add3A_61 = arith.addi %add3A_4, %add3A_40 : i32
        %mul3A_62 = arith.constant 128 : i32
        %mul3A_63 = arith.muli %add3A_61, %mul3A_62 : i32
        %multiple_of3A = tpu.assume_multiple %mul3A_63, 128 : i32
        %dma_start3A = arith.constant 0 : i32
        %dma_start3A_64 = tpu.memref_slice %arg2[%multiple_of3A, %dma_start3A] : memref<160000x64xf32, #tpu.memory_space<hbm>> -> memref<128x64xf32, #tpu.memory_space<hbm>>
        %dma_start3A_65 = arith.constant 0 : i32
        %dma_start3A_66 = tpu.memref_slice %arg2[%multiple_of3A, %dma_start3A_65] : memref<160000x64xf32, #tpu.memory_space<hbm>> -> memref<128x64xf32, #tpu.memory_space<hbm>>
        tpu.enqueue_dma source(%dma_start3A_66 : memref<128x64xf32, #tpu.memory_space<hbm>>) target(%arg8 : memref<128x64xf32, #tpu.memory_space<vmem>>) target_semaphore(%arg10 : memref<!tpu.dma_semaphore, #tpu.memory_space<semaphore_mem>>)
      } else {
      }
      %mul3A_45 = arith.constant 2 : i32
      %mul3A_46 = arith.muli %mul3A_45, %scan3A_28 : i32
      %add3A_47 = arith.constant 0 : i32
      %add3A_48 = arith.addi %mul3A_46, %add3A_47 : i32
      %lt3A_49 = arith.cmpi slt, %add3A_48, %add3A_8 : i32
      %convert_element_type3A_50 = arith.extui %lt3A_49 : i1 to i32
      %cond3A_51 = arith.constant 0 : i32
      %cond3A_52 = arith.cmpi ne, %convert_element_type3A_50, %cond3A_51 : i32
      scf.if %cond3A_52 {
        %add3A_61 = arith.addi %add3A_4, %add3A_48 : i32
        %mul3A_62 = arith.constant 128 : i32
        %mul3A_63 = arith.muli %add3A_61, %mul3A_62 : i32
        %multiple_of3A = tpu.assume_multiple %mul3A_63, 128 : i32
        %dma_wait3A = arith.constant 0 : i32
        %dma_wait3A_64 = tpu.memref_slice %arg2[%multiple_of3A, %dma_wait3A] : memref<160000x64xf32, #tpu.memory_space<hbm>> -> memref<128x64xf32, #tpu.memory_space<hbm>>
        %dma_wait3A_65 = arith.constant 0 : i32
        %dma_wait3A_66 = tpu.memref_slice %arg2[%multiple_of3A, %dma_wait3A_65] : memref<160000x64xf32, #tpu.memory_space<hbm>> -> memref<128x64xf32, #tpu.memory_space<hbm>>
        tpu.wait_dma2 semaphore(%arg9 : memref<!tpu.dma_semaphore, #tpu.memory_space<semaphore_mem>>) src(%dma_wait3A_66 : memref<128x64xf32, #tpu.memory_space<hbm>>) dst(%arg7 : memref<128x64xf32, #tpu.memory_space<vmem>>)
        "tpu.region"() ({
          %run_scoped3A = tpu.sem_alloc : memref<!tpu.dma_semaphore, #tpu.memory_space<semaphore_mem>>
          %dma_start3A = arith.constant 0 : i32
          %dma_start3A_67 = tpu.memref_slice %arg6[%add3A_48, %dma_start3A] : memref<40x128xi32, #tpu.memory_space<vmem>> -> memref<1x128xi32, #tpu.memory_space<vmem>>
          %dma_start3A_68 = tpu.memref_squeeze %dma_start3A_67 : memref<1x128xi32, #tpu.memory_space<vmem>> -> memref<128xi32, #tpu.memory_space<vmem>>
          %dma_start3A_69 = arith.constant 0 : i32
          %dma_start3A_70 = arith.constant 0 : i32
          %dma_start3A_71 = tpu.memref_slice %arg11[%dma_start3A_69, %dma_start3A_70] : memref<10000x64xf32, #tpu.memory_space<vmem_shared>> -> memref<10000x64xf32, #tpu.memory_space<vmem_shared>>
          tpu.enqueue_indirect_dma source(%arg7 : memref<128x64xf32, #tpu.memory_space<vmem>>) target(%dma_start3A_71 : memref<10000x64xf32, #tpu.memory_space<vmem_shared>>) offsets(%dma_start3A_68 : memref<128xi32, #tpu.memory_space<vmem>>) semaphore(%run_scoped3A : memref<!tpu.dma_semaphore, #tpu.memory_space<semaphore_mem>>) {add = true}
          %dma_wait3A_72 = arith.constant 0 : i32
          %dma_wait3A_73 = tpu.memref_slice %arg6[%add3A_48, %dma_wait3A_72] : memref<40x128xi32, #tpu.memory_space<vmem>> -> memref<1x128xi32, #tpu.memory_space<vmem>>
          %dma_wait3A_74 = tpu.memref_squeeze %dma_wait3A_73 : memref<1x128xi32, #tpu.memory_space<vmem>> -> memref<128xi32, #tpu.memory_space<vmem>>
          %dma_wait3A_75 = arith.constant 0 : i32
          %dma_wait3A_76 = arith.constant 0 : i32
          %dma_wait3A_77 = tpu.memref_slice %arg11[%dma_wait3A_75, %dma_wait3A_76] : memref<10000x64xf32, #tpu.memory_space<vmem_shared>> -> memref<10000x64xf32, #tpu.memory_space<vmem_shared>>
          tpu.wait_indirect_dma semaphore(%run_scoped3A : memref<!tpu.dma_semaphore, #tpu.memory_space<semaphore_mem>>) src(%arg7 : memref<128x64xf32, #tpu.memory_space<vmem>>) dst(%dma_wait3A_77 : memref<10000x64xf32, #tpu.memory_space<vmem_shared>>)
          tpu.yield
        }) : () -> ()
      } else {
      }
      %mul3A_53 = arith.constant 2 : i32
      %mul3A_54 = arith.muli %mul3A_53, %scan3A_28 : i32
      %add3A_55 = arith.constant 1 : i32
      %add3A_56 = arith.addi %mul3A_54, %add3A_55 : i32
      %lt3A_57 = arith.cmpi slt, %add3A_56, %add3A_8 : i32
      %convert_element_type3A_58 = arith.extui %lt3A_57 : i1 to i32
      %cond3A_59 = arith.constant 0 : i32
      %cond3A_60 = arith.cmpi ne, %convert_element_type3A_58, %cond3A_59 : i32
      scf.if %cond3A_60 {
        %add3A_61 = arith.addi %add3A_4, %add3A_56 : i32
        %mul3A_62 = arith.constant 128 : i32
        %mul3A_63 = arith.muli %add3A_61, %mul3A_62 : i32
        %multiple_of3A = tpu.assume_multiple %mul3A_63, 128 : i32
        %dma_wait3A = arith.constant 0 : i32
        %dma_wait3A_64 = tpu.memref_slice %arg2[%multiple_of3A, %dma_wait3A] : memref<160000x64xf32, #tpu.memory_space<hbm>> -> memref<128x64xf32, #tpu.memory_space<hbm>>
        %dma_wait3A_65 = arith.constant 0 : i32
        %dma_wait3A_66 = tpu.memref_slice %arg2[%multiple_of3A, %dma_wait3A_65] : memref<160000x64xf32, #tpu.memory_space<hbm>> -> memref<128x64xf32, #tpu.memory_space<hbm>>
        tpu.wait_dma2 semaphore(%arg10 : memref<!tpu.dma_semaphore, #tpu.memory_space<semaphore_mem>>) src(%dma_wait3A_66 : memref<128x64xf32, #tpu.memory_space<hbm>>) dst(%arg8 : memref<128x64xf32, #tpu.memory_space<vmem>>)
        "tpu.region"() ({
          %run_scoped3A = tpu.sem_alloc : memref<!tpu.dma_semaphore, #tpu.memory_space<semaphore_mem>>
          %dma_start3A = arith.constant 0 : i32
          %dma_start3A_67 = tpu.memref_slice %arg6[%add3A_56, %dma_start3A] : memref<40x128xi32, #tpu.memory_space<vmem>> -> memref<1x128xi32, #tpu.memory_space<vmem>>
          %dma_start3A_68 = tpu.memref_squeeze %dma_start3A_67 : memref<1x128xi32, #tpu.memory_space<vmem>> -> memref<128xi32, #tpu.memory_space<vmem>>
          %dma_start3A_69 = arith.constant 0 : i32
          %dma_start3A_70 = arith.constant 0 : i32
          %dma_start3A_71 = tpu.memref_slice %arg11[%dma_start3A_69, %dma_start3A_70] : memref<10000x64xf32, #tpu.memory_space<vmem_shared>> -> memref<10000x64xf32, #tpu.memory_space<vmem_shared>>
          tpu.enqueue_indirect_dma source(%arg8 : memref<128x64xf32, #tpu.memory_space<vmem>>) target(%dma_start3A_71 : memref<10000x64xf32, #tpu.memory_space<vmem_shared>>) offsets(%dma_start3A_68 : memref<128xi32, #tpu.memory_space<vmem>>) semaphore(%run_scoped3A : memref<!tpu.dma_semaphore, #tpu.memory_space<semaphore_mem>>) {add = true}
          %dma_wait3A_72 = arith.constant 0 : i32
          %dma_wait3A_73 = tpu.memref_slice %arg6[%add3A_56, %dma_wait3A_72] : memref<40x128xi32, #tpu.memory_space<vmem>> -> memref<1x128xi32, #tpu.memory_space<vmem>>
          %dma_wait3A_74 = tpu.memref_squeeze %dma_wait3A_73 : memref<1x128xi32, #tpu.memory_space<vmem>> -> memref<128xi32, #tpu.memory_space<vmem>>
          %dma_wait3A_75 = arith.constant 0 : i32
          %dma_wait3A_76 = arith.constant 0 : i32
          %dma_wait3A_77 = tpu.memref_slice %arg11[%dma_wait3A_75, %dma_wait3A_76] : memref<10000x64xf32, #tpu.memory_space<vmem_shared>> -> memref<10000x64xf32, #tpu.memory_space<vmem_shared>>
          tpu.wait_indirect_dma semaphore(%run_scoped3A : memref<!tpu.dma_semaphore, #tpu.memory_space<semaphore_mem>>) src(%arg8 : memref<128x64xf32, #tpu.memory_space<vmem>>) dst(%dma_wait3A_77 : memref<10000x64xf32, #tpu.memory_space<vmem_shared>>)
          tpu.yield
        }) : () -> ()
      } else {
      }
    }
    %scan3A_21 = arith.constant 20 : i32
    %barrier3A_22 = arith.constant 0 : index
    tpu.barrier barrier_id(%barrier3A_22)
    %lt3A_23 = arith.constant 10 : i32
    %lt3A_24 = arith.cmpi slt, %arg1, %lt3A_23 : i32
    %convert_element_type3A_25 = arith.extui %lt3A_24 : i1 to i32
    %cond3A_26 = arith.constant 0 : i32
    %cond3A_27 = arith.cmpi ne, %convert_element_type3A_25, %cond3A_26 : i32
    scf.if %cond3A_27 {
      %mul3A_28 = arith.constant 1000 : i32
      %mul3A_29 = arith.muli %arg1, %mul3A_28 : i32
      %multiple_of3A = tpu.assume_multiple %mul3A_29, 8 : i32
      "tpu.region"() ({
        %run_scoped3A = tpu.sem_alloc : memref<!tpu.dma_semaphore, #tpu.memory_space<semaphore_mem>>
        %dma_start3A = arith.constant 0 : i32
        %dma_start3A_30 = tpu.memref_slice %arg5[%arg0, %multiple_of3A, %dma_start3A] : memref<2x10000x64xf32, #tpu.memory_space<hbm>> -> memref<1x1000x64xf32, #tpu.memory_space<hbm>>
        %dma_start3A_31 = tpu.memref_squeeze %dma_start3A_30 : memref<1x1000x64xf32, #tpu.memory_space<hbm>> -> memref<1000x64xf32, #tpu.memory_space<hbm>>
        %dma_start3A_32 = arith.constant 0 : i32
        %dma_start3A_33 = tpu.memref_slice %arg11[%multiple_of3A, %dma_start3A_32] : memref<10000x64xf32, #tpu.memory_space<vmem_shared>> -> memref<1000x64xf32, #tpu.memory_space<vmem_shared>>
        tpu.enqueue_dma source(%dma_start3A_33 : memref<1000x64xf32, #tpu.memory_space<vmem_shared>>) target(%dma_start3A_31 : memref<1000x64xf32, #tpu.memory_space<hbm>>) target_semaphore(%run_scoped3A : memref<!tpu.dma_semaphore, #tpu.memory_space<semaphore_mem>>)
        %dma_wait3A = arith.constant 0 : i32
        %dma_wait3A_34 = tpu.memref_slice %arg5[%arg0, %multiple_of3A, %dma_wait3A] : memref<2x10000x64xf32, #tpu.memory_space<hbm>> -> memref<1x1000x64xf32, #tpu.memory_space<hbm>>
        %dma_wait3A_35 = tpu.memref_squeeze %dma_wait3A_34 : memref<1x1000x64xf32, #tpu.memory_space<hbm>> -> memref<1000x64xf32, #tpu.memory_space<hbm>>
        %dma_wait3A_36 = arith.constant 0 : i32
        %dma_wait3A_37 = tpu.memref_slice %arg11[%multiple_of3A, %dma_wait3A_36] : memref<10000x64xf32, #tpu.memory_space<vmem_shared>> -> memref<1000x64xf32, #tpu.memory_space<vmem_shared>>
        tpu.wait_dma2 semaphore(%run_scoped3A : memref<!tpu.dma_semaphore, #tpu.memory_space<semaphore_mem>>) src(%dma_wait3A_37 : memref<1000x64xf32, #tpu.memory_space<vmem_shared>>) dst(%dma_wait3A_35 : memref<1000x64xf32, #tpu.memory_space<hbm>>)
        tpu.yield
      }) : () -> ()
    } else {
    }
    return
  }
}

module attributes {stable_mosaic.version = 14 : i64} {
  func.func @body(%arg0: i32, %arg1: memref<1000x256xf32, #tpu.memory_space<vmem>>, %arg2: memref<64x256xf32, #tpu.memory_space<vmem>>, %arg3: memref<1x64xf32, #tpu.memory_space<vmem>>, %arg4: memref<1x64xf32, #tpu.memory_space<vmem>>, %arg5: memref<1x64xf32, #tpu.memory_space<vmem>>, %arg6: memref<1000x64xf32, #tpu.memory_space<vmem>>) attributes {dimension_semantics = [#tpu.dimension_semantics<arbitrary>], iteration_bounds = array<i64: 10>, scalar_prefetch = 0 : i64, scratch_operands = 0 : i64, tpu.core_type = #tpu.core_type<tc>, window_params = [{transform_indices = @transform_0, window_bounds = array<i64: 1000, 256>}, {pipeline_mode = #tpu.pipeline_mode<synchronous>, transform_indices = @transform_1, window_bounds = array<i64: 64, 256>}, {pipeline_mode = #tpu.pipeline_mode<synchronous>, transform_indices = @transform_2, window_bounds = array<i64: 1, 64>}, {pipeline_mode = #tpu.pipeline_mode<synchronous>, transform_indices = @transform_3, window_bounds = array<i64: 1, 64>}, {pipeline_mode = #tpu.pipeline_mode<synchronous>, transform_indices = @transform_4, window_bounds = array<i64: 1, 64>}, {transform_indices = @transform_5, window_bounds = array<i64: 1000, 64>}]} {
    %get3A = arith.constant 0 : index
    %get3A_0 = arith.constant 0 : index
    %get3A_1 = vector.load %arg1[%get3A, %get3A_0] : memref<1000x256xf32, #tpu.memory_space<vmem>>, vector<1000x256xf32>
    %get3A_2 = arith.constant 0 : index
    %get3A_3 = arith.constant 0 : index
    %get3A_4 = vector.load %arg2[%get3A_2, %get3A_3] : memref<64x256xf32, #tpu.memory_space<vmem>>, vector<64x256xf32>
    %dot_general3A = arith.constant dense<0.000000e+00> : vector<1000x64xf32>
    %dot_general3A_5 = tpu.matmul %get3A_1, %get3A_4, %dot_general3A {dimension_numbers = #tpu.dot_dimension_numbers<[1], [1], [0], [0], [0, 0, 1, 0], [], []>, transpose_lhs_hint = false} : vector<1000x256xf32>, vector<64x256xf32>, vector<1000x64xf32> -> vector<1000x64xf32>
    %get3A_6 = arith.constant 0 : index
    %get3A_7 = arith.constant 0 : index
    %get3A_8 = vector.load %arg3[%get3A_6, %get3A_7] : memref<1x64xf32, #tpu.memory_space<vmem>>, vector<1x64xf32>
    %add3A = vector.broadcast %get3A_8 : vector<1x64xf32> to vector<1000x64xf32>
    %add3A_9 = arith.addf %dot_general3A_5, %add3A : vector<1000x64xf32>
    %reduce_sum3A = arith.constant dense<0.000000e+00> : vector<1000xf32>
    %reduce_sum3A_10 = vector.multi_reduction <add>, %add3A_9, %reduce_sum3A [1] : vector<1000x64xf32> to vector<1000xf32>
    %broadcast_in_dim3A = vector.shape_cast %reduce_sum3A_10 : vector<1000xf32> to vector<1000x1xf32>
    %div3A = arith.constant 6.400000e+01 : f32
    %div3A_11 = vector.broadcast %div3A : f32 to vector<1000x1xf32>
    %div3A_12 = arith.divf %broadcast_in_dim3A, %div3A_11 : vector<1000x1xf32>
    %sub3A = vector.broadcast %div3A_12 : vector<1000x1xf32> to vector<1000x64xf32>
    %sub3A_13 = arith.subf %add3A_9, %sub3A : vector<1000x64xf32>
    %integer_pow3A = arith.mulf %sub3A_13, %sub3A_13 : vector<1000x64xf32>
    %reduce_sum3A_14 = arith.constant dense<0.000000e+00> : vector<1000xf32>
    %reduce_sum3A_15 = vector.multi_reduction <add>, %integer_pow3A, %reduce_sum3A_14 [1] : vector<1000x64xf32> to vector<1000xf32>
    %broadcast_in_dim3A_16 = vector.shape_cast %reduce_sum3A_15 : vector<1000xf32> to vector<1000x1xf32>
    %div3A_17 = arith.constant 6.400000e+01 : f32
    %div3A_18 = vector.broadcast %div3A_17 : f32 to vector<1000x1xf32>
    %div3A_19 = arith.divf %broadcast_in_dim3A_16, %div3A_18 : vector<1000x1xf32>
    %sub3A_20 = vector.broadcast %div3A_12 : vector<1000x1xf32> to vector<1000x64xf32>
    %sub3A_21 = arith.subf %add3A_9, %sub3A_20 : vector<1000x64xf32>
    %add3A_22 = arith.constant 9.99999974E-6 : f32
    %add3A_23 = vector.broadcast %add3A_22 : f32 to vector<1000x1xf32>
    %add3A_24 = arith.addf %div3A_19, %add3A_23 : vector<1000x1xf32>
    %sqrt3A = math.sqrt %add3A_24 : vector<1000x1xf32>
    %div3A_25 = vector.broadcast %sqrt3A : vector<1000x1xf32> to vector<1000x64xf32>
    %div3A_26 = arith.divf %sub3A_21, %div3A_25 : vector<1000x64xf32>
    %get3A_27 = arith.constant 0 : index
    %get3A_28 = arith.constant 0 : index
    %get3A_29 = vector.load %arg4[%get3A_27, %get3A_28] : memref<1x64xf32, #tpu.memory_space<vmem>>, vector<1x64xf32>
    %mul3A = vector.broadcast %get3A_29 : vector<1x64xf32> to vector<1000x64xf32>
    %mul3A_30 = arith.mulf %div3A_26, %mul3A : vector<1000x64xf32>
    %get3A_31 = arith.constant 0 : index
    %get3A_32 = arith.constant 0 : index
    %get3A_33 = vector.load %arg5[%get3A_31, %get3A_32] : memref<1x64xf32, #tpu.memory_space<vmem>>, vector<1x64xf32>
    %add3A_34 = vector.broadcast %get3A_33 : vector<1x64xf32> to vector<1000x64xf32>
    %add3A_35 = arith.addf %mul3A_30, %add3A_34 : vector<1000x64xf32>
    %max3A = arith.constant 0.000000e+00 : f32
    %max3A_36 = vector.broadcast %max3A : f32 to vector<1000x64xf32>
    %max3A_37 = arith.maximumf %add3A_35, %max3A_36 : vector<1000x64xf32>
    %swap3A = arith.constant 0 : index
    %swap3A_38 = arith.constant 0 : index
    %swap3A_39 = vector.load %arg6[%swap3A, %swap3A_38] : memref<1000x64xf32, #tpu.memory_space<vmem>>, vector<1000x64xf32>
    tpu.vector_store %arg6[%swap3A, %swap3A_38], %max3A_37 {strides = array<i32>} : memref<1000x64xf32, #tpu.memory_space<vmem>>, vector<1000x64xf32>,
    return
  }
  func.func @transform_0(%arg0: i32) -> (i32, i32) {
    %c0_i32 = arith.constant 0 : i32
    %c0_i32_0 = arith.constant 0 : i32
    return %arg0, %c0_i32 : i32, i32
  }
  func.func @transform_1(%arg0: i32) -> (i32, i32) {
    %c0_i32 = arith.constant 0 : i32
    %c0_i32_0 = arith.constant 0 : i32
    %c0_i32_1 = arith.constant 0 : i32
    return %c0_i32, %c0_i32_0 : i32, i32
  }
  func.func @transform_2(%arg0: i32) -> (i32, i32) {
    %c0_i32 = arith.constant 0 : i32
    %c0_i32_0 = arith.constant 0 : i32
    %c0_i32_1 = arith.constant 0 : i32
    return %c0_i32, %c0_i32_0 : i32, i32
  }
  func.func @transform_3(%arg0: i32) -> (i32, i32) {
    %c0_i32 = arith.constant 0 : i32
    %c0_i32_0 = arith.constant 0 : i32
    %c0_i32_1 = arith.constant 0 : i32
    return %c0_i32, %c0_i32_0 : i32, i32
  }
  func.func @transform_4(%arg0: i32) -> (i32, i32) {
    %c0_i32 = arith.constant 0 : i32
    %c0_i32_0 = arith.constant 0 : i32
    %c0_i32_1 = arith.constant 0 : i32
    return %c0_i32, %c0_i32_0 : i32, i32
  }
  func.func @transform_5(%arg0: i32) -> (i32, i32) {
    %c0_i32 = arith.constant 0 : i32
    %c0_i32_0 = arith.constant 0 : i32
    return %arg0, %c0_i32 : i32, i32
  }
}

module attributes {stable_mosaic.version = 14 : i64} {
  func.func @body(%arg0: i32, %arg1: memref<1000x128xf32, #tpu.memory_space<vmem>>, %arg2: memref<1x1000x2xi32, #tpu.memory_space<vmem>>, %arg3: memref<4x7xf32, #tpu.memory_space<smem>>, %arg4: memref<4xf32, #tpu.memory_space<smem>>, %arg5: memref<4xf32, #tpu.memory_space<smem>>, %arg6: memref<1x128xf32, #tpu.memory_space<vmem>>, %arg7: memref<1000x128xf32, #tpu.memory_space<vmem>>, %arg8: memref<1x1000x2xf32, #tpu.memory_space<vmem>>) attributes {dimension_semantics = [#tpu.dimension_semantics<arbitrary>], iteration_bounds = array<i64: 80>, scalar_prefetch = 0 : i64, scratch_operands = 0 : i64, tpu.core_type = #tpu.core_type<tc>, window_params = [{transform_indices = @transform_0, window_bounds = array<i64: 1000, 128>}, {transform_indices = @transform_1, window_bounds = array<i64: 1, 1000, 2>}, {transform_indices = @transform_2, window_bounds = array<i64: 4, 7>}, {transform_indices = @transform_3, window_bounds = array<i64: 4>}, {transform_indices = @transform_4, window_bounds = array<i64: 4>}, {pipeline_mode = #tpu.pipeline_mode<synchronous>, transform_indices = @transform_5, window_bounds = array<i64: 1, 128>}, {transform_indices = @transform_6, window_bounds = array<i64: 1000, 128>}, {transform_indices = @transform_7, window_bounds = array<i64: 1, 1000, 2>}]} {
    %get3A = arith.constant 0 : index
    %get3A_0 = arith.constant 0 : index
    %get3A_1 = vector.load %arg1[%get3A, %get3A_0] : memref<1000x128xf32, #tpu.memory_space<vmem>>, vector<1000x128xf32>
    %get3A_2 = arith.constant 0 : index
    %get3A_3 = arith.constant 0 : index
    %get3A_4 = arith.constant 0 : index
    %get3A_5 = vector.load %arg2[%get3A_2, %get3A_3, %get3A_4] : memref<1x1000x2xi32, #tpu.memory_space<vmem>>, vector<1x1000x2xi32>
    %get3A_6 = vector.shape_cast %get3A_5 : vector<1x1000x2xi32> to vector<1000x2xi32>
    %slice3A = vector.extract_strided_slice %get3A_6 {offsets = [0, 0], sizes = [1000, 1], strides = [1, 1]} : vector<1000x2xi32> to vector<1000x1xi32>
    %slice3A_7 = vector.extract_strided_slice %get3A_6 {offsets = [0, 1], sizes = [1000, 1], strides = [1, 1]} : vector<1000x2xi32> to vector<1000x1xi32>
    %iota3A = tpu.iota {dimensions = array<i32: 1>} : vector<1000x128xi32>
    %lt3A = arith.constant 64 : i32
    %lt3A_8 = vector.broadcast %lt3A : i32 to vector<1000x128xi32>
    %lt3A_9 = arith.cmpi slt, %iota3A, %lt3A_8 : vector<1000x128xi32>
    %logistic3A = arith.negf %get3A_1 : vector<1000x128xf32>
    %logistic3A_10 = math.exp %logistic3A : vector<1000x128xf32>
    %logistic3A_11 = arith.constant 1.000000e+00 : f32
    %logistic3A_12 = vector.broadcast %logistic3A_11 : f32 to vector<1000x128xf32>
    %logistic3A_13 = arith.addf %logistic3A_12, %logistic3A_10 : vector<1000x128xf32>
    %logistic3A_14 = arith.divf %logistic3A_12, %logistic3A_13 : vector<1000x128xf32>
    %mul3A = arith.mulf %get3A_1, %logistic3A_14 : vector<1000x128xf32>
    %sub3A = arith.constant -7.000000e+00 : f32
    %sub3A_15 = vector.broadcast %sub3A : f32 to vector<1000x128xf32>
    %sub3A_16 = arith.subf %get3A_1, %sub3A_15 : vector<1000x128xf32>
    %mul3A_17 = arith.constant 0.714285671 : f32
    %mul3A_18 = vector.broadcast %mul3A_17 : f32 to vector<1000x128xf32>
    %mul3A_19 = arith.mulf %sub3A_16, %mul3A_18 : vector<1000x128xf32>
    %floor3A = math.floor %mul3A_19 : vector<1000x128xf32>
    %sub3A_20 = arith.subf %mul3A_19, %floor3A : vector<1000x128xf32>
    %convert_element_type3A = arith.fptosi %floor3A : vector<1000x128xf32> to vector<1000x128xi32>
    %mul3A_21 = arith.mulf %sub3A_20, %sub3A_20 : vector<1000x128xf32>
    %mul3A_22 = arith.mulf %mul3A_21, %sub3A_20 : vector<1000x128xf32>
    %sub3A_23 = arith.constant 1.000000e+00 : f32
    %sub3A_24 = vector.broadcast %sub3A_23 : f32 to vector<1000x128xf32>
    %sub3A_25 = arith.subf %sub3A_24, %sub3A_20 : vector<1000x128xf32>
    %mul3A_26 = arith.mulf %sub3A_25, %sub3A_25 : vector<1000x128xf32>
    %mul3A_27 = arith.mulf %mul3A_26, %sub3A_25 : vector<1000x128xf32>
    %mul3A_28 = arith.constant 0.166666672 : f32
    %mul3A_29 = vector.broadcast %mul3A_28 : f32 to vector<1000x128xf32>
    %mul3A_30 = arith.mulf %mul3A_27, %mul3A_29 : vector<1000x128xf32>
    %mul3A_31 = arith.constant 5.000000e-01 : f32
    %mul3A_32 = vector.broadcast %mul3A_31 : f32 to vector<1000x128xf32>
    %mul3A_33 = arith.mulf %mul3A_32, %mul3A_22 : vector<1000x128xf32>
    %sub3A_34 = arith.subf %mul3A_33, %mul3A_21 : vector<1000x128xf32>
    %add3A = arith.constant 0.666666686 : f32
    %add3A_35 = vector.broadcast %add3A : f32 to vector<1000x128xf32>
    %add3A_36 = arith.addf %sub3A_34, %add3A_35 : vector<1000x128xf32>
    %mul3A_37 = arith.constant -5.000000e-01 : f32
    %mul3A_38 = vector.broadcast %mul3A_37 : f32 to vector<1000x128xf32>
    %mul3A_39 = arith.mulf %mul3A_38, %mul3A_22 : vector<1000x128xf32>
    %mul3A_40 = arith.constant 5.000000e-01 : f32
    %mul3A_41 = vector.broadcast %mul3A_40 : f32 to vector<1000x128xf32>
    %mul3A_42 = arith.mulf %mul3A_41, %mul3A_21 : vector<1000x128xf32>
    %add3A_43 = arith.addf %mul3A_39, %mul3A_42 : vector<1000x128xf32>
    %mul3A_44 = arith.constant 5.000000e-01 : f32
    %mul3A_45 = vector.broadcast %mul3A_44 : f32 to vector<1000x128xf32>
    %mul3A_46 = arith.mulf %mul3A_45, %sub3A_20 : vector<1000x128xf32>
    %add3A_47 = arith.addf %add3A_43, %mul3A_46 : vector<1000x128xf32>
    %add3A_48 = arith.constant 0.166666672 : f32
    %add3A_49 = vector.broadcast %add3A_48 : f32 to vector<1000x128xf32>
    %add3A_50 = arith.addf %add3A_47, %add3A_49 : vector<1000x128xf32>
    %mul3A_51 = arith.constant 0.166666672 : f32
    %mul3A_52 = vector.broadcast %mul3A_51 : f32 to vector<1000x128xf32>
    %mul3A_53 = arith.mulf %mul3A_22, %mul3A_52 : vector<1000x128xf32>
    %broadcast_in_dim3A = vector.shape_cast %slice3A : vector<1000x1xi32> to vector<1000x1xi32>
    %broadcast_in_dim3A_54 = vector.broadcast %broadcast_in_dim3A : vector<1000x1xi32> to vector<1000x128xi32>
    %broadcast_in_dim3A_55 = vector.shape_cast %slice3A_7 : vector<1000x1xi32> to vector<1000x1xi32>
    %broadcast_in_dim3A_56 = vector.broadcast %broadcast_in_dim3A_55 : vector<1000x1xi32> to vector<1000x128xi32>
    %select_n3A = arith.select %lt3A_9, %broadcast_in_dim3A_54, %broadcast_in_dim3A_56 : vector<1000x128xi1>, vector<1000x128xi32>
    %eq3A = arith.constant 0 : i32
    %eq3A_57 = vector.broadcast %eq3A : i32 to vector<1000x128xi32>
    %eq3A_58 = arith.cmpi eq, %select_n3A, %eq3A_57 : vector<1000x128xi32>
    %eq3A_59 = arith.constant 1 : i32
    %eq3A_60 = vector.broadcast %eq3A_59 : i32 to vector<1000x128xi32>
    %eq3A_61 = arith.cmpi eq, %select_n3A, %eq3A_60 : vector<1000x128xi32>
    %eq3A_62 = arith.constant 2 : i32
    %eq3A_63 = vector.broadcast %eq3A_62 : i32 to vector<1000x128xi32>
    %eq3A_64 = arith.cmpi eq, %select_n3A, %eq3A_63 : vector<1000x128xi32>
    %get3A_65 = arith.constant 0 : index
    %get3A_66 = arith.constant 0 : index
    %get3A_67 = memref.load %arg3[%get3A_65, %get3A_66] : memref<4x7xf32, #tpu.memory_space<smem>>
    %get3A_68 = arith.constant 1 : index
    %get3A_69 = arith.constant 0 : index
    %get3A_70 = memref.load %arg3[%get3A_68, %get3A_69] : memref<4x7xf32, #tpu.memory_space<smem>>
    %get3A_71 = arith.constant 2 : index
    %get3A_72 = arith.constant 0 : index
    %get3A_73 = memref.load %arg3[%get3A_71, %get3A_72] : memref<4x7xf32, #tpu.memory_space<smem>>
    %get3A_74 = arith.constant 3 : index
    %get3A_75 = arith.constant 0 : index
    %get3A_76 = memref.load %arg3[%get3A_74, %get3A_75] : memref<4x7xf32, #tpu.memory_space<smem>>
    %broadcast_in_dim3A_77 = vector.broadcast %get3A_76 : f32 to vector<1000x128xf32>
    %broadcast_in_dim3A_78 = vector.broadcast %get3A_67 : f32 to vector<1000x128xf32>
    %select_n3A_79 = arith.select %eq3A_58, %broadcast_in_dim3A_78, %broadcast_in_dim3A_77 : vector<1000x128xi1>, vector<1000x128xf32>
    %broadcast_in_dim3A_80 = vector.broadcast %get3A_70 : f32 to vector<1000x128xf32>
    %select_n3A_81 = arith.select %eq3A_61, %broadcast_in_dim3A_80, %select_n3A_79 : vector<1000x128xi1>, vector<1000x128xf32>
    %broadcast_in_dim3A_82 = vector.broadcast %get3A_73 : f32 to vector<1000x128xf32>
    %select_n3A_83 = arith.select %eq3A_64, %broadcast_in_dim3A_82, %select_n3A_81 : vector<1000x128xi1>, vector<1000x128xf32>
    %get3A_84 = arith.constant 0 : index
    %get3A_85 = arith.constant 1 : index
    %get3A_86 = memref.load %arg3[%get3A_84, %get3A_85] : memref<4x7xf32, #tpu.memory_space<smem>>
    %get3A_87 = arith.constant 1 : index
    %get3A_88 = arith.constant 1 : index
    %get3A_89 = memref.load %arg3[%get3A_87, %get3A_88] : memref<4x7xf32, #tpu.memory_space<smem>>
    %get3A_90 = arith.constant 2 : index
    %get3A_91 = arith.constant 1 : index
    %get3A_92 = memref.load %arg3[%get3A_90, %get3A_91] : memref<4x7xf32, #tpu.memory_space<smem>>
    %get3A_93 = arith.constant 3 : index
    %get3A_94 = arith.constant 1 : index
    %get3A_95 = memref.load %arg3[%get3A_93, %get3A_94] : memref<4x7xf32, #tpu.memory_space<smem>>
    %broadcast_in_dim3A_96 = vector.broadcast %get3A_95 : f32 to vector<1000x128xf32>
    %broadcast_in_dim3A_97 = vector.broadcast %get3A_86 : f32 to vector<1000x128xf32>
    %select_n3A_98 = arith.select %eq3A_58, %broadcast_in_dim3A_97, %broadcast_in_dim3A_96 : vector<1000x128xi1>, vector<1000x128xf32>
    %broadcast_in_dim3A_99 = vector.broadcast %get3A_89 : f32 to vector<1000x128xf32>
    %select_n3A_100 = arith.select %eq3A_61, %broadcast_in_dim3A_99, %select_n3A_98 : vector<1000x128xi1>, vector<1000x128xf32>
    %broadcast_in_dim3A_101 = vector.broadcast %get3A_92 : f32 to vector<1000x128xf32>
    %select_n3A_102 = arith.select %eq3A_64, %broadcast_in_dim3A_101, %select_n3A_100 : vector<1000x128xi1>, vector<1000x128xf32>
    %get3A_103 = arith.constant 0 : index
    %get3A_104 = arith.constant 2 : index
    %get3A_105 = memref.load %arg3[%get3A_103, %get3A_104] : memref<4x7xf32, #tpu.memory_space<smem>>
    %get3A_106 = arith.constant 1 : index
    %get3A_107 = arith.constant 2 : index
    %get3A_108 = memref.load %arg3[%get3A_106, %get3A_107] : memref<4x7xf32, #tpu.memory_space<smem>>
    %get3A_109 = arith.constant 2 : index
    %get3A_110 = arith.constant 2 : index
    %get3A_111 = memref.load %arg3[%get3A_109, %get3A_110] : memref<4x7xf32, #tpu.memory_space<smem>>
    %get3A_112 = arith.constant 3 : index
    %get3A_113 = arith.constant 2 : index
    %get3A_114 = memref.load %arg3[%get3A_112, %get3A_113] : memref<4x7xf32, #tpu.memory_space<smem>>
    %broadcast_in_dim3A_115 = vector.broadcast %get3A_114 : f32 to vector<1000x128xf32>
    %broadcast_in_dim3A_116 = vector.broadcast %get3A_105 : f32 to vector<1000x128xf32>
    %select_n3A_117 = arith.select %eq3A_58, %broadcast_in_dim3A_116, %broadcast_in_dim3A_115 : vector<1000x128xi1>, vector<1000x128xf32>
    %broadcast_in_dim3A_118 = vector.broadcast %get3A_108 : f32 to vector<1000x128xf32>
    %select_n3A_119 = arith.select %eq3A_61, %broadcast_in_dim3A_118, %select_n3A_117 : vector<1000x128xi1>, vector<1000x128xf32>
    %broadcast_in_dim3A_120 = vector.broadcast %get3A_111 : f32 to vector<1000x128xf32>
    %select_n3A_121 = arith.select %eq3A_64, %broadcast_in_dim3A_120, %select_n3A_119 : vector<1000x128xi1>, vector<1000x128xf32>
    %get3A_122 = arith.constant 0 : index
    %get3A_123 = arith.constant 3 : index
    %get3A_124 = memref.load %arg3[%get3A_122, %get3A_123] : memref<4x7xf32, #tpu.memory_space<smem>>
    %get3A_125 = arith.constant 1 : index
    %get3A_126 = arith.constant 3 : index
    %get3A_127 = memref.load %arg3[%get3A_125, %get3A_126] : memref<4x7xf32, #tpu.memory_space<smem>>
    %get3A_128 = arith.constant 2 : index
    %get3A_129 = arith.constant 3 : index
    %get3A_130 = memref.load %arg3[%get3A_128, %get3A_129] : memref<4x7xf32, #tpu.memory_space<smem>>
    %get3A_131 = arith.constant 3 : index
    %get3A_132 = arith.constant 3 : index
    %get3A_133 = memref.load %arg3[%get3A_131, %get3A_132] : memref<4x7xf32, #tpu.memory_space<smem>>
    %broadcast_in_dim3A_134 = vector.broadcast %get3A_133 : f32 to vector<1000x128xf32>
    %broadcast_in_dim3A_135 = vector.broadcast %get3A_124 : f32 to vector<1000x128xf32>
    %select_n3A_136 = arith.select %eq3A_58, %broadcast_in_dim3A_135, %broadcast_in_dim3A_134 : vector<1000x128xi1>, vector<1000x128xf32>
    %broadcast_in_dim3A_137 = vector.broadcast %get3A_127 : f32 to vector<1000x128xf32>
    %select_n3A_138 = arith.select %eq3A_61, %broadcast_in_dim3A_137, %select_n3A_136 : vector<1000x128xi1>, vector<1000x128xf32>
    %broadcast_in_dim3A_139 = vector.broadcast %get3A_130 : f32 to vector<1000x128xf32>
    %select_n3A_140 = arith.select %eq3A_64, %broadcast_in_dim3A_139, %select_n3A_138 : vector<1000x128xi1>, vector<1000x128xf32>
    %get3A_141 = arith.constant 0 : index
    %get3A_142 = arith.constant 4 : index
    %get3A_143 = memref.load %arg3[%get3A_141, %get3A_142] : memref<4x7xf32, #tpu.memory_space<smem>>
    %get3A_144 = arith.constant 1 : index
    %get3A_145 = arith.constant 4 : index
    %get3A_146 = memref.load %arg3[%get3A_144, %get3A_145] : memref<4x7xf32, #tpu.memory_space<smem>>
    %get3A_147 = arith.constant 2 : index
    %get3A_148 = arith.constant 4 : index
    %get3A_149 = memref.load %arg3[%get3A_147, %get3A_148] : memref<4x7xf32, #tpu.memory_space<smem>>
    %get3A_150 = arith.constant 3 : index
    %get3A_151 = arith.constant 4 : index
    %get3A_152 = memref.load %arg3[%get3A_150, %get3A_151] : memref<4x7xf32, #tpu.memory_space<smem>>
    %broadcast_in_dim3A_153 = vector.broadcast %get3A_152 : f32 to vector<1000x128xf32>
    %broadcast_in_dim3A_154 = vector.broadcast %get3A_143 : f32 to vector<1000x128xf32>
    %select_n3A_155 = arith.select %eq3A_58, %broadcast_in_dim3A_154, %broadcast_in_dim3A_153 : vector<1000x128xi1>, vector<1000x128xf32>
    %broadcast_in_dim3A_156 = vector.broadcast %get3A_146 : f32 to vector<1000x128xf32>
    %select_n3A_157 = arith.select %eq3A_61, %broadcast_in_dim3A_156, %select_n3A_155 : vector<1000x128xi1>, vector<1000x128xf32>
    %broadcast_in_dim3A_158 = vector.broadcast %get3A_149 : f32 to vector<1000x128xf32>
    %select_n3A_159 = arith.select %eq3A_64, %broadcast_in_dim3A_158, %select_n3A_157 : vector<1000x128xi1>, vector<1000x128xf32>
    %get3A_160 = arith.constant 0 : index
    %get3A_161 = arith.constant 5 : index
    %get3A_162 = memref.load %arg3[%get3A_160, %get3A_161] : memref<4x7xf32, #tpu.memory_space<smem>>
    %get3A_163 = arith.constant 1 : index
    %get3A_164 = arith.constant 5 : index
    %get3A_165 = memref.load %arg3[%get3A_163, %get3A_164] : memref<4x7xf32, #tpu.memory_space<smem>>
    %get3A_166 = arith.constant 2 : index
    %get3A_167 = arith.constant 5 : index
    %get3A_168 = memref.load %arg3[%get3A_166, %get3A_167] : memref<4x7xf32, #tpu.memory_space<smem>>
    %get3A_169 = arith.constant 3 : index
    %get3A_170 = arith.constant 5 : index
    %get3A_171 = memref.load %arg3[%get3A_169, %get3A_170] : memref<4x7xf32, #tpu.memory_space<smem>>
    %broadcast_in_dim3A_172 = vector.broadcast %get3A_171 : f32 to vector<1000x128xf32>
    %broadcast_in_dim3A_173 = vector.broadcast %get3A_162 : f32 to vector<1000x128xf32>
    %select_n3A_174 = arith.select %eq3A_58, %broadcast_in_dim3A_173, %broadcast_in_dim3A_172 : vector<1000x128xi1>, vector<1000x128xf32>
    %broadcast_in_dim3A_175 = vector.broadcast %get3A_165 : f32 to vector<1000x128xf32>
    %select_n3A_176 = arith.select %eq3A_61, %broadcast_in_dim3A_175, %select_n3A_174 : vector<1000x128xi1>, vector<1000x128xf32>
    %broadcast_in_dim3A_177 = vector.broadcast %get3A_168 : f32 to vector<1000x128xf32>
    %select_n3A_178 = arith.select %eq3A_64, %broadcast_in_dim3A_177, %select_n3A_176 : vector<1000x128xi1>, vector<1000x128xf32>
    %get3A_179 = arith.constant 0 : index
    %get3A_180 = arith.constant 6 : index
    %get3A_181 = memref.load %arg3[%get3A_179, %get3A_180] : memref<4x7xf32, #tpu.memory_space<smem>>
    %get3A_182 = arith.constant 1 : index
    %get3A_183 = arith.constant 6 : index
    %get3A_184 = memref.load %arg3[%get3A_182, %get3A_183] : memref<4x7xf32, #tpu.memory_space<smem>>
    %get3A_185 = arith.constant 2 : index
    %get3A_186 = arith.constant 6 : index
    %get3A_187 = memref.load %arg3[%get3A_185, %get3A_186] : memref<4x7xf32, #tpu.memory_space<smem>>
    %get3A_188 = arith.constant 3 : index
    %get3A_189 = arith.constant 6 : index
    %get3A_190 = memref.load %arg3[%get3A_188, %get3A_189] : memref<4x7xf32, #tpu.memory_space<smem>>
    %broadcast_in_dim3A_191 = vector.broadcast %get3A_190 : f32 to vector<1000x128xf32>
    %broadcast_in_dim3A_192 = vector.broadcast %get3A_181 : f32 to vector<1000x128xf32>
    %select_n3A_193 = arith.select %eq3A_58, %broadcast_in_dim3A_192, %broadcast_in_dim3A_191 : vector<1000x128xi1>, vector<1000x128xf32>
    %broadcast_in_dim3A_194 = vector.broadcast %get3A_184 : f32 to vector<1000x128xf32>
    %select_n3A_195 = arith.select %eq3A_61, %broadcast_in_dim3A_194, %select_n3A_193 : vector<1000x128xi1>, vector<1000x128xf32>
    %broadcast_in_dim3A_196 = vector.broadcast %get3A_187 : f32 to vector<1000x128xf32>
    %select_n3A_197 = arith.select %eq3A_64, %broadcast_in_dim3A_196, %select_n3A_195 : vector<1000x128xi1>, vector<1000x128xf32>
    %eq3A_198 = arith.constant 0 : i32
    %eq3A_199 = vector.broadcast %eq3A_198 : i32 to vector<1000x128xi32>
    %eq3A_200 = arith.cmpi eq, %convert_element_type3A, %eq3A_199 : vector<1000x128xi32>
    %eq3A_201 = arith.constant 1 : i32
    %eq3A_202 = vector.broadcast %eq3A_201 : i32 to vector<1000x128xi32>
    %eq3A_203 = arith.cmpi eq, %convert_element_type3A, %eq3A_202 : vector<1000x128xi32>
    %eq3A_204 = arith.constant 2 : i32
    %eq3A_205 = vector.broadcast %eq3A_204 : i32 to vector<1000x128xi32>
    %eq3A_206 = arith.cmpi eq, %convert_element_type3A, %eq3A_205 : vector<1000x128xi32>
    %eq3A_207 = arith.constant 3 : i32
    %eq3A_208 = vector.broadcast %eq3A_207 : i32 to vector<1000x128xi32>
    %eq3A_209 = arith.cmpi eq, %convert_element_type3A, %eq3A_208 : vector<1000x128xi32>
    %eq3A_210 = arith.constant 4 : i32
    %eq3A_211 = vector.broadcast %eq3A_210 : i32 to vector<1000x128xi32>
    %eq3A_212 = arith.cmpi eq, %convert_element_type3A, %eq3A_211 : vector<1000x128xi32>
    %eq3A_213 = arith.constant 5 : i32
    %eq3A_214 = vector.broadcast %eq3A_213 : i32 to vector<1000x128xi32>
    %eq3A_215 = arith.cmpi eq, %convert_element_type3A, %eq3A_214 : vector<1000x128xi32>
    %eq3A_216 = arith.constant 6 : i32
    %eq3A_217 = vector.broadcast %eq3A_216 : i32 to vector<1000x128xi32>
    %eq3A_218 = arith.cmpi eq, %convert_element_type3A, %eq3A_217 : vector<1000x128xi32>
    %eq3A_219 = arith.constant 7 : i32
    %eq3A_220 = vector.broadcast %eq3A_219 : i32 to vector<1000x128xi32>
    %eq3A_221 = arith.cmpi eq, %convert_element_type3A, %eq3A_220 : vector<1000x128xi32>
    %eq3A_222 = arith.constant 8 : i32
    %eq3A_223 = vector.broadcast %eq3A_222 : i32 to vector<1000x128xi32>
    %eq3A_224 = arith.cmpi eq, %convert_element_type3A, %eq3A_223 : vector<1000x128xi32>
    %eq3A_225 = arith.constant 9 : i32
    %eq3A_226 = vector.broadcast %eq3A_225 : i32 to vector<1000x128xi32>
    %eq3A_227 = arith.cmpi eq, %convert_element_type3A, %eq3A_226 : vector<1000x128xi32>
    %broadcast_in_dim3A_228 = arith.constant 0.000000e+00 : f32
    %broadcast_in_dim3A_229 = vector.broadcast %broadcast_in_dim3A_228 : f32 to vector<1000x128xf32>
    %broadcast_in_dim3A_230 = arith.constant 0.000000e+00 : f32
    %broadcast_in_dim3A_231 = vector.broadcast %broadcast_in_dim3A_230 : f32 to vector<1000x128xf32>
    %select_n3A_232 = arith.select %eq3A_209, %select_n3A_83, %broadcast_in_dim3A_231 : vector<1000x128xi1>, vector<1000x128xf32>
    %select_n3A_233 = arith.select %eq3A_212, %select_n3A_102, %select_n3A_232 : vector<1000x128xi1>, vector<1000x128xf32>
    %select_n3A_234 = arith.select %eq3A_215, %select_n3A_121, %select_n3A_233 : vector<1000x128xi1>, vector<1000x128xf32>
    %select_n3A_235 = arith.select %eq3A_218, %select_n3A_140, %select_n3A_234 : vector<1000x128xi1>, vector<1000x128xf32>
    %select_n3A_236 = arith.select %eq3A_221, %select_n3A_159, %select_n3A_235 : vector<1000x128xi1>, vector<1000x128xf32>
    %select_n3A_237 = arith.select %eq3A_224, %select_n3A_178, %select_n3A_236 : vector<1000x128xi1>, vector<1000x128xf32>
    %select_n3A_238 = arith.select %eq3A_227, %select_n3A_197, %select_n3A_237 : vector<1000x128xi1>, vector<1000x128xf32>
    %mul3A_239 = arith.mulf %mul3A_30, %select_n3A_238 : vector<1000x128xf32>
    %add3A_240 = arith.addf %broadcast_in_dim3A_229, %mul3A_239 : vector<1000x128xf32>
    %broadcast_in_dim3A_241 = arith.constant 0.000000e+00 : f32
    %broadcast_in_dim3A_242 = vector.broadcast %broadcast_in_dim3A_241 : f32 to vector<1000x128xf32>
    %select_n3A_243 = arith.select %eq3A_206, %select_n3A_83, %broadcast_in_dim3A_242 : vector<1000x128xi1>, vector<1000x128xf32>
    %select_n3A_244 = arith.select %eq3A_209, %select_n3A_102, %select_n3A_243 : vector<1000x128xi1>, vector<1000x128xf32>
    %select_n3A_245 = arith.select %eq3A_212, %select_n3A_121, %select_n3A_244 : vector<1000x128xi1>, vector<1000x128xf32>
    %select_n3A_246 = arith.select %eq3A_215, %select_n3A_140, %select_n3A_245 : vector<1000x128xi1>, vector<1000x128xf32>
    %select_n3A_247 = arith.select %eq3A_218, %select_n3A_159, %select_n3A_246 : vector<1000x128xi1>, vector<1000x128xf32>
    %select_n3A_248 = arith.select %eq3A_221, %select_n3A_178, %select_n3A_247 : vector<1000x128xi1>, vector<1000x128xf32>
    %select_n3A_249 = arith.select %eq3A_224, %select_n3A_197, %select_n3A_248 : vector<1000x128xi1>, vector<1000x128xf32>
    %mul3A_250 = arith.mulf %add3A_36, %select_n3A_249 : vector<1000x128xf32>
    %add3A_251 = arith.addf %add3A_240, %mul3A_250 : vector<1000x128xf32>
    %broadcast_in_dim3A_252 = arith.constant 0.000000e+00 : f32
    %broadcast_in_dim3A_253 = vector.broadcast %broadcast_in_dim3A_252 : f32 to vector<1000x128xf32>
    %select_n3A_254 = arith.select %eq3A_203, %select_n3A_83, %broadcast_in_dim3A_253 : vector<1000x128xi1>, vector<1000x128xf32>
    %select_n3A_255 = arith.select %eq3A_206, %select_n3A_102, %select_n3A_254 : vector<1000x128xi1>, vector<1000x128xf32>
    %select_n3A_256 = arith.select %eq3A_209, %select_n3A_121, %select_n3A_255 : vector<1000x128xi1>, vector<1000x128xf32>
    %select_n3A_257 = arith.select %eq3A_212, %select_n3A_140, %select_n3A_256 : vector<1000x128xi1>, vector<1000x128xf32>
    %select_n3A_258 = arith.select %eq3A_215, %select_n3A_159, %select_n3A_257 : vector<1000x128xi1>, vector<1000x128xf32>
    %select_n3A_259 = arith.select %eq3A_218, %select_n3A_178, %select_n3A_258 : vector<1000x128xi1>, vector<1000x128xf32>
    %select_n3A_260 = arith.select %eq3A_221, %select_n3A_197, %select_n3A_259 : vector<1000x128xi1>, vector<1000x128xf32>
    %mul3A_261 = arith.mulf %add3A_50, %select_n3A_260 : vector<1000x128xf32>
    %add3A_262 = arith.addf %add3A_251, %mul3A_261 : vector<1000x128xf32>
    %broadcast_in_dim3A_263 = arith.constant 0.000000e+00 : f32
    %broadcast_in_dim3A_264 = vector.broadcast %broadcast_in_dim3A_263 : f32 to vector<1000x128xf32>
    %select_n3A_265 = arith.select %eq3A_200, %select_n3A_83, %broadcast_in_dim3A_264 : vector<1000x128xi1>, vector<1000x128xf32>
    %select_n3A_266 = arith.select %eq3A_203, %select_n3A_102, %select_n3A_265 : vector<1000x128xi1>, vector<1000x128xf32>
    %select_n3A_267 = arith.select %eq3A_206, %select_n3A_121, %select_n3A_266 : vector<1000x128xi1>, vector<1000x128xf32>
    %select_n3A_268 = arith.select %eq3A_209, %select_n3A_140, %select_n3A_267 : vector<1000x128xi1>, vector<1000x128xf32>
    %select_n3A_269 = arith.select %eq3A_212, %select_n3A_159, %select_n3A_268 : vector<1000x128xi1>, vector<1000x128xf32>
    %select_n3A_270 = arith.select %eq3A_215, %select_n3A_178, %select_n3A_269 : vector<1000x128xi1>, vector<1000x128xf32>
    %select_n3A_271 = arith.select %eq3A_218, %select_n3A_197, %select_n3A_270 : vector<1000x128xi1>, vector<1000x128xf32>
    %mul3A_272 = arith.mulf %mul3A_53, %select_n3A_271 : vector<1000x128xf32>
    %add3A_273 = arith.addf %add3A_262, %mul3A_272 : vector<1000x128xf32>
    %get3A_274 = arith.constant 0 : index
    %get3A_275 = memref.load %arg4[%get3A_274] : memref<4xf32, #tpu.memory_space<smem>>
    %get3A_276 = arith.constant 1 : index
    %get3A_277 = memref.load %arg4[%get3A_276] : memref<4xf32, #tpu.memory_space<smem>>
    %get3A_278 = arith.constant 2 : index
    %get3A_279 = memref.load %arg4[%get3A_278] : memref<4xf32, #tpu.memory_space<smem>>
    %get3A_280 = arith.constant 3 : index
    %get3A_281 = memref.load %arg4[%get3A_280] : memref<4xf32, #tpu.memory_space<smem>>
    %broadcast_in_dim3A_282 = vector.broadcast %get3A_281 : f32 to vector<1000x128xf32>
    %broadcast_in_dim3A_283 = vector.broadcast %get3A_275 : f32 to vector<1000x128xf32>
    %select_n3A_284 = arith.select %eq3A_58, %broadcast_in_dim3A_283, %broadcast_in_dim3A_282 : vector<1000x128xi1>, vector<1000x128xf32>
    %broadcast_in_dim3A_285 = vector.broadcast %get3A_277 : f32 to vector<1000x128xf32>
    %select_n3A_286 = arith.select %eq3A_61, %broadcast_in_dim3A_285, %select_n3A_284 : vector<1000x128xi1>, vector<1000x128xf32>
    %broadcast_in_dim3A_287 = vector.broadcast %get3A_279 : f32 to vector<1000x128xf32>
    %select_n3A_288 = arith.select %eq3A_64, %broadcast_in_dim3A_287, %select_n3A_286 : vector<1000x128xi1>, vector<1000x128xf32>
    %get3A_289 = arith.constant 0 : index
    %get3A_290 = memref.load %arg5[%get3A_289] : memref<4xf32, #tpu.memory_space<smem>>
    %get3A_291 = arith.constant 1 : index
    %get3A_292 = memref.load %arg5[%get3A_291] : memref<4xf32, #tpu.memory_space<smem>>
    %get3A_293 = arith.constant 2 : index
    %get3A_294 = memref.load %arg5[%get3A_293] : memref<4xf32, #tpu.memory_space<smem>>
    %get3A_295 = arith.constant 3 : index
    %get3A_296 = memref.load %arg5[%get3A_295] : memref<4xf32, #tpu.memory_space<smem>>
    %broadcast_in_dim3A_297 = vector.broadcast %get3A_296 : f32 to vector<1000x128xf32>
    %broadcast_in_dim3A_298 = vector.broadcast %get3A_290 : f32 to vector<1000x128xf32>
    %select_n3A_299 = arith.select %eq3A_58, %broadcast_in_dim3A_298, %broadcast_in_dim3A_297 : vector<1000x128xi1>, vector<1000x128xf32>
    %broadcast_in_dim3A_300 = vector.broadcast %get3A_292 : f32 to vector<1000x128xf32>
    %select_n3A_301 = arith.select %eq3A_61, %broadcast_in_dim3A_300, %select_n3A_299 : vector<1000x128xi1>, vector<1000x128xf32>
    %broadcast_in_dim3A_302 = vector.broadcast %get3A_294 : f32 to vector<1000x128xf32>
    %select_n3A_303 = arith.select %eq3A_64, %broadcast_in_dim3A_302, %select_n3A_301 : vector<1000x128xi1>, vector<1000x128xf32>
    %mul3A_304 = arith.mulf %select_n3A_288, %mul3A : vector<1000x128xf32>
    %mul3A_305 = arith.mulf %select_n3A_303, %add3A_273 : vector<1000x128xf32>
    %add3A_306 = arith.addf %mul3A_304, %mul3A_305 : vector<1000x128xf32>
    %get3A_307 = arith.constant 0 : index
    %get3A_308 = arith.constant 0 : index
    %get3A_309 = vector.load %arg6[%get3A_307, %get3A_308] : memref<1x128xf32, #tpu.memory_space<vmem>>, vector<1x128xf32>
    %mul3A_310 = vector.broadcast %get3A_309 : vector<1x128xf32> to vector<1000x128xf32>
    %mul3A_311 = arith.mulf %add3A_306, %mul3A_310 : vector<1000x128xf32>
    %iota3A_312 = tpu.iota {dimensions = array<i32: 0>} : vector<128x2xi32>
    %jit3A = arith.constant 64 : i32
    %div3A = vector.broadcast %jit3A : i32 to vector<128x2xi32>
    %div3A_313 = arith.divsi %iota3A_312, %div3A : vector<128x2xi32>
    %sign3A = arith.constant 0 : i32
    %sign3A_314 = vector.broadcast %sign3A : i32 to vector<128x2xi32>
    %sign3A_315 = arith.cmpi sgt, %iota3A_312, %sign3A_314 : vector<128x2xi32>
    %sign3A_316 = arith.extui %sign3A_315 : vector<128x2xi1> to vector<128x2xi32>
    %sign3A_317 = arith.constant 0 : i32
    %sign3A_318 = vector.broadcast %sign3A_317 : i32 to vector<128x2xi32>
    %sign3A_319 = arith.cmpi slt, %iota3A_312, %sign3A_318 : vector<128x2xi32>
    %sign3A_320 = arith.extui %sign3A_319 : vector<128x2xi1> to vector<128x2xi32>
    %sign3A_321 = arith.subi %sign3A_316, %sign3A_320 : vector<128x2xi32>
    %sign3A_322 = arith.constant 0 : i32
    %sign3A_323 = arith.cmpi sgt, %jit3A, %sign3A_322 : i32
    %sign3A_324 = arith.extui %sign3A_323 : i1 to i32
    %sign3A_325 = arith.constant 0 : i32
    %sign3A_326 = arith.cmpi slt, %jit3A, %sign3A_325 : i32
    %sign3A_327 = arith.extui %sign3A_326 : i1 to i32
    %sign3A_328 = arith.subi %sign3A_324, %sign3A_327 : i32
    %ne3A = vector.broadcast %sign3A_328 : i32 to vector<128x2xi32>
    %ne3A_329 = arith.cmpi ne, %sign3A_321, %ne3A : vector<128x2xi32>
    %rem3A = vector.broadcast %jit3A : i32 to vector<128x2xi32>
    %rem3A_330 = arith.remsi %iota3A_312, %rem3A : vector<128x2xi32>
    %ne3A_331 = arith.constant 0 : i32
    %ne3A_332 = vector.broadcast %ne3A_331 : i32 to vector<128x2xi32>
    %ne3A_333 = arith.cmpi ne, %rem3A_330, %ne3A_332 : vector<128x2xi32>
    %and3A = arith.andi %ne3A_329, %ne3A_333 : vector<128x2xi1>
    %sub3A_334 = arith.constant 1 : i32
    %sub3A_335 = vector.broadcast %sub3A_334 : i32 to vector<128x2xi32>
    %sub3A_336 = arith.subi %div3A_313, %sub3A_335 : vector<128x2xi32>
    %select_n3A_337 = arith.select %and3A, %sub3A_336, %div3A_313 : vector<128x2xi1>, vector<128x2xi32>
    %iota3A_338 = tpu.iota {dimensions = array<i32: 1>} : vector<128x2xi32>
    %eq3A_339 = arith.cmpi eq, %select_n3A_337, %iota3A_338 : vector<128x2xi32>
    %convert_element_type3A_340 = arith.extui %eq3A_339 : vector<128x2xi1> to vector<128x2xi32>
    %convert_element_type3A_341 = arith.sitofp %convert_element_type3A_340 : vector<128x2xi32> to vector<128x2xf32>
    %dot_general3A = arith.constant dense<0.000000e+00> : vector<1000x2xf32>
    %dot_general3A_342 = tpu.matmul %mul3A_311, %convert_element_type3A_341, %dot_general3A {dimension_numbers = #tpu.dot_dimension_numbers<[1], [0], [0], [1], [0, 0, 1, 1], [], []>, precision = #tpu.contract_precision<fp32>, transpose_lhs_hint = false} : vector<1000x128xf32>, vector<128x2xf32>, vector<1000x2xf32> -> vector<1000x2xf32>
    %swap3A = arith.constant 0 : index
    %swap3A_343 = arith.constant 0 : index
    %swap3A_344 = vector.load %arg7[%swap3A, %swap3A_343] : memref<1000x128xf32, #tpu.memory_space<vmem>>, vector<1000x128xf32>
    tpu.vector_store %arg7[%swap3A, %swap3A_343], %add3A_306 {strides = array<i32>} : memref<1000x128xf32, #tpu.memory_space<vmem>>, vector<1000x128xf32>,
    %swap3A_345 = arith.constant 0 : index
    %swap3A_346 = arith.constant 0 : index
    %swap3A_347 = arith.constant 0 : index
    %swap3A_348 = vector.load %arg8[%swap3A_345, %swap3A_346, %swap3A_347] : memref<1x1000x2xf32, #tpu.memory_space<vmem>>, vector<1x1000x2xf32>
    %swap3A_349 = vector.shape_cast %swap3A_348 : vector<1x1000x2xf32> to vector<1000x2xf32>
    %swap3A_350 = vector.shape_cast %dot_general3A_342 : vector<1000x2xf32> to vector<1x1000x2xf32>
    tpu.vector_store %arg8[%swap3A_345, %swap3A_346, %swap3A_347], %swap3A_350 {strides = array<i32>} : memref<1x1000x2xf32, #tpu.memory_space<vmem>>, vector<1x1000x2xf32>,
    return
  }
  func.func @transform_0(%arg0: i32) -> (i32, i32) {
    %c0_i32 = arith.constant 0 : i32
    %c0_i32_0 = arith.constant 0 : i32
    return %arg0, %c0_i32 : i32, i32
  }
  func.func @transform_1(%arg0: i32) -> (i32, i32, i32) {
    %c0_i32 = arith.constant 0 : i32
    %c0_i32_0 = arith.constant 0 : i32
    %c0_i32_1 = arith.constant 0 : i32
    return %arg0, %c0_i32, %c0_i32_0 : i32, i32, i32
  }
  func.func @transform_2(%arg0: i32) -> (i32, i32) {
    %c0_i32 = arith.constant 0 : i32
    %c0_i32_0 = arith.constant 0 : i32
    %c0_i32_1 = arith.constant 0 : i32
    return %c0_i32, %c0_i32_0 : i32, i32
  }
  func.func @transform_3(%arg0: i32) -> i32 {
    %c0_i32 = arith.constant 0 : i32
    %c0_i32_0 = arith.constant 0 : i32
    return %c0_i32 : i32
  }
  func.func @transform_4(%arg0: i32) -> i32 {
    %c0_i32 = arith.constant 0 : i32
    %c0_i32_0 = arith.constant 0 : i32
    return %c0_i32 : i32
  }
  func.func @transform_5(%arg0: i32) -> (i32, i32) {
    %c0_i32 = arith.constant 0 : i32
    %c0_i32_0 = arith.constant 0 : i32
    %c0_i32_1 = arith.constant 0 : i32
    return %c0_i32, %c0_i32_0 : i32, i32
  }
  func.func @transform_6(%arg0: i32) -> (i32, i32) {
    %c0_i32 = arith.constant 0 : i32
    %c0_i32_0 = arith.constant 0 : i32
    return %arg0, %c0_i32 : i32, i32
  }
  func.func @transform_7(%arg0: i32) -> (i32, i32, i32) {
    %c0_i32 = arith.constant 0 : i32
    %c0_i32_0 = arith.constant 0 : i32
    %c0_i32_1 = arith.constant 0 : i32
    return %arg0, %c0_i32, %c0_i32_0 : i32, i32, i32
  }
}

module attributes {stable_mosaic.version = 14 : i64} {
  func.func @body(%arg0: i32, %arg1: memref<1000x128xf32, #tpu.memory_space<vmem>>, %arg2: memref<1x1000x2xf32, #tpu.memory_space<vmem>>, %arg3: memref<1x1000x2xi32, #tpu.memory_space<vmem>>, %arg4: memref<1250x128xf32, #tpu.memory_space<vmem>>, %arg5: memref<1250x128xi32, #tpu.memory_space<vmem>>, %arg6: memref<1000x128xf32, #tpu.memory_space<vmem>>, %arg7: memref<1x1000x2xf32, #tpu.memory_space<vmem>>, %arg8: memref<4xf32, #tpu.memory_space<smem>>, %arg9: memref<4xf32, #tpu.memory_space<smem>>) attributes {dimension_semantics = [#tpu.dimension_semantics<arbitrary>], iteration_bounds = array<i64: 80>, scalar_prefetch = 0 : i64, scratch_operands = 2 : i64, tpu.core_type = #tpu.core_type<tc>, window_params = [{transform_indices = @transform_0, window_bounds = array<i64: 1000, 128>}, {transform_indices = @transform_1, window_bounds = array<i64: 1, 1000, 2>}, {transform_indices = @transform_2, window_bounds = array<i64: 1, 1000, 2>}, {pipeline_mode = #tpu.pipeline_mode<synchronous>, transform_indices = @transform_3, window_bounds = array<i64: 1250, 128>}, {pipeline_mode = #tpu.pipeline_mode<synchronous>, transform_indices = @transform_4, window_bounds = array<i64: 1250, 128>}, {transform_indices = @transform_5, window_bounds = array<i64: 1000, 128>}, {transform_indices = @transform_6, window_bounds = array<i64: 1, 1000, 2>}]} {
    %eq3A = arith.constant 0 : i32
    %eq3A_0 = arith.cmpi eq, %arg0, %eq3A : i32
    %convert_element_type3A = arith.extui %eq3A_0 : i1 to i32
    %cond3A = arith.constant 0 : i32
    %cond3A_1 = arith.cmpi ne, %convert_element_type3A, %cond3A : i32
    scf.if %cond3A_1 {
      %get3A_88 = arith.constant 0 : index
      %get3A_89 = arith.constant 0 : index
      %get3A_90 = vector.load %arg4[%get3A_88, %get3A_89] : memref<1250x128xf32, #tpu.memory_space<vmem>>, vector<1250x128xf32>
      %get3A_91 = arith.constant 0 : index
      %get3A_92 = arith.constant 0 : index
      %get3A_93 = vector.load %arg5[%get3A_91, %get3A_92] : memref<1250x128xi32, #tpu.memory_space<vmem>>, vector<1250x128xi32>
      %eq3A_94 = arith.constant 0 : i32
      %eq3A_95 = vector.broadcast %eq3A_94 : i32 to vector<1250x128xi32>
      %eq3A_96 = arith.cmpi eq, %get3A_93, %eq3A_95 : vector<1250x128xi32>
      %jit3A = arith.constant -1.000000e+30 : f32
      %broadcast_in_dim3A_97 = vector.broadcast %jit3A : f32 to vector<1250x128xf32>
      %select_n3A_98 = arith.select %eq3A_96, %get3A_90, %broadcast_in_dim3A_97 : vector<1250x128xi1>, vector<1250x128xf32>
      %reduce_max3A = vector.shape_cast %select_n3A_98 : vector<1250x128xf32> to vector<1x1250x128xf32>
      %reduce_max3A_99 = arith.constant dense<0xFF800000> : vector<1xf32>
      %reduce_max3A_100 = vector.multi_reduction <maximumf>, %reduce_max3A, %reduce_max3A_99 [1, 2] : vector<1x1250x128xf32> to vector<1xf32>
      %reduce_max3A_101 = vector.shape_cast %reduce_max3A_100 : vector<1xf32> to vector<1x1x1xf32>
      %reduce_max3A_102 = vector.extract %reduce_max3A_101[0, 0, 0] : f32 from vector<1x1x1xf32>
      %swap3A_103 = arith.constant 0 : index
      %swap3A_104 = memref.load %arg8[%swap3A_103] : memref<4xf32, #tpu.memory_space<smem>>
      memref.store %reduce_max3A_102, %arg8[%swap3A_103] : memref<4xf32, #tpu.memory_space<smem>>
      %sub3A_105 = vector.broadcast %reduce_max3A_102 : f32 to vector<1250x128xf32>
      %sub3A_106 = arith.subf %select_n3A_98, %sub3A_105 : vector<1250x128xf32>
      %exp3A_107 = math.exp %sub3A_106 : vector<1250x128xf32>
      %reduce_sum3A = vector.shape_cast %exp3A_107 : vector<1250x128xf32> to vector<1x1250x128xf32>
      %reduce_sum3A_108 = arith.constant dense<0.000000e+00> : vector<1xf32>
      %reduce_sum3A_109 = vector.multi_reduction <add>, %reduce_sum3A, %reduce_sum3A_108 [1, 2] : vector<1x1250x128xf32> to vector<1xf32>
      %reduce_sum3A_110 = vector.shape_cast %reduce_sum3A_109 : vector<1xf32> to vector<1x1x1xf32>
      %reduce_sum3A_111 = vector.extract %reduce_sum3A_110[0, 0, 0] : f32 from vector<1x1x1xf32>
      %swap3A_112 = arith.constant 0 : index
      %swap3A_113 = memref.load %arg9[%swap3A_112] : memref<4xf32, #tpu.memory_space<smem>>
      memref.store %reduce_sum3A_111, %arg9[%swap3A_112] : memref<4xf32, #tpu.memory_space<smem>>
      %eq3A_114 = arith.constant 1 : i32
      %eq3A_115 = vector.broadcast %eq3A_114 : i32 to vector<1250x128xi32>
      %eq3A_116 = arith.cmpi eq, %get3A_93, %eq3A_115 : vector<1250x128xi32>
      %jit3A_117 = arith.constant -1.000000e+30 : f32
      %broadcast_in_dim3A_118 = vector.broadcast %jit3A_117 : f32 to vector<1250x128xf32>
      %select_n3A_119 = arith.select %eq3A_116, %get3A_90, %broadcast_in_dim3A_118 : vector<1250x128xi1>, vector<1250x128xf32>
      %reduce_max3A_120 = vector.shape_cast %select_n3A_119 : vector<1250x128xf32> to vector<1x1250x128xf32>
      %reduce_max3A_121 = arith.constant dense<0xFF800000> : vector<1xf32>
      %reduce_max3A_122 = vector.multi_reduction <maximumf>, %reduce_max3A_120, %reduce_max3A_121 [1, 2] : vector<1x1250x128xf32> to vector<1xf32>
      %reduce_max3A_123 = vector.shape_cast %reduce_max3A_122 : vector<1xf32> to vector<1x1x1xf32>
      %reduce_max3A_124 = vector.extract %reduce_max3A_123[0, 0, 0] : f32 from vector<1x1x1xf32>
      %swap3A_125 = arith.constant 1 : index
      %swap3A_126 = memref.load %arg8[%swap3A_125] : memref<4xf32, #tpu.memory_space<smem>>
      memref.store %reduce_max3A_124, %arg8[%swap3A_125] : memref<4xf32, #tpu.memory_space<smem>>
      %sub3A_127 = vector.broadcast %reduce_max3A_124 : f32 to vector<1250x128xf32>
      %sub3A_128 = arith.subf %select_n3A_119, %sub3A_127 : vector<1250x128xf32>
      %exp3A_129 = math.exp %sub3A_128 : vector<1250x128xf32>
      %reduce_sum3A_130 = vector.shape_cast %exp3A_129 : vector<1250x128xf32> to vector<1x1250x128xf32>
      %reduce_sum3A_131 = arith.constant dense<0.000000e+00> : vector<1xf32>
      %reduce_sum3A_132 = vector.multi_reduction <add>, %reduce_sum3A_130, %reduce_sum3A_131 [1, 2] : vector<1x1250x128xf32> to vector<1xf32>
      %reduce_sum3A_133 = vector.shape_cast %reduce_sum3A_132 : vector<1xf32> to vector<1x1x1xf32>
      %reduce_sum3A_134 = vector.extract %reduce_sum3A_133[0, 0, 0] : f32 from vector<1x1x1xf32>
      %swap3A_135 = arith.constant 1 : index
      %swap3A_136 = memref.load %arg9[%swap3A_135] : memref<4xf32, #tpu.memory_space<smem>>
      memref.store %reduce_sum3A_134, %arg9[%swap3A_135] : memref<4xf32, #tpu.memory_space<smem>>
      %eq3A_137 = arith.constant 2 : i32
      %eq3A_138 = vector.broadcast %eq3A_137 : i32 to vector<1250x128xi32>
      %eq3A_139 = arith.cmpi eq, %get3A_93, %eq3A_138 : vector<1250x128xi32>
      %jit3A_140 = arith.constant -1.000000e+30 : f32
      %broadcast_in_dim3A_141 = vector.broadcast %jit3A_140 : f32 to vector<1250x128xf32>
      %select_n3A_142 = arith.select %eq3A_139, %get3A_90, %broadcast_in_dim3A_141 : vector<1250x128xi1>, vector<1250x128xf32>
      %reduce_max3A_143 = vector.shape_cast %select_n3A_142 : vector<1250x128xf32> to vector<1x1250x128xf32>
      %reduce_max3A_144 = arith.constant dense<0xFF800000> : vector<1xf32>
      %reduce_max3A_145 = vector.multi_reduction <maximumf>, %reduce_max3A_143, %reduce_max3A_144 [1, 2] : vector<1x1250x128xf32> to vector<1xf32>
      %reduce_max3A_146 = vector.shape_cast %reduce_max3A_145 : vector<1xf32> to vector<1x1x1xf32>
      %reduce_max3A_147 = vector.extract %reduce_max3A_146[0, 0, 0] : f32 from vector<1x1x1xf32>
      %swap3A_148 = arith.constant 2 : index
      %swap3A_149 = memref.load %arg8[%swap3A_148] : memref<4xf32, #tpu.memory_space<smem>>
      memref.store %reduce_max3A_147, %arg8[%swap3A_148] : memref<4xf32, #tpu.memory_space<smem>>
      %sub3A_150 = vector.broadcast %reduce_max3A_147 : f32 to vector<1250x128xf32>
      %sub3A_151 = arith.subf %select_n3A_142, %sub3A_150 : vector<1250x128xf32>
      %exp3A_152 = math.exp %sub3A_151 : vector<1250x128xf32>
      %reduce_sum3A_153 = vector.shape_cast %exp3A_152 : vector<1250x128xf32> to vector<1x1250x128xf32>
      %reduce_sum3A_154 = arith.constant dense<0.000000e+00> : vector<1xf32>
      %reduce_sum3A_155 = vector.multi_reduction <add>, %reduce_sum3A_153, %reduce_sum3A_154 [1, 2] : vector<1x1250x128xf32> to vector<1xf32>
      %reduce_sum3A_156 = vector.shape_cast %reduce_sum3A_155 : vector<1xf32> to vector<1x1x1xf32>
      %reduce_sum3A_157 = vector.extract %reduce_sum3A_156[0, 0, 0] : f32 from vector<1x1x1xf32>
      %swap3A_158 = arith.constant 2 : index
      %swap3A_159 = memref.load %arg9[%swap3A_158] : memref<4xf32, #tpu.memory_space<smem>>
      memref.store %reduce_sum3A_157, %arg9[%swap3A_158] : memref<4xf32, #tpu.memory_space<smem>>
      %eq3A_160 = arith.constant 3 : i32
      %eq3A_161 = vector.broadcast %eq3A_160 : i32 to vector<1250x128xi32>
      %eq3A_162 = arith.cmpi eq, %get3A_93, %eq3A_161 : vector<1250x128xi32>
      %jit3A_163 = arith.constant -1.000000e+30 : f32
      %broadcast_in_dim3A_164 = vector.broadcast %jit3A_163 : f32 to vector<1250x128xf32>
      %select_n3A_165 = arith.select %eq3A_162, %get3A_90, %broadcast_in_dim3A_164 : vector<1250x128xi1>, vector<1250x128xf32>
      %reduce_max3A_166 = vector.shape_cast %select_n3A_165 : vector<1250x128xf32> to vector<1x1250x128xf32>
      %reduce_max3A_167 = arith.constant dense<0xFF800000> : vector<1xf32>
      %reduce_max3A_168 = vector.multi_reduction <maximumf>, %reduce_max3A_166, %reduce_max3A_167 [1, 2] : vector<1x1250x128xf32> to vector<1xf32>
      %reduce_max3A_169 = vector.shape_cast %reduce_max3A_168 : vector<1xf32> to vector<1x1x1xf32>
      %reduce_max3A_170 = vector.extract %reduce_max3A_169[0, 0, 0] : f32 from vector<1x1x1xf32>
      %swap3A_171 = arith.constant 3 : index
      %swap3A_172 = memref.load %arg8[%swap3A_171] : memref<4xf32, #tpu.memory_space<smem>>
      memref.store %reduce_max3A_170, %arg8[%swap3A_171] : memref<4xf32, #tpu.memory_space<smem>>
      %sub3A_173 = vector.broadcast %reduce_max3A_170 : f32 to vector<1250x128xf32>
      %sub3A_174 = arith.subf %select_n3A_165, %sub3A_173 : vector<1250x128xf32>
      %exp3A_175 = math.exp %sub3A_174 : vector<1250x128xf32>
      %reduce_sum3A_176 = vector.shape_cast %exp3A_175 : vector<1250x128xf32> to vector<1x1250x128xf32>
      %reduce_sum3A_177 = arith.constant dense<0.000000e+00> : vector<1xf32>
      %reduce_sum3A_178 = vector.multi_reduction <add>, %reduce_sum3A_176, %reduce_sum3A_177 [1, 2] : vector<1x1250x128xf32> to vector<1xf32>
      %reduce_sum3A_179 = vector.shape_cast %reduce_sum3A_178 : vector<1xf32> to vector<1x1x1xf32>
      %reduce_sum3A_180 = vector.extract %reduce_sum3A_179[0, 0, 0] : f32 from vector<1x1x1xf32>
      %swap3A_181 = arith.constant 3 : index
      %swap3A_182 = memref.load %arg9[%swap3A_181] : memref<4xf32, #tpu.memory_space<smem>>
      memref.store %reduce_sum3A_180, %arg9[%swap3A_181] : memref<4xf32, #tpu.memory_space<smem>>
    } else {
    }
    %get3A = arith.constant 0 : index
    %get3A_2 = arith.constant 0 : index
    %get3A_3 = arith.constant 0 : index
    %get3A_4 = vector.load %arg2[%get3A, %get3A_2, %get3A_3] : memref<1x1000x2xf32, #tpu.memory_space<vmem>>, vector<1x1000x2xf32>
    %get3A_5 = vector.shape_cast %get3A_4 : vector<1x1000x2xf32> to vector<1000x2xf32>
    %get3A_6 = arith.constant 0 : index
    %get3A_7 = arith.constant 0 : index
    %get3A_8 = arith.constant 0 : index
    %get3A_9 = vector.load %arg3[%get3A_6, %get3A_7, %get3A_8] : memref<1x1000x2xi32, #tpu.memory_space<vmem>>, vector<1x1000x2xi32>
    %get3A_10 = vector.shape_cast %get3A_9 : vector<1x1000x2xi32> to vector<1000x2xi32>
    %broadcast_in_dim3A = arith.constant 0.000000e+00 : f32
    %broadcast_in_dim3A_11 = vector.broadcast %broadcast_in_dim3A : f32 to vector<1000x2xf32>
    %broadcast_in_dim3A_12 = arith.constant 1.000000e+00 : f32
    %broadcast_in_dim3A_13 = vector.broadcast %broadcast_in_dim3A_12 : f32 to vector<1000x2xf32>
    %eq3A_14 = arith.constant 0 : i32
    %eq3A_15 = vector.broadcast %eq3A_14 : i32 to vector<1000x2xi32>
    %eq3A_16 = arith.cmpi eq, %get3A_10, %eq3A_15 : vector<1000x2xi32>
    %get3A_17 = arith.constant 0 : index
    %get3A_18 = memref.load %arg8[%get3A_17] : memref<4xf32, #tpu.memory_space<smem>>
    %broadcast_in_dim3A_19 = vector.broadcast %get3A_18 : f32 to vector<1000x2xf32>
    %select_n3A = arith.select %eq3A_16, %broadcast_in_dim3A_19, %broadcast_in_dim3A_11 : vector<1000x2xi1>, vector<1000x2xf32>
    %eq3A_20 = arith.constant 0 : i32
    %eq3A_21 = vector.broadcast %eq3A_20 : i32 to vector<1000x2xi32>
    %eq3A_22 = arith.cmpi eq, %get3A_10, %eq3A_21 : vector<1000x2xi32>
    %get3A_23 = arith.constant 0 : index
    %get3A_24 = memref.load %arg9[%get3A_23] : memref<4xf32, #tpu.memory_space<smem>>
    %broadcast_in_dim3A_25 = vector.broadcast %get3A_24 : f32 to vector<1000x2xf32>
    %select_n3A_26 = arith.select %eq3A_22, %broadcast_in_dim3A_25, %broadcast_in_dim3A_13 : vector<1000x2xi1>, vector<1000x2xf32>
    %eq3A_27 = arith.constant 1 : i32
    %eq3A_28 = vector.broadcast %eq3A_27 : i32 to vector<1000x2xi32>
    %eq3A_29 = arith.cmpi eq, %get3A_10, %eq3A_28 : vector<1000x2xi32>
    %get3A_30 = arith.constant 1 : index
    %get3A_31 = memref.load %arg8[%get3A_30] : memref<4xf32, #tpu.memory_space<smem>>
    %broadcast_in_dim3A_32 = vector.broadcast %get3A_31 : f32 to vector<1000x2xf32>
    %select_n3A_33 = arith.select %eq3A_29, %broadcast_in_dim3A_32, %select_n3A : vector<1000x2xi1>, vector<1000x2xf32>
    %eq3A_34 = arith.constant 1 : i32
    %eq3A_35 = vector.broadcast %eq3A_34 : i32 to vector<1000x2xi32>
    %eq3A_36 = arith.cmpi eq, %get3A_10, %eq3A_35 : vector<1000x2xi32>
    %get3A_37 = arith.constant 1 : index
    %get3A_38 = memref.load %arg9[%get3A_37] : memref<4xf32, #tpu.memory_space<smem>>
    %broadcast_in_dim3A_39 = vector.broadcast %get3A_38 : f32 to vector<1000x2xf32>
    %select_n3A_40 = arith.select %eq3A_36, %broadcast_in_dim3A_39, %select_n3A_26 : vector<1000x2xi1>, vector<1000x2xf32>
    %eq3A_41 = arith.constant 2 : i32
    %eq3A_42 = vector.broadcast %eq3A_41 : i32 to vector<1000x2xi32>
    %eq3A_43 = arith.cmpi eq, %get3A_10, %eq3A_42 : vector<1000x2xi32>
    %get3A_44 = arith.constant 2 : index
    %get3A_45 = memref.load %arg8[%get3A_44] : memref<4xf32, #tpu.memory_space<smem>>
    %broadcast_in_dim3A_46 = vector.broadcast %get3A_45 : f32 to vector<1000x2xf32>
    %select_n3A_47 = arith.select %eq3A_43, %broadcast_in_dim3A_46, %select_n3A_33 : vector<1000x2xi1>, vector<1000x2xf32>
    %eq3A_48 = arith.constant 2 : i32
    %eq3A_49 = vector.broadcast %eq3A_48 : i32 to vector<1000x2xi32>
    %eq3A_50 = arith.cmpi eq, %get3A_10, %eq3A_49 : vector<1000x2xi32>
    %get3A_51 = arith.constant 2 : index
    %get3A_52 = memref.load %arg9[%get3A_51] : memref<4xf32, #tpu.memory_space<smem>>
    %broadcast_in_dim3A_53 = vector.broadcast %get3A_52 : f32 to vector<1000x2xf32>
    %select_n3A_54 = arith.select %eq3A_50, %broadcast_in_dim3A_53, %select_n3A_40 : vector<1000x2xi1>, vector<1000x2xf32>
    %eq3A_55 = arith.constant 3 : i32
    %eq3A_56 = vector.broadcast %eq3A_55 : i32 to vector<1000x2xi32>
    %eq3A_57 = arith.cmpi eq, %get3A_10, %eq3A_56 : vector<1000x2xi32>
    %get3A_58 = arith.constant 3 : index
    %get3A_59 = memref.load %arg8[%get3A_58] : memref<4xf32, #tpu.memory_space<smem>>
    %broadcast_in_dim3A_60 = vector.broadcast %get3A_59 : f32 to vector<1000x2xf32>
    %select_n3A_61 = arith.select %eq3A_57, %broadcast_in_dim3A_60, %select_n3A_47 : vector<1000x2xi1>, vector<1000x2xf32>
    %eq3A_62 = arith.constant 3 : i32
    %eq3A_63 = vector.broadcast %eq3A_62 : i32 to vector<1000x2xi32>
    %eq3A_64 = arith.cmpi eq, %get3A_10, %eq3A_63 : vector<1000x2xi32>
    %get3A_65 = arith.constant 3 : index
    %get3A_66 = memref.load %arg9[%get3A_65] : memref<4xf32, #tpu.memory_space<smem>>
    %broadcast_in_dim3A_67 = vector.broadcast %get3A_66 : f32 to vector<1000x2xf32>
    %select_n3A_68 = arith.select %eq3A_64, %broadcast_in_dim3A_67, %select_n3A_54 : vector<1000x2xi1>, vector<1000x2xf32>
    %sub3A = arith.subf %get3A_5, %select_n3A_61 : vector<1000x2xf32>
    %exp3A = math.exp %sub3A : vector<1000x2xf32>
    %div3A = arith.divf %exp3A, %select_n3A_68 : vector<1000x2xf32>
    %iota3A = tpu.iota {dimensions = array<i32: 1>} : vector<1000x128xi32>
    %lt3A = arith.constant 64 : i32
    %lt3A_69 = vector.broadcast %lt3A : i32 to vector<1000x128xi32>
    %lt3A_70 = arith.cmpi slt, %iota3A, %lt3A_69 : vector<1000x128xi32>
    %slice3A = vector.extract_strided_slice %div3A {offsets = [0, 0], sizes = [1000, 1], strides = [1, 1]} : vector<1000x2xf32> to vector<1000x1xf32>
    %slice3A_71 = vector.extract_strided_slice %div3A {offsets = [0, 1], sizes = [1000, 1], strides = [1, 1]} : vector<1000x2xf32> to vector<1000x1xf32>
    %broadcast_in_dim3A_72 = vector.shape_cast %slice3A : vector<1000x1xf32> to vector<1000x1xf32>
    %broadcast_in_dim3A_73 = vector.broadcast %broadcast_in_dim3A_72 : vector<1000x1xf32> to vector<1000x128xf32>
    %broadcast_in_dim3A_74 = vector.shape_cast %slice3A_71 : vector<1000x1xf32> to vector<1000x1xf32>
    %broadcast_in_dim3A_75 = vector.broadcast %broadcast_in_dim3A_74 : vector<1000x1xf32> to vector<1000x128xf32>
    %select_n3A_76 = arith.select %lt3A_70, %broadcast_in_dim3A_73, %broadcast_in_dim3A_75 : vector<1000x128xi1>, vector<1000x128xf32>
    %get3A_77 = arith.constant 0 : index
    %get3A_78 = arith.constant 0 : index
    %get3A_79 = vector.load %arg1[%get3A_77, %get3A_78] : memref<1000x128xf32, #tpu.memory_space<vmem>>, vector<1000x128xf32>
    %mul3A = arith.mulf %get3A_79, %select_n3A_76 : vector<1000x128xf32>
    %swap3A = arith.constant 0 : index
    %swap3A_80 = arith.constant 0 : index
    %swap3A_81 = vector.load %arg6[%swap3A, %swap3A_80] : memref<1000x128xf32, #tpu.memory_space<vmem>>, vector<1000x128xf32>
    tpu.vector_store %arg6[%swap3A, %swap3A_80], %mul3A {strides = array<i32>} : memref<1000x128xf32, #tpu.memory_space<vmem>>, vector<1000x128xf32>,
    %swap3A_82 = arith.constant 0 : index
    %swap3A_83 = arith.constant 0 : index
    %swap3A_84 = arith.constant 0 : index
    %swap3A_85 = vector.load %arg7[%swap3A_82, %swap3A_83, %swap3A_84] : memref<1x1000x2xf32, #tpu.memory_space<vmem>>, vector<1x1000x2xf32>
    %swap3A_86 = vector.shape_cast %swap3A_85 : vector<1x1000x2xf32> to vector<1000x2xf32>
    %swap3A_87 = vector.shape_cast %div3A : vector<1000x2xf32> to vector<1x1000x2xf32>
    tpu.vector_store %arg7[%swap3A_82, %swap3A_83, %swap3A_84], %swap3A_87 {strides = array<i32>} : memref<1x1000x2xf32, #tpu.memory_space<vmem>>, vector<1x1000x2xf32>,
    return
  }
  func.func @transform_0(%arg0: i32) -> (i32, i32) {
    %c0_i32 = arith.constant 0 : i32
    %c0_i32_0 = arith.constant 0 : i32
    return %arg0, %c0_i32 : i32, i32
  }
  func.func @transform_1(%arg0: i32) -> (i32, i32, i32) {
    %c0_i32 = arith.constant 0 : i32
    %c0_i32_0 = arith.constant 0 : i32
    %c0_i32_1 = arith.constant 0 : i32
    return %arg0, %c0_i32, %c0_i32_0 : i32, i32, i32
  }
  func.func @transform_2(%arg0: i32) -> (i32, i32, i32) {
    %c0_i32 = arith.constant 0 : i32
    %c0_i32_0 = arith.constant 0 : i32
    %c0_i32_1 = arith.constant 0 : i32
    return %arg0, %c0_i32, %c0_i32_0 : i32, i32, i32
  }
  func.func @transform_3(%arg0: i32) -> (i32, i32) {
    %c0_i32 = arith.constant 0 : i32
    %c0_i32_0 = arith.constant 0 : i32
    %c0_i32_1 = arith.constant 0 : i32
    return %c0_i32, %c0_i32_0 : i32, i32
  }
  func.func @transform_4(%arg0: i32) -> (i32, i32) {
    %c0_i32 = arith.constant 0 : i32
    %c0_i32_0 = arith.constant 0 : i32
    %c0_i32_1 = arith.constant 0 : i32
    return %c0_i32, %c0_i32_0 : i32, i32
  }
  func.func @transform_5(%arg0: i32) -> (i32, i32) {
    %c0_i32 = arith.constant 0 : i32
    %c0_i32_0 = arith.constant 0 : i32
    return %arg0, %c0_i32 : i32, i32
  }
  func.func @transform_6(%arg0: i32) -> (i32, i32, i32) {
    %c0_i32 = arith.constant 0 : i32
    %c0_i32_0 = arith.constant 0 : i32
    %c0_i32_1 = arith.constant 0 : i32
    return %arg0, %c0_i32, %c0_i32_0 : i32, i32, i32
  }
}

module attributes {stable_mosaic.version = 14 : i64} {
  func.func @body(%arg0: i32, %arg1: memref<2x1000x64xf32, #tpu.memory_space<vmem>>, %arg2: memref<1000x64xf32, #tpu.memory_space<vmem>>, %arg3: memref<192x64xf32, #tpu.memory_space<vmem>>, %arg4: memref<192x64xf32, #tpu.memory_space<vmem>>, %arg5: memref<1x192xf32, #tpu.memory_space<vmem>>, %arg6: memref<1x192xf32, #tpu.memory_space<vmem>>, %arg7: memref<1000x64xf32, #tpu.memory_space<vmem>>) attributes {dimension_semantics = [#tpu.dimension_semantics<arbitrary>], iteration_bounds = array<i64: 10>, scalar_prefetch = 0 : i64, scratch_operands = 0 : i64, tpu.core_type = #tpu.core_type<tc>, window_params = [{transform_indices = @transform_0, window_bounds = array<i64: 2, 1000, 64>}, {transform_indices = @transform_1, window_bounds = array<i64: 1000, 64>}, {pipeline_mode = #tpu.pipeline_mode<synchronous>, transform_indices = @transform_2, window_bounds = array<i64: 192, 64>}, {pipeline_mode = #tpu.pipeline_mode<synchronous>, transform_indices = @transform_3, window_bounds = array<i64: 192, 64>}, {pipeline_mode = #tpu.pipeline_mode<synchronous>, transform_indices = @transform_4, window_bounds = array<i64: 1, 192>}, {pipeline_mode = #tpu.pipeline_mode<synchronous>, transform_indices = @transform_5, window_bounds = array<i64: 1, 192>}, {transform_indices = @transform_6, window_bounds = array<i64: 1000, 64>}]} {
    %get3A = arith.constant 0 : index
    %get3A_0 = arith.constant 0 : index
    %get3A_1 = arith.constant 0 : index
    %get3A_2 = vector.load %arg1[%get3A, %get3A_0, %get3A_1] : memref<2x1000x64xf32, #tpu.memory_space<vmem>>, vector<1x1000x64xf32>
    %get3A_3 = vector.shape_cast %get3A_2 : vector<1x1000x64xf32> to vector<1000x64xf32>
    %get3A_4 = arith.constant 1 : index
    %get3A_5 = arith.constant 0 : index
    %get3A_6 = arith.constant 0 : index
    %get3A_7 = vector.load %arg1[%get3A_4, %get3A_5, %get3A_6] : memref<2x1000x64xf32, #tpu.memory_space<vmem>>, vector<1x1000x64xf32>
    %get3A_8 = vector.shape_cast %get3A_7 : vector<1x1000x64xf32> to vector<1000x64xf32>
    %add3A = arith.addf %get3A_3, %get3A_8 : vector<1000x64xf32>
    %get3A_9 = arith.constant 0 : index
    %get3A_10 = arith.constant 0 : index
    %get3A_11 = vector.load %arg2[%get3A_9, %get3A_10] : memref<1000x64xf32, #tpu.memory_space<vmem>>, vector<1000x64xf32>
    %get3A_12 = arith.constant 0 : index
    %get3A_13 = arith.constant 0 : index
    %get3A_14 = vector.load %arg3[%get3A_12, %get3A_13] : memref<192x64xf32, #tpu.memory_space<vmem>>, vector<192x64xf32>
    %dot_general3A = arith.constant dense<0.000000e+00> : vector<1000x192xf32>
    %dot_general3A_15 = tpu.matmul %add3A, %get3A_14, %dot_general3A {dimension_numbers = #tpu.dot_dimension_numbers<[1], [1], [0], [0], [0, 0, 1, 0], [], []>, transpose_lhs_hint = false} : vector<1000x64xf32>, vector<192x64xf32>, vector<1000x192xf32> -> vector<1000x192xf32>
    %get3A_16 = arith.constant 0 : index
    %get3A_17 = arith.constant 0 : index
    %get3A_18 = vector.load %arg5[%get3A_16, %get3A_17] : memref<1x192xf32, #tpu.memory_space<vmem>>, vector<1x192xf32>
    %add3A_19 = vector.broadcast %get3A_18 : vector<1x192xf32> to vector<1000x192xf32>
    %add3A_20 = arith.addf %dot_general3A_15, %add3A_19 : vector<1000x192xf32>
    %get3A_21 = arith.constant 0 : index
    %get3A_22 = arith.constant 0 : index
    %get3A_23 = vector.load %arg4[%get3A_21, %get3A_22] : memref<192x64xf32, #tpu.memory_space<vmem>>, vector<192x64xf32>
    %dot_general3A_24 = arith.constant dense<0.000000e+00> : vector<1000x192xf32>
    %dot_general3A_25 = tpu.matmul %get3A_11, %get3A_23, %dot_general3A_24 {dimension_numbers = #tpu.dot_dimension_numbers<[1], [1], [0], [0], [0, 0, 1, 0], [], []>, transpose_lhs_hint = false} : vector<1000x64xf32>, vector<192x64xf32>, vector<1000x192xf32> -> vector<1000x192xf32>
    %get3A_26 = arith.constant 0 : index
    %get3A_27 = arith.constant 0 : index
    %get3A_28 = vector.load %arg6[%get3A_26, %get3A_27] : memref<1x192xf32, #tpu.memory_space<vmem>>, vector<1x192xf32>
    %add3A_29 = vector.broadcast %get3A_28 : vector<1x192xf32> to vector<1000x192xf32>
    %add3A_30 = arith.addf %dot_general3A_25, %add3A_29 : vector<1000x192xf32>
    %slice3A = vector.extract_strided_slice %add3A_20 {offsets = [0, 0], sizes = [1000, 64], strides = [1, 1]} : vector<1000x192xf32> to vector<1000x64xf32>
    %slice3A_31 = vector.extract_strided_slice %add3A_30 {offsets = [0, 0], sizes = [1000, 64], strides = [1, 1]} : vector<1000x192xf32> to vector<1000x64xf32>
    %add3A_32 = arith.addf %slice3A, %slice3A_31 : vector<1000x64xf32>
    %logistic3A = arith.negf %add3A_32 : vector<1000x64xf32>
    %logistic3A_33 = math.exp %logistic3A : vector<1000x64xf32>
    %logistic3A_34 = arith.constant 1.000000e+00 : f32
    %logistic3A_35 = vector.broadcast %logistic3A_34 : f32 to vector<1000x64xf32>
    %logistic3A_36 = arith.addf %logistic3A_35, %logistic3A_33 : vector<1000x64xf32>
    %logistic3A_37 = arith.divf %logistic3A_35, %logistic3A_36 : vector<1000x64xf32>
    %slice3A_38 = vector.extract_strided_slice %add3A_20 {offsets = [0, 64], sizes = [1000, 64], strides = [1, 1]} : vector<1000x192xf32> to vector<1000x64xf32>
    %slice3A_39 = vector.extract_strided_slice %add3A_30 {offsets = [0, 64], sizes = [1000, 64], strides = [1, 1]} : vector<1000x192xf32> to vector<1000x64xf32>
    %add3A_40 = arith.addf %slice3A_38, %slice3A_39 : vector<1000x64xf32>
    %logistic3A_41 = arith.negf %add3A_40 : vector<1000x64xf32>
    %logistic3A_42 = math.exp %logistic3A_41 : vector<1000x64xf32>
    %logistic3A_43 = arith.constant 1.000000e+00 : f32
    %logistic3A_44 = vector.broadcast %logistic3A_43 : f32 to vector<1000x64xf32>
    %logistic3A_45 = arith.addf %logistic3A_44, %logistic3A_42 : vector<1000x64xf32>
    %logistic3A_46 = arith.divf %logistic3A_44, %logistic3A_45 : vector<1000x64xf32>
    %slice3A_47 = vector.extract_strided_slice %add3A_20 {offsets = [0, 128], sizes = [1000, 64], strides = [1, 1]} : vector<1000x192xf32> to vector<1000x64xf32>
    %slice3A_48 = vector.extract_strided_slice %add3A_30 {offsets = [0, 128], sizes = [1000, 64], strides = [1, 1]} : vector<1000x192xf32> to vector<1000x64xf32>
    %mul3A = arith.mulf %logistic3A_37, %slice3A_48 : vector<1000x64xf32>
    %add3A_49 = arith.addf %slice3A_47, %mul3A : vector<1000x64xf32>
    %tanh3A = math.tanh %add3A_49 : vector<1000x64xf32>
    %sub3A = arith.constant 1.000000e+00 : f32
    %sub3A_50 = vector.broadcast %sub3A : f32 to vector<1000x64xf32>
    %sub3A_51 = arith.subf %sub3A_50, %logistic3A_46 : vector<1000x64xf32>
    %mul3A_52 = arith.mulf %sub3A_51, %tanh3A : vector<1000x64xf32>
    %mul3A_53 = arith.mulf %logistic3A_46, %get3A_11 : vector<1000x64xf32>
    %add3A_54 = arith.addf %mul3A_52, %mul3A_53 : vector<1000x64xf32>
    %swap3A = arith.constant 0 : index
    %swap3A_55 = arith.constant 0 : index
    %swap3A_56 = vector.load %arg7[%swap3A, %swap3A_55] : memref<1000x64xf32, #tpu.memory_space<vmem>>, vector<1000x64xf32>
    tpu.vector_store %arg7[%swap3A, %swap3A_55], %add3A_54 {strides = array<i32>} : memref<1000x64xf32, #tpu.memory_space<vmem>>, vector<1000x64xf32>,
    return
  }
  func.func @transform_0(%arg0: i32) -> (i32, i32, i32) {
    %c0_i32 = arith.constant 0 : i32
    %c0_i32_0 = arith.constant 0 : i32
    %c0_i32_1 = arith.constant 0 : i32
    return %c0_i32, %arg0, %c0_i32_0 : i32, i32, i32
  }
  func.func @transform_1(%arg0: i32) -> (i32, i32) {
    %c0_i32 = arith.constant 0 : i32
    %c0_i32_0 = arith.constant 0 : i32
    return %arg0, %c0_i32 : i32, i32
  }
  func.func @transform_2(%arg0: i32) -> (i32, i32) {
    %c0_i32 = arith.constant 0 : i32
    %c0_i32_0 = arith.constant 0 : i32
    %c0_i32_1 = arith.constant 0 : i32
    return %c0_i32, %c0_i32_0 : i32, i32
  }
  func.func @transform_3(%arg0: i32) -> (i32, i32) {
    %c0_i32 = arith.constant 0 : i32
    %c0_i32_0 = arith.constant 0 : i32
    %c0_i32_1 = arith.constant 0 : i32
    return %c0_i32, %c0_i32_0 : i32, i32
  }
  func.func @transform_4(%arg0: i32) -> (i32, i32) {
    %c0_i32 = arith.constant 0 : i32
    %c0_i32_0 = arith.constant 0 : i32
    %c0_i32_1 = arith.constant 0 : i32
    return %c0_i32, %c0_i32_0 : i32, i32
  }
  func.func @transform_5(%arg0: i32) -> (i32, i32) {
    %c0_i32 = arith.constant 0 : i32
    %c0_i32_0 = arith.constant 0 : i32
    %c0_i32_1 = arith.constant 0 : i32
    return %c0_i32, %c0_i32_0 : i32, i32
  }
  func.func @transform_6(%arg0: i32) -> (i32, i32) {
    %c0_i32 = arith.constant 0 : i32
    %c0_i32_0 = arith.constant 0 : i32
    return %arg0, %c0_i32 : i32, i32
  }
}

</mosaic_0001>

<sc_bundles>
// kernel: kernel.13.cloned.1.call-start
scs
__scs_entry_jumppad:
0x0: {  	(pc) =	sbr.rel $0x88, $3  }
0x1: {  	(tag) =	ssettag $0x0;
	lr =	simm.s32 $0x1  }
0x2: {  	[smem:$0x3F92] =	sst lr;
	_ =	strace $0xD0000000  }
0x3: {  	_ = 	snop  }
0x4: {  	_ = 	snop  }
0x5: {  	_ = 	snop  }
0x6: {  	_ = 	snop  }
0x7: {  	_ = 	snop  }
__scs_overlays_trampoline_lowered:
0x8: {  	[smem:$0x3FA1] =	sst s0  }
0x9: {  	[smem:$0x3FA2] =	sst s1  }
0xa: {  	[smem:$0x3FA3] =	sst s2  }
0xb: {  	[smem:$0x3FA4] =	sst s3  }
0xc: {  	[smem:$0x3FA5] =	sst s4  }
0xd: {  	[smem:$0x3FA6] =	sst s5  }
0xe: {  	[smem:$0x3FA7] =	sst s6  }
0xf: {  	[smem:$0x3FA8] =	sst s7  }
0x10: {  	[smem:$0x3FA9] =	sst s8  }
0x11: {  	[smem:$0x3FAA] =	sst s9;
	s0 =	simm.s32 @!p0 $0x0  }
0x12: {  	s1 =	sld [smem:$0x3F90];
	s0 =	simm.s32 @p0 $0x1  }
0x13: {  	[smem:$0x3FAB] =	sst s0;
	s0 =	simm.s32 @!p1 $0x0  }
0x14: {  	s2 =	sld [smem:$0x3F8F];
	s0 =	simm.s32 @p1 $0x1  }
0x15: {  	[smem:$0x3FAC] =	sst s0;
	s0 =	simm.s32 @!p2 $0x0  }
0x16: {  	s3 =	sld [smem:$0x3FDB];
	s0 =	simm.s32 @p2 $0x1  }
0x17: {  	s4 =	simm.s32 $0x1BF5;
	[smem:$0x3FAE] =	sst s0  }
0x18: {  	s0 =	sld [smem:$0x3F91];
	_ =	swait.ge [sflag:s4], $0x0  }
0x19: {  	s7 =	sld [smem:$0x3F92]  }
0x1a: {  	s8 =	sadd.s32 $0xFFFFE003, lr  }
0x1b: {  	s9 =	sadd.s32 $0xFFFFFEF7, lr;
	s5 =	simm.s32 $0xFFFFFFFF;
	p2 =	slt.u32 s8, $0xFFFFF086  }
0x1c: {  	p1 =	slt.u32 s9, $0xF7A;
	s5 =	simm.s32 @!p2 $0x0  }
0x1d: {  	s5 =	simm.s32 @p1 $0x1;
	p0 =	seq.s32 s7, s2  }
0x1e: {  	s7 =	smul.u32 @!p0 $0xF7A, s2;
	p2 =	seq.s32 @!p0 s5, $0x0  }
0x1f: {  	s9 =	smul.u32 $0xF7A, s1;
	s8 =	simm.s32 @!p0 $0x1BF5;
	p2 =	por !p2, p0  }
0x20: {  	[sflag:s8] =	ssyncset.s32 @!p0 $0xFFFFF086;
	s6 =	sadd.s32 @!p0 s3, s7;
	s7 =	simm.s32 @!p0 $0x108  }
0x21: {  	s3 =	sadd.s32 s3, s9;
	s6 =	sadd.s32 @!p0 $0x88, s6;
	s7 =	simm.s32 @p2 $0x1082  }
0x22: {  	[simem:s7], [sflag:s8] =	dma.local @!p0 [hbm:s6], $0xF7A  }
0x23: {  	s9 =	sor.u32 $0xD0000000, s2;
	s6 =	simm.s32 $0x108;
	_ =	swait.ge @!p0 [sflag:s8], $0x0  }
0x24: {  	s3 =	sadd.s32 $0x88, s3;
	s6 =	simm.s32 @!p1 $0x1082;
	[sflag:s4] =	ssyncset.s32 $0xFFFFF086  }
0x25: {  	[simem:s6], [sflag:s4] =	dma.local [hbm:s3], $0xF7A  }
0x26: {  	[smem:$0x3F92] =	sst s1;
	(tag) =	ssettag s2;
	_ =	strace s9  }
0x27: {  	s1 =	sld [smem:$0x3FA2]  }
0x28: {  	s2 =	sld [smem:$0x3FA3]  }
0x29: {  	s4 =	sld [smem:$0x3FA5]  }
0x2a: {  	p0 =	seq.s32 s5, $0x0;
	s5 =	sld [smem:$0x3FA6]  }
0x2b: {  	s6 =	sld [smem:$0x3FA7]  }
0x2c: {  	s7 =	sld [smem:$0x3FA8]  }
0x2d: {  	s3 =	simm.s32 $0x108;
	s8 =	sld [smem:$0x3FA9]  }
0x2e: {  	s3 =	simm.s32 @!p0 $0x1082;
	s9 =	sld [smem:$0x3FAA]  }
0x2f: {  	lr =	sadd.s32 s0, s3;
	s0 =	sld [smem:$0x3FA1]  }
0x30: {  	s3 =	sld [smem:$0x3FA4]  }
0x31: {  	[smem:$0x3FAD] =	sst s10  }
0x32: {  	s10 =	sld [smem:$0x3FAB];
	_ =	sdelay $0x3  }
0x33: {  	p0 =	seq.s32 s10, $0x1;
	s10 =	sld [smem:$0x3FAD];
	_ =	sdelay $0x3  }
0x34: {  	[smem:$0x3FAD] =	sst s10  }
0x35: {  	s10 =	sld [smem:$0x3FAC];
	_ =	sdelay $0x3  }
0x36: {  	p1 =	seq.s32 s10, $0x1;
	s10 =	sld [smem:$0x3FAD];
	_ =	sdelay $0x3  }
0x37: {  	[smem:$0x3FAD] =	sst s10  }
0x38: {  	s10 =	sld [smem:$0x3FAE]  }
0x39: {  	_ = 	snop;
	(pc) =	sbr.ind lr, $3  }
0x3a: {  	_ = 	snop  }
0x3b: {  	_ = 	snop  }
0x3c: {  	p2 =	seq.s32 s10, $0x1;
	s10 =	sld [smem:$0x3FAD]  }
0x3d: {  	_ =	shalt  }
0x3e: {  	_ =	shalt  }
0x3f: {  	_ =	shalt  }
0x40: {  	_ =	shalt  }
0x41: {  	_ =	shalt  }
0x42: {  	_ =	shalt  }
0x43: {  	_ =	shalt  }
0x44: {  	_ =	shalt  }
0x45: {  	_ =	shalt  }
0x46: {  	_ =	shalt  }
0x47: {  	_ =	shalt  }
0x48: {  	_ =	shalt  }
0x49: {  	_ =	shalt  }
0x4a: {  	_ =	shalt  }
0x4b: {  	_ =	shalt  }
0x4c: {  	_ =	shalt  }
0x4d: {  	_ =	shalt  }
0x4e: {  	_ =	shalt  }
0x4f: {  	_ =	shalt  }
0x50: {  	_ =	shalt  }
0x51: {  	_ =	shalt  }
0x52: {  	_ =	shalt  }
0x53: {  	_ =	shalt  }
0x54: {  	_ =	shalt  }
0x55: {  	_ =	shalt  }
0x56: {  	_ =	shalt  }
0x57: {  	_ =	shalt  }
0x58: {  	_ =	shalt  }
0x59: {  	_ =	shalt  }
0x5a: {  	_ =	shalt  }
0x5b: {  	_ =	shalt  }
0x5c: {  	_ =	shalt  }
0x5d: {  	_ =	shalt  }
0x5e: {  	_ =	shalt  }
0x5f: {  	_ =	shalt  }
0x60: {  	_ =	shalt  }
0x61: {  	_ =	shalt  }
0x62: {  	_ =	shalt  }
0x63: {  	_ =	shalt  }
0x64: {  	_ =	shalt  }
0x65: {  	_ =	shalt  }
0x66: {  	_ =	shalt  }
0x67: {  	_ =	shalt  }
0x68: {  	_ =	shalt  }
0x69: {  	_ =	shalt  }
0x6a: {  	_ =	shalt  }
0x6b: {  	_ =	shalt  }
0x6c: {  	_ =	shalt  }
0x6d: {  	_ =	shalt  }
0x6e: {  	_ =	shalt  }
0x6f: {  	_ =	shalt  }
0x70: {  	_ =	shalt  }
0x71: {  	_ =	shalt  }
0x72: {  	_ =	shalt  }
0x73: {  	_ =	shalt  }
0x74: {  	_ =	shalt  }
0x75: {  	_ =	shalt  }
0x76: {  	_ =	shalt  }
0x77: {  	_ =	shalt  }
0x78: {  	_ =	shalt  }
0x79: {  	_ =	shalt  }
0x7a: {  	_ =	shalt  }
0x7b: {  	_ =	shalt  }
0x7c: {  	_ =	shalt  }
0x7d: {  	_ =	shalt  }
0x7e: {  	_ =	shalt  }
0x7f: {  	_ =	shalt  }
0x80: {  	_ =	shalt  }
0x81: {  	_ =	shalt  }
0x82: {  	_ =	shalt  }
0x83: {  	_ =	shalt  }
0x84: {  	_ =	shalt  }
0x85: {  	_ =	shalt  }
0x86: {  	_ =	shalt  }
0x87: {  	_ =	shalt  }
.Lfunc_end0:
.L_simem_size_0:
called_computation_lowered:
.L_overlay_start_0:
0x88: {  	s2 =	sld [smem:$0x3FD9]  }
0x89: {  	s3 =	sld [smem:$0x3FFE];
	_ =	sdelay $0x1  }
0x8a: {  	s1 =	srdreg.scid  }
0x8b: {  	s0 =	sand.u32 $0x1, s1  }
0x8c: {  	s14 =	sshll.u32 s0, $0xA;
	s2 =	sadd.s32 s3, s2  }
0x8d: {  	s2 =	sadd.s32 s2, s14  }
0x8e: {  	[smem:$0x3FB9] =	sst s2  }
0x8f: {  	_ = 	snop  }
0x90: {  	s2 =	sld [smem:$0x3FD0];
	_ =	sdelay $0x2  }
0x91: {  	s15 =	simm.s32 $0xA;
	s4 =	simm.s32 $0x10  }
0x92: {  	[smem:s4], [sflag:s15] =	dma.local [hbm:s2], $0x1  }
0x93: {  	_ =	swait.eq [sflag:s15], $0x1  }
0x94: {  	[sflag:s15] =	ssyncset.done $0x0  }
0x95: {  	s16 =	sld [smem:$0x10];
	[sflag:s15] =	ssyncadd.s32 $0xFFFFFFFF  }
0x96: {  	s17 =	sld [smem:$0x11];
	(tm) =	ssettm $0x1  }
0x97: {  	s18 =	sld [smem:$0x3FFB];
	_ =	sdelay $0x3  }
0x98: {  	_ =	strace s18  }
0x99: {  	s4 =	sld [smem:$0x3FFC];
	_ =	sdelay $0x3  }
0x9a: {  	_ =	strace s4  }
0x9b: {  	s4 =	sld [smem:$0x3FFD];
	_ =	sdelay $0x3  }
0x9c: {  	_ =	strace s4  }
0x9d: {  	_ =	strace $0x8FFFFFFF  }
0x9e: {  	s19 =	sld [smem:$0x3FDB];
	_ =	sdelay $0x1  }
0x9f: {  	s5 =	simm.s32 $_scs_section_size  }
0xa0: {  	s6 =	simm.s32 $_size__tile_overlayer_lowered;
	s7 =	simm.s32 $_tile_overlayer_lowered  }
0xa1: {  	s22 =	simm.s32 $0x1BFF;
	s21 =	sshll.u32 s7, $0x1;
	s4 =	sadd.s32 s5, s19  }
0xa2: {  	s8 =	simm.s32 $0x0;
	s20 =	sshll.u32 s6, $0x1;
	s6 =	sadd.s32 s21, s4  }
0xa3: {  	[timem:s8], [sflag:s22] =	dma.local [hbm:s6], s20  }
0xa4: {  	_ =	swait.ge [sflag:s22], s20  }
0xa5: {  	s5 =	ssub.s32 $0x0, s20;
	[sflag:s22] =	ssyncset.done $0x0  }
0xa6: {  	[sflag:s22] =	ssyncadd.s32 s5;
	_ =	sdelay $0x1  }
0xa7: {  	s23 =	simm.s32 $0x1B8B  }
0xa8: {  	_ =	swait.ge [sflag:s23], $0x1  }
0xa9: {  	[sflag:s23] =	ssyncset.done $0x0  }
0xaa: {  	s25 =	simm.s32 $0x1B8E;
	s24 =	sld [smem:$0x3FFE];
	[sflag:s23] =	ssyncadd.s32 $0xFFFFFFFF  }
0xab: {  	s26 =	simm.s32 $execute0_lowered;
	[smem:$0x3FD2] =	sst s25  }
0xac: {  	s6 =	sshll.u32 s26, $0x1;
	_ =	strace $0x80000046;
	[dreg:$0x1] =	wrdreg $0xFFFFFFFF  }
0xad: {  	s28 =	simm.s32 $_size_execute0_lowered;
	s4 =	sadd.s32 s4, s6;
	[dreg:$0x0] =	wrdreg $0x0  }
0xae: {  	s6 =	sshll.u32 s28, $0x1;
	[dreg:$0x2] =	wrdreg s4  }
0xaf: {  	[dreg:$0x3] =	wrdreg s6  }
0xb0: {  	[dreg:$0x4] =	wrdreg $0xC0  }
0xb1: {  	_ =	task [dreg:s8], $0x5FFFF  }
0xb2: {  	[dreg:$0x1] =	wrdreg $0xFFFFFFFF  }
0xb3: {  	[dreg:$0x0] =	wrdreg $0x60  }
0xb4: {  	[dreg:$0x2] =	wrdreg s16  }
0xb5: {  	[dreg:$0x3] =	wrdreg s17  }
0xb6: {  	[dreg:$0x4] =	wrdreg s24  }
0xb7: {  	[dreg:$0x5] =	wrdreg $0x9  }
0xb8: {  	_ =	task.clear_ibuf [dreg:s8], $0x6FFFF;
	_ =	strace $0x90000046  }
0xb9: {  	s29 =	simm.s32 $0x9;
	_ =	strace $0x80000048  }
0xba: {  	_ =	swait.ge [sflag:s29], $0x1  }
0xbb: {  	[sflag:s29] =	ssyncadd.s32 $0xFFFFFFFF  }
0xbc: {  	_ =	strace $0x90000048  }
0xbd: {  	_ =	sfence  }
0xbe: {  	s30 =	sld [smem:$0x0];
	_ =	sdelay $0x2  }
0xbf: {  	s31 =	sshll.u32 s1, $0xD;
	s1 =	sshrl.u32 s1, $0x2  }
0xc0: {  	s3 =	sand.u32 $0x4000, s31;
	s1 =	sadd.s32 s1, s30  }
0xc1: {  	s0 =	sor.u32 s3, s0;
	s1 =	sshll.u32 s1, $0x11  }
0xc2: {  	s0 =	sor.u32 s1, s0  }
0xc3: {  	s0 =	sadd.s32 $0x8F2B, s0  }
0xc4: {  	[sflag:s0] =	ssyncadd.remote.s32 $0x1  }
0xc5: {  	_ =	sfence.sel $0xFFFF  }
0xc6: {  	[dreg:$0x0] =	wrdreg $0xFFFFFFFF;
	(pc) =	sbr.abs _section_cstart, $3  }
0xc7: {  	[dreg:$0x1] =	wrdreg $0xFFFFFFFF  }
0xc8: {  	_ =	task.clear_ibuf [dreg:s8], $0x2FFFF;
	_ =	strace $0x9FFFFFFF  }
0xc9: {  	(tm) =	ssettm $0x7FFFFFFF  }
tec
execute0_lowered:
.L_overlay_start_1:
0x0: {  	(tag) =	ssettag $0x1  }
0x1: {  	s1 =	rddreg [dreg:$0x0]  }
0x2: {  	s4 =	rddreg [dreg:$0x1]  }
0x3: {  	s3 =	rddreg [dreg:$0x2]  }
0x4: {  	s5 =	srdreg.scid;
	s11 =	stileid.u32;
	s2 =	simm.s32 $0x0  }
0x5: {  	s13 =	simm.s32 $0x1400;
	s14 =	simm.s32 $0x3400;
	s15 =	simm.s32 $0x1  }
0x6: {  	s16 =	simm.s32 $0x2;
	s17 =	simm.s32 $0x3;
	s18 =	simm.s32 $0x4  }
0x7: {  	s19 =	simm.s32 $0x0;
	s5 =	sand.u32 $0x1, s5;
	s6 =	sshll.u32 s11, $0x1  }
0x8: {  	[smem:$0x7FF] =	sst s2;
	s9 =	sadd.s32 $0x30E00, s3;
	s12 =	smul.u32 $0x4E, s11  }
0x9: {  	p0 =	seq.s32 s11, $0x0;
	s3 =	simm.s32 $0x28;
	s6 =	sor.u32 s5, s6  }
0xa: {  	_ =	strace $0x80000047;
	s8 =	ssub.s32 $0x2, s5;
	s5 =	smul.u32 $0x27, s5  }
0xb: {  	s3 =	simm.s32 @!p0 $0x27;
	p0 =	sne.s32 s11, $0x0;
	s11 =	simm.s32 $0x5  }
0xc: {  	s7 =	smul.u32 $0x27, s6;
	s6 =	smin.u32 s6, $0x2;
	s10 =	sshrl.u32 s8, $0x1  }
0xd: {  	s8 =	ssub.s32 s8, s10;
	s29 =	sadd.s32 s5, s12;
	s12 =	simm.s32 $0x80  }
0xe: {  	s7 =	sadd.s32 s6, s7;
	s10 =	sadd.s32 s6, s29;
	s6 =	smax.u32 s8, $0x1  }
0xf: {  	s28 =	sshll.u32 s7, $0x4;
	s7 =	sshll.u32 s7, $0xA;
	s10 =	sshll.u32 s10, $0xA  }
0x10: {  	s4 =	sadd.s32 s4, s28;
	s30 =	sadd.s32 $0x400, s7;
	s7 =	sadd.s32 s9, s7  }
0x11: {  	s10 =	sadd.s32 s10, s9;
	s5 =	sadd.s32 $0x270, s4;
	s31 =	sand.u32 $0x1FFFFC00, s30  }
0x12: {  	s8 =	sadd.s32 s9, s31;
	s9 =	sadd.s32 $0x800, s10;
	s10 =	sadd.s32 $0xC00, s10  }
.LBB2_1:
0x13: {  	[tilespmem:s2], [sflag:$0x5] =	stream.linear.gather [hbm4b:s4+s2], $0x1380, $0x38;
	[tilespmem:$0x5400] =	vst v63  }
0x14: {  	_ =	swait.ge [sflag:s11], $0x1380  }
0x15: {  	[sflag:s11] =	ssyncset.done $0x0  }
0x16: {  	s20 =	simm.s32 @!p0 $0x0;
	s21 =	simm.s32 @!p0 $0x1380;
	[sflag:s11] =	ssyncadd.s32 $0xFFFFEC80  }
0x17: {  	[tilespmem:s21], [sflag:$0x5] =	stream.linear.gather @!p0 [hbm4b:s5+s20], $0x80, $0x38;
	[tilespmem:$0x5400] =	vst v63  }
0x18: {  	s20 =	simm.s32 @!p0 $0x5  }
0x19: {  	_ =	swait.ge @!p0 [sflag:s20], $0x80  }
0x1a: {  	[sflag:s20] =	ssyncset.done @!p0 $0x0  }
0x1b: {  	[sflag:s20] =	ssyncadd.s32 @!p0 $0xFFFFFF80  }
0x1c: {  	[tilespmem:s13], [sflag:$0x1] =	stream.indirect.gather [hbm4b:s1+s12], $0x40, s2, s12, $0xb8;
	[tilespmem:$0x5400] =	vst v63  }
0x1d: {  	_ = 	snop  }
0x1e: {  	[tilespmem:s14], [sflag:$0x2] =	stream.indirect.gather [hbm4b:s1+s12], $0x40, s12, s12, $0xb8;
	[tilespmem:$0x5400] =	vst v63  }
0x1f: {  	_ =	swait.ge [sflag:s15], $0x2000  }
0x20: {  	[sflag:s15] =	ssyncset.done $0x0  }
0x21: {  	[sflag:s15] =	ssyncadd.s32 $0xFFFFE000  }
0x22: {  	[hbm4b:s7+s2] =	stream.linear.scatter [tilespmem:s13], [sflag:$0x3], $0x2000, $0x38;
	[tilespmem:$0x5400] =	vst v63  }
0x23: {  	_ =	swait.ge [sflag:s16], $0x2000  }
0x24: {  	p2 =	sle.u32 s3, $0x2;
	[sflag:s16] =	ssyncset.done $0x0  }
0x25: {  	s20 =	simm.s32 @!p2 $0x3;
	[sflag:s16] =	ssyncadd.s32 $0xFFFFE000  }
0x26: {  	[hbm4b:s8+s2] =	stream.linear.scatter [tilespmem:s14], [sflag:$0x4], $0x2000, $0x38;
	[tilespmem:$0x5400] =	vst v63  }
0x27: {  	p1 =	sle.u32 s3, $0x3;
	_ =	swait.ge @!p2 [sflag:s20], $0x2000  }
0x28: {  	s22 =	simm.s32 @!p2 $0x1400;
	s23 =	simm.s32 @!p1 $0x4;
	[sflag:s20] =	ssyncset.done @!p2 $0x0  }
0x29: {  	s21 =	simm.s32 $0x100;
	[sflag:s20] =	ssyncadd.s32 @!p2 $0xFFFFE000;
	s20 =	simm.s32 @!p2 $0x80  }
0x2a: {  	[tilespmem:s22], [sflag:$0x1] =	stream.indirect.gather @!p2 [hbm4b:s1+s20], $0x40, s21, s20, $0xb8;
	[tilespmem:$0x5400] =	vst v63  }
0x2b: {  	_ =	swait.ge @!p1 [sflag:s23], $0x2000  }
0x2c: {  	s25 =	simm.s32 @!p1 $0x3400;
	s26 =	simm.s32 @!p2 $0x1;
	[sflag:s23] =	ssyncset.done @!p1 $0x0  }
0x2d: {  	s20 =	simm.s32 @!p1 $0x80;
	s21 =	simm.s32 @!p1 $0x180;
	[sflag:s23] =	ssyncadd.s32 @!p1 $0xFFFFE000  }
0x2e: {  	[tilespmem:s25], [sflag:$0x2] =	stream.indirect.gather @!p1 [hbm4b:s1+s20], $0x40, s21, s20, $0xb8;
	[tilespmem:$0x5400] =	vst v63  }
0x2f: {  	s24 =	simm.s32 $0x7;
	s28 =	simm.s32 @!p1 $0x2;
	_ =	swait.ge @!p2 [sflag:s26], $0x2000  }
0x30: {  	s29 =	simm.s32 @!p1 $0x0;
	s23 =	simm.s32 $0x5;
	[sflag:s26] =	ssyncset.done @!p2 $0x0  }
0x31: {  	s20 =	sadd.s32 $0x800, s10;
	s21 =	simm.s32 @!p2 $0x0;
	[sflag:s26] =	ssyncadd.s32 @!p2 $0xFFFFE000  }
0x32: {  	[hbm4b:s9+s21] =	stream.linear.scatter @!p2 [tilespmem:s22], [sflag:$0x3], $0x2000, $0x38;
	[tilespmem:$0x5400] =	vst v63  }
0x33: {  	s26 =	smov.u32 s10;
	s21 =	sadd.s32 $0x800, s9;
	_ =	swait.ge @!p1 [sflag:s28], $0x2000  }
0x34: {  	s22 =	simm.s32 $0x200;
	p2 =	sle.u32 s3, $0x4;
	[sflag:s28] =	ssyncset.done @!p1 $0x0  }
.LBB2_2:
0x35: {  	s30 =	simm.s32 @!p2 $0x3;
	[sflag:s28] =	ssyncadd.s32 @!p1 $0xFFFFE000  }
0x36: {  	s28 =	smov.u32 s24;
	s24 =	sadd.s32 $0x2, s24;
	s31 =	smov.u32 s21  }
0x37: {  	[hbm4b:s26+s29] =	stream.linear.scatter @!p1 [tilespmem:s25], [sflag:$0x4], $0x2000, $0x38;
	[tilespmem:$0x5400] =	vst v63  }
0x38: {  	p3 =	sne.s32 s24, $0x29;
	s26 =	smov.u32 s20;
	_ =	swait.ge @!p2 [sflag:s30], $0x2000  }
0x39: {  	s29 =	simm.s32 @!p2 $0x1400;
	p1 =	sge.u32 s23, s3;
	[sflag:s30] =	ssyncset.done @!p2 $0x0  }
0x3a: {  	s23 =	simm.s32 @!p2 $0x80;
	[sflag:s30] =	ssyncadd.s32 @!p2 $0xFFFFE000;
	s30 =	simm.s32 @!p1 $0x4  }
0x3b: {  	[tilespmem:s29], [sflag:$0x1] =	stream.indirect.gather @!p2 [hbm4b:s1+s23], $0x40, s22, s23, $0xb8;
	[tilespmem:$0x5400] =	vst v63  }
0x3c: {  	s23 =	smov.u32 s28;
	_ =	swait.ge @!p1 [sflag:s30], $0x2000  }
0x3d: {  	s25 =	simm.s32 @!p1 $0x3400;
	s28 =	simm.s32 @!p1 $0x80;
	[sflag:s30] =	ssyncset.done @!p1 $0x0  }
0x3e: {  	s0 =	simm.s32 @!p2 $0x1;
	[sflag:s30] =	ssyncadd.s32 @!p1 $0xFFFFE000;
	s30 =	sadd.s32 @!p1 $0x80, s22  }
0x3f: {  	[tilespmem:s25], [sflag:$0x2] =	stream.indirect.gather @!p1 [hbm4b:s1+s28], $0x40, s30, s28, $0xb8;
	[tilespmem:$0x5400] =	vst v63  }
0x40: {  	s20 =	sadd.s32 $0x800, s20;
	_ =	swait.ge @!p2 [sflag:s0], $0x2000  }
.Ltmp0:
0x41: {  	s21 =	sadd.s32 $0x800, s21;
	[sflag:s0] =	ssyncset.done @!p2 $0x0;
	(pc) =	sbr.rel @p3 .LBB2_2-.Ltmp0, $4  }
0x42: {  	s28 =	simm.s32 @!p1 $0x2;
	[sflag:s0] =	ssyncadd.s32 @!p2 $0xFFFFE000;
	s0 =	simm.s32 @!p2 $0x0  }
0x43: {  	[hbm4b:s31+s0] =	stream.linear.scatter @!p2 [tilespmem:s29], [sflag:$0x3], $0x2000, $0x38;
	[tilespmem:$0x5400] =	vst v63  }
0x44: {  	s22 =	sadd.s32 $0x100, s22;
	s0 =	sadd.s32 $0xFFFFFFFF, s23;
	_ =	swait.ge @!p1 [sflag:s28], $0x2000  }
0x45: {  	s29 =	simm.s32 @!p1 $0x0;
	p2 =	sge.u32 s0, s3;
	[sflag:s28] =	ssyncset.done @!p1 $0x0  }
0x46: {  	s0 =	simm.s32 @!p2 $0x3;
	[sflag:s28] =	ssyncadd.s32 @!p1 $0xFFFFE000  }
0x47: {  	[hbm4b:s26+s29] =	stream.linear.scatter @!p1 [tilespmem:s25], [sflag:$0x4], $0x2000, $0x38;
	[tilespmem:$0x5400] =	vst v63  }
0x48: {  	_ =	swait.ge @!p2 [sflag:s0], $0x2000  }
0x49: {  	s24 =	simm.s32 @!p2 $0x1400;
	p1 =	sge.u32 s23, s3;
	[sflag:s0] =	ssyncset.done @!p2 $0x0  }
0x4a: {  	s23 =	simm.s32 @!p1 $0x4;
	[sflag:s0] =	ssyncadd.s32 @!p2 $0xFFFFE000;
	s0 =	simm.s32 @!p2 $0x80  }
0x4b: {  	[tilespmem:s24], [sflag:$0x1] =	stream.indirect.gather @!p2 [hbm4b:s1+s0], $0x40, s22, s0, $0xb8;
	[tilespmem:$0x5400] =	vst v63  }
0x4c: {  	_ =	swait.ge @!p1 [sflag:s23], $0x2000  }
0x4d: {  	s25 =	simm.s32 @!p1 $0x3400;
	s0 =	simm.s32 @!p1 $0x80;
	[sflag:s23] =	ssyncset.done @!p1 $0x0  }
0x4e: {  	s22 =	sadd.s32 @!p1 $0x80, s22;
	[sflag:s23] =	ssyncadd.s32 @!p1 $0xFFFFE000;
	s23 =	simm.s32 @!p2 $0x1  }
0x4f: {  	[tilespmem:s25], [sflag:$0x2] =	stream.indirect.gather @!p1 [hbm4b:s1+s0], $0x40, s22, s0, $0xb8;
	[tilespmem:$0x5400] =	vst v63  }
0x50: {  	_ =	swait.ge @!p2 [sflag:s23], $0x2000  }
0x51: {  	[sflag:s23] =	ssyncset.done @!p2 $0x0  }
0x52: {  	s0 =	simm.s32 @!p2 $0x0;
	s22 =	simm.s32 @!p1 $0x2;
	[sflag:s23] =	ssyncadd.s32 @!p2 $0xFFFFE000  }
0x53: {  	[hbm4b:s21+s0] =	stream.linear.scatter @!p2 [tilespmem:s24], [sflag:$0x3], $0x2000, $0x38;
	[tilespmem:$0x5400] =	vst v63  }
0x54: {  	_ =	swait.ge @!p1 [sflag:s22], $0x2000  }
0x55: {  	[sflag:s22] =	ssyncset.done @!p1 $0x0  }
0x56: {  	s19 =	sadd.s32 $0x1, s19;
	s0 =	simm.s32 @!p1 $0x0;
	[sflag:s22] =	ssyncadd.s32 @!p1 $0xFFFFE000  }
0x57: {  	[hbm4b:s20+s0] =	stream.linear.scatter @!p1 [tilespmem:s25], [sflag:$0x4], $0x2000, $0x38;
	[tilespmem:$0x5400] =	vst v63  }
0x58: {  	p1 =	sne.s32 s19, s6;
	_ =	swait.ge [sflag:s17], $0x2000  }
.Ltmp1:
0x59: {  	[sflag:s17] =	ssyncset.done $0x0;
	(pc) =	sbr.rel @p1 .LBB2_1-.Ltmp1, $4  }
0x5a: {  	[sflag:s17] =	ssyncadd.s32 $0xFFFFE000  }
0x5b: {  	_ =	swait.ge [sflag:s18], $0x2000  }
0x5c: {  	[sflag:s18] =	ssyncset.done $0x0  }
0x5d: {  	[sflag:s18] =	ssyncadd.s32 $0xFFFFE000  }
0x5e: {  	_ =	sfence.sel $0x180000  }
0x5f: {  	[bflag:$0x0] =	sbarrier.arrive $0xFFFF  }
0x60: {  	_ =	strace $0x90000047  }
0x61: {  	[bflag:$0x2] =	sbarrier.arrive $0xFFFF  }
0x62: {  	s0 =	rddreg [dreg:$0x3]  }
0x63: {  	s0 =	sadd.s32 @!p0 $0x100000, s0  }
0x64: {  	[sflag:s0] =	ssyncadd.tile.s32 @!p0 $0x1;
	_ =	shalt  }
.Lfunc_end2:
_tile_overlayer_lowered:
.L_overlay_start_2:
0x65: {  	(tag) =	ssettag $0x2  }
0x66: {  	s0 =	rddreg [dreg:$0x0];
	s2 =	stileid.u32  }
0x67: {  	s1 =	rddreg [dreg:$0x1];
	p0 =	sne.s32 s2, $0x0  }
0x68: {  	s3 =	rddreg [dreg:$0x2];
	[bflag:$0x3] =	sbarrier.arrive $0xFFFF;
	s2 =	simm.s32 @!p0 $0x1C05  }
0x69: {  	[timem:s3], [sflag:s2] =	dma.local @!p0 [hbm:s0], s1  }
0x6a: {  	s0 =	simm.s32 @!p0 $0x5  }
0x6b: {  	_ =	swait.ge @!p0 [sflag:s0], s1  }
0x6c: {  	s1 =	ssub.s32 @!p0 $0x0, s1;
	[sflag:s0] =	ssyncset.done @!p0 $0x0  }
0x6d: {  	[sflag:s0] =	ssyncadd.s32 @!p0 s1  }
0x6e: {  	[bflag:$0x3] =	sbarrier.arrive $0xFFFF  }
0x6f: {  	_ =	shalt  }

// kernel: kernel.16.cloned.1.call-start
scs
__scs_entry_jumppad:
0x0: {  	(pc) =	sbr.rel $0x88, $3  }
0x1: {  	(tag) =	ssettag $0x0;
	lr =	simm.s32 $0x1  }
0x2: {  	[smem:$0x3F92] =	sst lr;
	_ =	strace $0xD0000000  }
0x3: {  	_ = 	snop  }
0x4: {  	_ = 	snop  }
0x5: {  	_ = 	snop  }
0x6: {  	_ = 	snop  }
0x7: {  	_ = 	snop  }
__scs_overlays_trampoline_lowered:
0x8: {  	[smem:$0x3FA1] =	sst s0  }
0x9: {  	[smem:$0x3FA2] =	sst s1  }
0xa: {  	[smem:$0x3FA3] =	sst s2  }
0xb: {  	[smem:$0x3FA4] =	sst s3  }
0xc: {  	[smem:$0x3FA5] =	sst s4  }
0xd: {  	[smem:$0x3FA6] =	sst s5  }
0xe: {  	[smem:$0x3FA7] =	sst s6  }
0xf: {  	[smem:$0x3FA8] =	sst s7  }
0x10: {  	[smem:$0x3FA9] =	sst s8  }
0x11: {  	[smem:$0x3FAA] =	sst s9;
	s0 =	simm.s32 @!p0 $0x0  }
0x12: {  	s1 =	sld [smem:$0x3F90];
	s0 =	simm.s32 @p0 $0x1  }
0x13: {  	[smem:$0x3FAB] =	sst s0;
	s0 =	simm.s32 @!p1 $0x0  }
0x14: {  	s2 =	sld [smem:$0x3F8F];
	s0 =	simm.s32 @p1 $0x1  }
0x15: {  	[smem:$0x3FAC] =	sst s0;
	s0 =	simm.s32 @!p2 $0x0  }
0x16: {  	s3 =	sld [smem:$0x3FDB];
	s0 =	simm.s32 @p2 $0x1  }
0x17: {  	s4 =	simm.s32 $0x1BF5;
	[smem:$0x3FAE] =	sst s0  }
0x18: {  	s0 =	sld [smem:$0x3F91];
	_ =	swait.ge [sflag:s4], $0x0  }
0x19: {  	s7 =	sld [smem:$0x3F92]  }
0x1a: {  	s8 =	sadd.s32 $0xFFFFE003, lr  }
0x1b: {  	s9 =	sadd.s32 $0xFFFFFEF7, lr;
	s5 =	simm.s32 $0xFFFFFFFF;
	p2 =	slt.u32 s8, $0xFFFFF086  }
0x1c: {  	p1 =	slt.u32 s9, $0xF7A;
	s5 =	simm.s32 @!p2 $0x0  }
0x1d: {  	s5 =	simm.s32 @p1 $0x1;
	p0 =	seq.s32 s7, s2  }
0x1e: {  	s7 =	smul.u32 @!p0 $0xF7A, s2;
	p2 =	seq.s32 @!p0 s5, $0x0  }
0x1f: {  	s9 =	smul.u32 $0xF7A, s1;
	s8 =	simm.s32 @!p0 $0x1BF5;
	p2 =	por !p2, p0  }
0x20: {  	[sflag:s8] =	ssyncset.s32 @!p0 $0xFFFFF086;
	s6 =	sadd.s32 @!p0 s3, s7;
	s7 =	simm.s32 @!p0 $0x108  }
0x21: {  	s3 =	sadd.s32 s3, s9;
	s6 =	sadd.s32 @!p0 $0x88, s6;
	s7 =	simm.s32 @p2 $0x1082  }
0x22: {  	[simem:s7], [sflag:s8] =	dma.local @!p0 [hbm:s6], $0xF7A  }
0x23: {  	s9 =	sor.u32 $0xD0000000, s2;
	s6 =	simm.s32 $0x108;
	_ =	swait.ge @!p0 [sflag:s8], $0x0  }
0x24: {  	s3 =	sadd.s32 $0x88, s3;
	s6 =	simm.s32 @!p1 $0x1082;
	[sflag:s4] =	ssyncset.s32 $0xFFFFF086  }
0x25: {  	[simem:s6], [sflag:s4] =	dma.local [hbm:s3], $0xF7A  }
0x26: {  	[smem:$0x3F92] =	sst s1;
	(tag) =	ssettag s2;
	_ =	strace s9  }
0x27: {  	s1 =	sld [smem:$0x3FA2]  }
0x28: {  	s2 =	sld [smem:$0x3FA3]  }
0x29: {  	s4 =	sld [smem:$0x3FA5]  }
0x2a: {  	p0 =	seq.s32 s5, $0x0;
	s5 =	sld [smem:$0x3FA6]  }
0x2b: {  	s6 =	sld [smem:$0x3FA7]  }
0x2c: {  	s7 =	sld [smem:$0x3FA8]  }
0x2d: {  	s3 =	simm.s32 $0x108;
	s8 =	sld [smem:$0x3FA9]  }
0x2e: {  	s3 =	simm.s32 @!p0 $0x1082;
	s9 =	sld [smem:$0x3FAA]  }
0x2f: {  	lr =	sadd.s32 s0, s3;
	s0 =	sld [smem:$0x3FA1]  }
0x30: {  	s3 =	sld [smem:$0x3FA4]  }
0x31: {  	[smem:$0x3FAD] =	sst s10  }
0x32: {  	s10 =	sld [smem:$0x3FAB];
	_ =	sdelay $0x3  }
0x33: {  	p0 =	seq.s32 s10, $0x1;
	s10 =	sld [smem:$0x3FAD];
	_ =	sdelay $0x3  }
0x34: {  	[smem:$0x3FAD] =	sst s10  }
0x35: {  	s10 =	sld [smem:$0x3FAC];
	_ =	sdelay $0x3  }
0x36: {  	p1 =	seq.s32 s10, $0x1;
	s10 =	sld [smem:$0x3FAD];
	_ =	sdelay $0x3  }
0x37: {  	[smem:$0x3FAD] =	sst s10  }
0x38: {  	s10 =	sld [smem:$0x3FAE]  }
0x39: {  	_ = 	snop;
	(pc) =	sbr.ind lr, $3  }
0x3a: {  	_ = 	snop  }
0x3b: {  	_ = 	snop  }
0x3c: {  	p2 =	seq.s32 s10, $0x1;
	s10 =	sld [smem:$0x3FAD]  }
0x3d: {  	_ =	shalt  }
0x3e: {  	_ =	shalt  }
0x3f: {  	_ =	shalt  }
0x40: {  	_ =	shalt  }
0x41: {  	_ =	shalt  }
0x42: {  	_ =	shalt  }
0x43: {  	_ =	shalt  }
0x44: {  	_ =	shalt  }
0x45: {  	_ =	shalt  }
0x46: {  	_ =	shalt  }
0x47: {  	_ =	shalt  }
0x48: {  	_ =	shalt  }
0x49: {  	_ =	shalt  }
0x4a: {  	_ =	shalt  }
0x4b: {  	_ =	shalt  }
0x4c: {  	_ =	shalt  }
0x4d: {  	_ =	shalt  }
0x4e: {  	_ =	shalt  }
0x4f: {  	_ =	shalt  }
0x50: {  	_ =	shalt  }
0x51: {  	_ =	shalt  }
0x52: {  	_ =	shalt  }
0x53: {  	_ =	shalt  }
0x54: {  	_ =	shalt  }
0x55: {  	_ =	shalt  }
0x56: {  	_ =	shalt  }
0x57: {  	_ =	shalt  }
0x58: {  	_ =	shalt  }
0x59: {  	_ =	shalt  }
0x5a: {  	_ =	shalt  }
0x5b: {  	_ =	shalt  }
0x5c: {  	_ =	shalt  }
0x5d: {  	_ =	shalt  }
0x5e: {  	_ =	shalt  }
0x5f: {  	_ =	shalt  }
0x60: {  	_ =	shalt  }
0x61: {  	_ =	shalt  }
0x62: {  	_ =	shalt  }
0x63: {  	_ =	shalt  }
0x64: {  	_ =	shalt  }
0x65: {  	_ =	shalt  }
0x66: {  	_ =	shalt  }
0x67: {  	_ =	shalt  }
0x68: {  	_ =	shalt  }
0x69: {  	_ =	shalt  }
0x6a: {  	_ =	shalt  }
0x6b: {  	_ =	shalt  }
0x6c: {  	_ =	shalt  }
0x6d: {  	_ =	shalt  }
0x6e: {  	_ =	shalt  }
0x6f: {  	_ =	shalt  }
0x70: {  	_ =	shalt  }
0x71: {  	_ =	shalt  }
0x72: {  	_ =	shalt  }
0x73: {  	_ =	shalt  }
0x74: {  	_ =	shalt  }
0x75: {  	_ =	shalt  }
0x76: {  	_ =	shalt  }
0x77: {  	_ =	shalt  }
0x78: {  	_ =	shalt  }
0x79: {  	_ =	shalt  }
0x7a: {  	_ =	shalt  }
0x7b: {  	_ =	shalt  }
0x7c: {  	_ =	shalt  }
0x7d: {  	_ =	shalt  }
0x7e: {  	_ =	shalt  }
0x7f: {  	_ =	shalt  }
0x80: {  	_ =	shalt  }
0x81: {  	_ =	shalt  }
0x82: {  	_ =	shalt  }
0x83: {  	_ =	shalt  }
0x84: {  	_ =	shalt  }
0x85: {  	_ =	shalt  }
0x86: {  	_ =	shalt  }
0x87: {  	_ =	shalt  }
.Lfunc_end0:
.L_simem_size_0:
called_computation.1_lowered:
.L_overlay_start_0:
0x88: {  	s2 =	sld [smem:$0x3FD9]  }
0x89: {  	s3 =	sld [smem:$0x3FFE];
	_ =	sdelay $0x1  }
0x8a: {  	s1 =	srdreg.scid  }
0x8b: {  	s0 =	sand.u32 $0x1, s1  }
0x8c: {  	s16 =	sshll.u32 s0, $0xA;
	s2 =	sadd.s32 s3, s2  }
0x8d: {  	s2 =	sadd.s32 s2, s16  }
0x8e: {  	[smem:$0x3FB9] =	sst s2  }
0x8f: {  	_ = 	snop  }
0x90: {  	(tm) =	ssettm $0x1  }
0x91: {  	s17 =	sld [smem:$0x3FFB];
	_ =	sdelay $0x3  }
0x92: {  	_ =	strace s17  }
0x93: {  	s2 =	sld [smem:$0x3FFC];
	_ =	sdelay $0x3  }
0x94: {  	_ =	strace s2  }
0x95: {  	s2 =	sld [smem:$0x3FFD];
	_ =	sdelay $0x3  }
0x96: {  	_ =	strace s2  }
0x97: {  	_ =	strace $0x8FFFFFFF  }
0x98: {  	s18 =	sld [smem:$0x3FDB];
	_ =	sdelay $0x1  }
0x99: {  	s19 =	simm.s32 $_scs_section_size  }
0x9a: {  	s4 =	simm.s32 $_size__tile_overlayer_lowered;
	s5 =	simm.s32 $_tile_overlayer_lowered  }
0x9b: {  	s22 =	simm.s32 $0x1BFF;
	s21 =	sshll.u32 s5, $0x1;
	s2 =	sadd.s32 s19, s18  }
0x9c: {  	s6 =	simm.s32 $0x0;
	s20 =	sshll.u32 s4, $0x1;
	s4 =	sadd.s32 s21, s2  }
0x9d: {  	[timem:s6], [sflag:s22] =	dma.local [hbm:s4], s20  }
0x9e: {  	_ =	swait.ge [sflag:s22], s20  }
0x9f: {  	s3 =	ssub.s32 $0x0, s20;
	[sflag:s22] =	ssyncset.done $0x0  }
0xa0: {  	[sflag:s22] =	ssyncadd.s32 s3;
	_ =	sdelay $0x1  }
0xa1: {  	s23 =	simm.s32 $0x1B8B  }
0xa2: {  	_ =	swait.ge [sflag:s23], $0x1  }
0xa3: {  	[sflag:s23] =	ssyncset.done $0x0  }
0xa4: {  	s25 =	simm.s32 $0x1B8E;
	s24 =	sld [smem:$0x3FFE];
	[sflag:s23] =	ssyncadd.s32 $0xFFFFFFFF  }
0xa5: {  	s26 =	simm.s32 $execute0_lowered;
	[smem:$0x3FD2] =	sst s25  }
0xa6: {  	s4 =	sshll.u32 s26, $0x1;
	_ =	strace $0x80000049;
	[dreg:$0x1] =	wrdreg $0xFFFFFFFF  }
0xa7: {  	s28 =	simm.s32 $_size_execute0_lowered;
	s2 =	sadd.s32 s2, s4;
	[dreg:$0x0] =	wrdreg $0x0  }
0xa8: {  	s4 =	sshll.u32 s28, $0x1;
	[dreg:$0x2] =	wrdreg s2  }
0xa9: {  	[dreg:$0x3] =	wrdreg s4  }
0xaa: {  	[dreg:$0x4] =	wrdreg $0xC0  }
0xab: {  	_ =	task [dreg:s6], $0x5FFFF  }
0xac: {  	[dreg:$0x1] =	wrdreg $0xFFFFFFFF  }
0xad: {  	[dreg:$0x0] =	wrdreg $0x60  }
0xae: {  	[dreg:$0x2] =	wrdreg s24  }
0xaf: {  	[dreg:$0x3] =	wrdreg $0x54000  }
0xb0: {  	[dreg:$0x4] =	wrdreg $0x9  }
0xb1: {  	_ =	task.clear_ibuf [dreg:s6], $0x5FFFF;
	_ =	strace $0x90000049  }
0xb2: {  	s29 =	simm.s32 $0x9;
	_ =	strace $0x8000004B  }
0xb3: {  	_ =	swait.ge [sflag:s29], $0x1  }
0xb4: {  	[sflag:s29] =	ssyncadd.s32 $0xFFFFFFFF  }
0xb5: {  	_ =	strace $0x9000004B  }
0xb6: {  	_ =	sfence  }
0xb7: {  	s30 =	sld [smem:$0x0];
	_ =	sdelay $0x2  }
0xb8: {  	s31 =	sshll.u32 s1, $0xD;
	s1 =	sshrl.u32 s1, $0x2  }
0xb9: {  	s3 =	sand.u32 $0x4000, s31;
	s1 =	sadd.s32 s1, s30  }
0xba: {  	s0 =	sor.u32 s3, s0;
	s1 =	sshll.u32 s1, $0x11  }
0xbb: {  	s0 =	sor.u32 s1, s0  }
0xbc: {  	s0 =	sadd.s32 $0x8F2B, s0  }
0xbd: {  	[sflag:s0] =	ssyncadd.remote.s32 $0x1  }
0xbe: {  	_ =	sfence.sel $0xFFFF  }
0xbf: {  	[dreg:$0x0] =	wrdreg $0xFFFFFFFF;
	(pc) =	sbr.abs _section_cstart, $3  }
0xc0: {  	[dreg:$0x1] =	wrdreg $0xFFFFFFFF  }
0xc1: {  	_ =	task.clear_ibuf [dreg:s6], $0x2FFFF;
	_ =	strace $0x9FFFFFFF  }
0xc2: {  	(tm) =	ssettm $0x7FFFFFFF  }
0xc3: {  	_ =	shalt  }
tec
execute0_lowered:
.L_overlay_start_1:
0x0: {  	(tag) =	ssettag $0x1  }
0x1: {  	s4 =	rddreg [dreg:$0x0]  }
0x2: {  	s1 =	rddreg [dreg:$0x1]  }
0x3: {  	s2 =	srdreg.scid;
	s13 =	stileid.u32  }
0x4: {  	s0 =	rddreg [dreg:$0x2];
	s3 =	sand.u32 $0x1, s2;
	s6 =	smul.u32 $0x4E, s13  }
0x5: {  	s5 =	sshll.u32 s13, $0x1;
	s2 =	simm.s32 $0x0;
	s26 =	smul.u32 $0xFA00, s13  }
0x6: {  	s9 =	smul.u32 $0x3E800, s13;
	p0 =	seq.s32 s13, $0x0;
	p1 =	sgt.u32 s13, $0x9  }
0x7: {  	s5 =	sor.u32 s3, s5;
	s7 =	smul.u32 $0x27, s3;
	[smem:$0x7FF] =	sst s2  }
0x8: {  	s25 =	smul.u32 $0x9C400, s3;
	s30 =	ssub.s32 $0x2, s3;
	s3 =	sadd.s32 $0x2A1E00, s4  }
0x9: {  	s8 =	smul.u32 $0x27, s5;
	s5 =	smin.u32 s5, $0x2;
	_ =	strace $0x8000004A  }
0xa: {  	s31 =	sshrl.u32 s30, $0x1;
	s9 =	sshrl.u32 s9, $0x2;
	s15 =	sadd.s32 s26, s1  }
0xb: {  	s6 =	sadd.s32 s7, s6;
	s29 =	sadd.s32 s26, s25;
	s12 =	ssub.s32 s30, s31  }
0xc: {  	s14 =	sadd.s32 s9, s1;
	s6 =	sadd.s32 s5, s6;
	s5 =	sadd.s32 s5, s8  }
0xd: {  	s8 =	smax.u32 s12, $0x1;
	s12 =	sshrl.u32 @!p1 s14, $0x3;
	s14 =	sshrl.u32 @!p1 s15, $0x3  }
0xe: {  	s15 =	simm.s32 $0x0;
	s6 =	sshll.u32 s6, $0xA;
	s5 =	sshll.u32 s5, $0x4  }
0xf: {  	s10 =	sadd.s32 s6, s4;
	s28 =	sadd.s32 s5, s4;
	s5 =	sshrl.u32 s29, $0x3  }
0x10: {  	s11 =	sadd.s32 s5, s4;
	s4 =	simm.s32 $0x28;
	s5 =	sadd.s32 $0x4C00, s28  }
0x11: {  	s6 =	sadd.s32 $0x4E70, s28;
	s9 =	sadd.s32 $0x30E00, s10;
	s10 =	sadd.s32 $0x31200, s10  }
0x12: {  	s4 =	simm.s32 @!p0 $0x27;
	s7 =	sadd.s32 $0x2A3E00, s11;
	s11 =	sshll.u32 @!p1 s13, $0x6  }
0x13: {  	p0 =	sne.s32 s13, $0x0;
	s13 =	simm.s32 $0x3;
	s11 =	sor.u32 @!p1 $0x1C03, s11  }
.LBB2_1:
0x14: {  	[spmem:s12], [sflag:s11] =	dma.local @!p1 [hbm:s3], $0x1F40  }
0x15: {  	s16 =	simm.s32 @!p1 $0x3  }
0x16: {  	_ =	swait.ge @!p1 [sflag:s16], $0x1F40  }
0x17: {  	[sflag:s16] =	ssyncset.done @!p1 $0x0  }
0x18: {  	[sflag:s16] =	ssyncadd.s32 @!p1 $0xFFFFE0C0  }
0x19: {  	[tilespmem:s2], [sflag:$0x3] =	stream.linear.gather [hbm4b:s5+s2], $0x1380, $0x38;
	[tilespmem:$0xF040] =	vst v63  }
0x1a: {  	_ =	swait.ge [sflag:s13], $0x1380  }
0x1b: {  	[sflag:s13] =	ssyncset.done $0x0  }
0x1c: {  	s17 =	simm.s32 @!p0 $0x1380;
	s16 =	simm.s32 @!p0 $0x0;
	[sflag:s13] =	ssyncadd.s32 $0xFFFFEC80  }
0x1d: {  	[tilespmem:s17], [sflag:$0x3] =	stream.linear.gather @!p0 [hbm4b:s6+s16], $0x80, $0x38;
	[tilespmem:$0xF040] =	vst v63  }
0x1e: {  	s16 =	simm.s32 @!p0 $0x3  }
0x1f: {  	_ =	swait.ge @!p0 [sflag:s16], $0x80  }
0x20: {  	[sflag:s16] =	ssyncset.done @!p0 $0x0  }
0x21: {  	p3 =	sle.u32 s4, $0x0;
	p2 =	sle.u32 s4, $0x1;
	[sflag:s16] =	ssyncadd.s32 @!p0 $0xFFFFFF80  }
0x22: {  	s17 =	simm.s32 @!p3 $0x1400;
	s16 =	simm.s32 @!p3 $0x0;
	[bflag:$0x0] =	sbarrier.arrive $0xFFFF  }
0x23: {  	[tilespmem:s17], [sflag:$0x1] =	stream.linear.gather @!p3 [hbm4b:s9+s16], $0x2000, $0x38;
	[tilespmem:$0xF040] =	vst v63  }
0x24: {  	s19 =	simm.s32 @!p2 $0x3400;
	s18 =	simm.s32 @!p3 $0x1;
	s16 =	simm.s32 @!p2 $0x0  }
0x25: {  	[tilespmem:s19], [sflag:$0x2] =	stream.linear.gather @!p2 [hbm4b:s10+s16], $0x2000, $0x38;
	[tilespmem:$0xF040] =	vst v63  }
0x26: {  	_ =	swait.ge @!p3 [sflag:s18], $0x2000  }
0x27: {  	[sflag:s18] =	ssyncset.done @!p3 $0x0  }
0x28: {  	s16 =	simm.s32 @!p3 $0x80;
	[sflag:s18] =	ssyncadd.s32 @!p3 $0xFFFFE000;
	s18 =	simm.s32 @!p3 $0x4  }
0x29: {  	[spmem:s1] =	stream.indirect.scatter.add.f32 @!p3 [tilespmem:s17], [sflag:$0x4], $0x40, s2, s16, $0xb8;
	[tilespmem:$0xF040] =	vst v63  }
0x2a: {  	_ =	swait.ge @!p3 [sflag:s18], $0x2000  }
0x2b: {  	p2 =	por p2, p2;
	[sflag:s18] =	ssyncset.done @!p3 $0x0  }
0x2c: {  	s16 =	simm.s32 @!p2 $0x2;
	[sflag:s18] =	ssyncadd.s32 @!p3 $0xFFFFE000  }
0x2d: {  	p4 =	sle.u32 s4, $0x3;
	_ =	swait.ge @!p2 [sflag:s16], $0x2000  }
0x2e: {  	s20 =	simm.s32 @!p2 $0x3;
	s21 =	simm.s32 @!p2 $0x80;
	[sflag:s16] =	ssyncset.done @!p2 $0x0  }
0x2f: {  	s17 =	sadd.s32 $0x800, s9;
	[sflag:s16] =	ssyncadd.s32 @!p2 $0xFFFFE000;
	s16 =	simm.s32 @!p2 $0x80  }
0x30: {  	[spmem:s1] =	stream.indirect.scatter.add.f32 @!p2 [tilespmem:s19], [sflag:$0x3], $0x40, s16, s21, $0xb8;
	[tilespmem:$0xF040] =	vst v63  }
0x31: {  	s18 =	simm.s32 $0x5;
	p3 =	sle.u32 s4, $0x2;
	_ =	swait.ge @!p2 [sflag:s20], $0x2000  }
0x32: {  	s19 =	sadd.s32 $0x800, s10;
	s16 =	simm.s32 $0x100;
	[sflag:s20] =	ssyncset.done @!p2 $0x0  }
.LBB2_2:
0x33: {  	s21 =	simm.s32 @!p3 $0x0;
	s22 =	simm.s32 @!p3 $0x1400;
	[sflag:s20] =	ssyncadd.s32 @!p2 $0xFFFFE000  }
0x34: {  	[tilespmem:s22], [sflag:$0x1] =	stream.linear.gather @!p3 [hbm4b:s17+s21], $0x2000, $0x38;
	[tilespmem:$0xF040] =	vst v63  }
0x35: {  	s20 =	simm.s32 @!p4 $0x0;
	s23 =	simm.s32 @!p3 $0x1;
	s21 =	simm.s32 @!p4 $0x3400  }
0x36: {  	[tilespmem:s21], [sflag:$0x2] =	stream.linear.gather @!p4 [hbm4b:s19+s20], $0x2000, $0x38;
	[tilespmem:$0xF040] =	vst v63  }
0x37: {  	s24 =	smov.u32 s18;
	s18 =	sadd.s32 $0x2, s18;
	_ =	swait.ge @!p3 [sflag:s23], $0x2000  }
0x38: {  	p2 =	por p4, p4;
	p5 =	sne.s32 s18, $0x29;
	[sflag:s23] =	ssyncset.done @!p3 $0x0  }
0x39: {  	s20 =	simm.s32 @!p3 $0x80;
	[sflag:s23] =	ssyncadd.s32 @!p3 $0xFFFFE000;
	s23 =	simm.s32 @!p3 $0x4  }
0x3a: {  	[spmem:s1] =	stream.indirect.scatter.add.f32 @!p3 [tilespmem:s22], [sflag:$0x4], $0x40, s16, s20, $0xb8;
	[tilespmem:$0xF040] =	vst v63  }
0x3b: {  	_ =	swait.ge @!p3 [sflag:s23], $0x2000  }
0x3c: {  	[sflag:s23] =	ssyncset.done @!p3 $0x0  }
0x3d: {  	s22 =	simm.s32 @!p2 $0x2;
	[sflag:s23] =	ssyncadd.s32 @!p3 $0xFFFFE000  }
0x3e: {  	s17 =	sadd.s32 $0x800, s17;
	s19 =	sadd.s32 $0x800, s19;
	_ =	swait.ge @!p2 [sflag:s22], $0x2000  }
.Ltmp0:
0x3f: {  	s20 =	simm.s32 @!p2 $0x3;
	[sflag:s22] =	ssyncset.done @!p2 $0x0;
	(pc) =	sbr.rel @p5 .LBB2_2-.Ltmp0, $4  }
0x40: {  	s23 =	simm.s32 @!p2 $0x80;
	[sflag:s22] =	ssyncadd.s32 @!p2 $0xFFFFE000;
	s22 =	sadd.s32 @!p2 $0x80, s16  }
0x41: {  	[spmem:s1] =	stream.indirect.scatter.add.f32 @!p2 [tilespmem:s21], [sflag:$0x3], $0x40, s22, s23, $0xb8;
	[tilespmem:$0xF040] =	vst v63  }
0x42: {  	s16 =	sadd.s32 $0x100, s16;
	s21 =	sadd.s32 $0xFFFFFFFF, s24;
	_ =	swait.ge @!p2 [sflag:s20], $0x2000  }
0x43: {  	p4 =	sge.u32 s24, s4;
	p3 =	sge.u32 s21, s4;
	[sflag:s20] =	ssyncset.done @!p2 $0x0  }
0x44: {  	s18 =	simm.s32 @!p3 $0x0;
	s21 =	simm.s32 @!p3 $0x1400;
	[sflag:s20] =	ssyncadd.s32 @!p2 $0xFFFFE000  }
0x45: {  	[tilespmem:s21], [sflag:$0x1] =	stream.linear.gather @!p3 [hbm4b:s17+s18], $0x2000, $0x38;
	[tilespmem:$0xF040] =	vst v63  }
0x46: {  	s20 =	simm.s32 @!p3 $0x1;
	s17 =	simm.s32 @!p4 $0x0;
	s18 =	simm.s32 @!p4 $0x3400  }
0x47: {  	[tilespmem:s18], [sflag:$0x2] =	stream.linear.gather @!p4 [hbm4b:s19+s17], $0x2000, $0x38;
	[tilespmem:$0xF040] =	vst v63  }
0x48: {  	_ =	swait.ge @!p3 [sflag:s20], $0x2000  }
0x49: {  	[sflag:s20] =	ssyncset.done @!p3 $0x0  }
0x4a: {  	s17 =	simm.s32 @!p3 $0x80;
	s19 =	simm.s32 @!p3 $0x4;
	[sflag:s20] =	ssyncadd.s32 @!p3 $0xFFFFE000  }
0x4b: {  	[spmem:s1] =	stream.indirect.scatter.add.f32 @!p3 [tilespmem:s21], [sflag:$0x4], $0x40, s16, s17, $0xb8;
	[tilespmem:$0xF040] =	vst v63  }
0x4c: {  	_ =	swait.ge @!p3 [sflag:s19], $0x2000  }
0x4d: {  	p2 =	por p4, p4;
	[sflag:s19] =	ssyncset.done @!p3 $0x0  }
0x4e: {  	s17 =	simm.s32 @!p2 $0x2;
	[sflag:s19] =	ssyncadd.s32 @!p3 $0xFFFFE000  }
0x4f: {  	_ =	swait.ge @!p2 [sflag:s17], $0x2000  }
0x50: {  	s16 =	sadd.s32 @!p2 $0x80, s16;
	[sflag:s17] =	ssyncset.done @!p2 $0x0  }
0x51: {  	s19 =	simm.s32 @!p2 $0x3;
	[sflag:s17] =	ssyncadd.s32 @!p2 $0xFFFFE000;
	s17 =	simm.s32 @!p2 $0x80  }
0x52: {  	[spmem:s1] =	stream.indirect.scatter.add.f32 @!p2 [tilespmem:s18], [sflag:$0x3], $0x40, s16, s17, $0xb8;
	[tilespmem:$0xF040] =	vst v63  }
0x53: {  	_ =	swait.ge @!p2 [sflag:s19], $0x2000  }
0x54: {  	s15 =	sadd.s32 $0x1, s15;
	[sflag:s19] =	ssyncset.done @!p2 $0x0  }
0x55: {  	[sflag:s19] =	ssyncadd.s32 @!p2 $0xFFFFE000;
	p2 =	sne.s32 s15, s8  }
.Ltmp1:
0x56: {  	s16 =	simm.s32 @!p1 $0x3;
	[bflag:$0x0] =	sbarrier.arrive $0xFFFF;
	(pc) =	sbr.rel @p2 .LBB2_1-.Ltmp1, $4  }
0x57: {  	[hbm:s7], [sflag:s11] =	dma.local @!p1 [spmem:s14], $0x1F40  }
0x58: {  	_ =	swait.ge @!p1 [sflag:s16], $0x1F40  }
0x59: {  	[sflag:s16] =	ssyncset.done @!p1 $0x0  }
0x5a: {  	[sflag:s16] =	ssyncadd.s32 @!p1 $0xFFFFE0C0  }
0x5b: {  	_ =	sfence.sel $0x180000  }
0x5c: {  	[bflag:$0x0] =	sbarrier.arrive $0xFFFF  }
0x5d: {  	_ =	strace $0x9000004A  }
0x5e: {  	s0 =	sadd.s32 @!p0 $0x100000, s0;
	[bflag:$0x2] =	sbarrier.arrive $0xFFFF  }
0x5f: {  	[sflag:s0] =	ssyncadd.tile.s32 @!p0 $0x1;
	_ =	shalt  }
.Lfunc_end2:
_tile_overlayer_lowered:
.L_overlay_start_2:
0x60: {  	(tag) =	ssettag $0x2  }
0x61: {  	s0 =	rddreg [dreg:$0x0];
	s2 =	stileid.u32  }
0x62: {  	s1 =	rddreg [dreg:$0x1];
	p0 =	sne.s32 s2, $0x0  }
0x63: {  	s3 =	rddreg [dreg:$0x2];
	[bflag:$0x3] =	sbarrier.arrive $0xFFFF;
	s2 =	simm.s32 @!p0 $0x1C03  }
0x64: {  	[timem:s3], [sflag:s2] =	dma.local @!p0 [hbm:s0], s1  }
0x65: {  	s0 =	simm.s32 @!p0 $0x3  }
0x66: {  	_ =	swait.ge @!p0 [sflag:s0], s1  }
0x67: {  	s1 =	ssub.s32 @!p0 $0x0, s1;
	[sflag:s0] =	ssyncset.done @!p0 $0x0  }
0x68: {  	[sflag:s0] =	ssyncadd.s32 @!p0 s1  }
0x69: {  	[bflag:$0x3] =	sbarrier.arrive $0xFFFF  }
0x6a: {  	_ =	shalt  }

// kernel: kernel.19.cloned.1.call-start
scs
__scs_entry_jumppad:
0x0: {  	(pc) =	sbr.rel $0x88, $3  }
0x1: {  	(tag) =	ssettag $0x0;
	lr =	simm.s32 $0x1  }
0x2: {  	[smem:$0x3F92] =	sst lr;
	_ =	strace $0xD0000000  }
0x3: {  	_ = 	snop  }
0x4: {  	_ = 	snop  }
0x5: {  	_ = 	snop  }
0x6: {  	_ = 	snop  }
0x7: {  	_ = 	snop  }
__scs_overlays_trampoline_lowered:
0x8: {  	[smem:$0x3FA1] =	sst s0  }
0x9: {  	[smem:$0x3FA2] =	sst s1  }
0xa: {  	[smem:$0x3FA3] =	sst s2  }
0xb: {  	[smem:$0x3FA4] =	sst s3  }
0xc: {  	[smem:$0x3FA5] =	sst s4  }
0xd: {  	[smem:$0x3FA6] =	sst s5  }
0xe: {  	[smem:$0x3FA7] =	sst s6  }
0xf: {  	[smem:$0x3FA8] =	sst s7  }
0x10: {  	[smem:$0x3FA9] =	sst s8  }
0x11: {  	[smem:$0x3FAA] =	sst s9;
	s0 =	simm.s32 @!p0 $0x0  }
0x12: {  	s1 =	sld [smem:$0x3F90];
	s0 =	simm.s32 @p0 $0x1  }
0x13: {  	[smem:$0x3FAB] =	sst s0;
	s0 =	simm.s32 @!p1 $0x0  }
0x14: {  	s2 =	sld [smem:$0x3F8F];
	s0 =	simm.s32 @p1 $0x1  }
0x15: {  	[smem:$0x3FAC] =	sst s0;
	s0 =	simm.s32 @!p2 $0x0  }
0x16: {  	s3 =	sld [smem:$0x3FDB];
	s0 =	simm.s32 @p2 $0x1  }
0x17: {  	s4 =	simm.s32 $0x1BF5;
	[smem:$0x3FAE] =	sst s0  }
0x18: {  	s0 =	sld [smem:$0x3F91];
	_ =	swait.ge [sflag:s4], $0x0  }
0x19: {  	s7 =	sld [smem:$0x3F92]  }
0x1a: {  	s8 =	sadd.s32 $0xFFFFE003, lr  }
0x1b: {  	s9 =	sadd.s32 $0xFFFFFEF7, lr;
	s5 =	simm.s32 $0xFFFFFFFF;
	p2 =	slt.u32 s8, $0xFFFFF086  }
0x1c: {  	p1 =	slt.u32 s9, $0xF7A;
	s5 =	simm.s32 @!p2 $0x0  }
0x1d: {  	s5 =	simm.s32 @p1 $0x1;
	p0 =	seq.s32 s7, s2  }
0x1e: {  	s7 =	smul.u32 @!p0 $0xF7A, s2;
	p2 =	seq.s32 @!p0 s5, $0x0  }
0x1f: {  	s9 =	smul.u32 $0xF7A, s1;
	s8 =	simm.s32 @!p0 $0x1BF5;
	p2 =	por !p2, p0  }
0x20: {  	[sflag:s8] =	ssyncset.s32 @!p0 $0xFFFFF086;
	s6 =	sadd.s32 @!p0 s3, s7;
	s7 =	simm.s32 @!p0 $0x108  }
0x21: {  	s3 =	sadd.s32 s3, s9;
	s6 =	sadd.s32 @!p0 $0x88, s6;
	s7 =	simm.s32 @p2 $0x1082  }
0x22: {  	[simem:s7], [sflag:s8] =	dma.local @!p0 [hbm:s6], $0xF7A  }
0x23: {  	s9 =	sor.u32 $0xD0000000, s2;
	s6 =	simm.s32 $0x108;
	_ =	swait.ge @!p0 [sflag:s8], $0x0  }
0x24: {  	s3 =	sadd.s32 $0x88, s3;
	s6 =	simm.s32 @!p1 $0x1082;
	[sflag:s4] =	ssyncset.s32 $0xFFFFF086  }
0x25: {  	[simem:s6], [sflag:s4] =	dma.local [hbm:s3], $0xF7A  }
0x26: {  	[smem:$0x3F92] =	sst s1;
	(tag) =	ssettag s2;
	_ =	strace s9  }
0x27: {  	s1 =	sld [smem:$0x3FA2]  }
0x28: {  	s2 =	sld [smem:$0x3FA3]  }
0x29: {  	s4 =	sld [smem:$0x3FA5]  }
0x2a: {  	p0 =	seq.s32 s5, $0x0;
	s5 =	sld [smem:$0x3FA6]  }
0x2b: {  	s6 =	sld [smem:$0x3FA7]  }
0x2c: {  	s7 =	sld [smem:$0x3FA8]  }
0x2d: {  	s3 =	simm.s32 $0x108;
	s8 =	sld [smem:$0x3FA9]  }
0x2e: {  	s3 =	simm.s32 @!p0 $0x1082;
	s9 =	sld [smem:$0x3FAA]  }
0x2f: {  	lr =	sadd.s32 s0, s3;
	s0 =	sld [smem:$0x3FA1]  }
0x30: {  	s3 =	sld [smem:$0x3FA4]  }
0x31: {  	[smem:$0x3FAD] =	sst s10  }
0x32: {  	s10 =	sld [smem:$0x3FAB];
	_ =	sdelay $0x3  }
0x33: {  	p0 =	seq.s32 s10, $0x1;
	s10 =	sld [smem:$0x3FAD];
	_ =	sdelay $0x3  }
0x34: {  	[smem:$0x3FAD] =	sst s10  }
0x35: {  	s10 =	sld [smem:$0x3FAC];
	_ =	sdelay $0x3  }
0x36: {  	p1 =	seq.s32 s10, $0x1;
	s10 =	sld [smem:$0x3FAD];
	_ =	sdelay $0x3  }
0x37: {  	[smem:$0x3FAD] =	sst s10  }
0x38: {  	s10 =	sld [smem:$0x3FAE]  }
0x39: {  	_ = 	snop;
	(pc) =	sbr.ind lr, $3  }
0x3a: {  	_ = 	snop  }
0x3b: {  	_ = 	snop  }
0x3c: {  	p2 =	seq.s32 s10, $0x1;
	s10 =	sld [smem:$0x3FAD]  }
0x3d: {  	_ =	shalt  }
0x3e: {  	_ =	shalt  }
0x3f: {  	_ =	shalt  }
0x40: {  	_ =	shalt  }
0x41: {  	_ =	shalt  }
0x42: {  	_ =	shalt  }
0x43: {  	_ =	shalt  }
0x44: {  	_ =	shalt  }
0x45: {  	_ =	shalt  }
0x46: {  	_ =	shalt  }
0x47: {  	_ =	shalt  }
0x48: {  	_ =	shalt  }
0x49: {  	_ =	shalt  }
0x4a: {  	_ =	shalt  }
0x4b: {  	_ =	shalt  }
0x4c: {  	_ =	shalt  }
0x4d: {  	_ =	shalt  }
0x4e: {  	_ =	shalt  }
0x4f: {  	_ =	shalt  }
0x50: {  	_ =	shalt  }
0x51: {  	_ =	shalt  }
0x52: {  	_ =	shalt  }
0x53: {  	_ =	shalt  }
0x54: {  	_ =	shalt  }
0x55: {  	_ =	shalt  }
0x56: {  	_ =	shalt  }
0x57: {  	_ =	shalt  }
0x58: {  	_ =	shalt  }
0x59: {  	_ =	shalt  }
0x5a: {  	_ =	shalt  }
0x5b: {  	_ =	shalt  }
0x5c: {  	_ =	shalt  }
0x5d: {  	_ =	shalt  }
0x5e: {  	_ =	shalt  }
0x5f: {  	_ =	shalt  }
0x60: {  	_ =	shalt  }
0x61: {  	_ =	shalt  }
0x62: {  	_ =	shalt  }
0x63: {  	_ =	shalt  }
0x64: {  	_ =	shalt  }
0x65: {  	_ =	shalt  }
0x66: {  	_ =	shalt  }
0x67: {  	_ =	shalt  }
0x68: {  	_ =	shalt  }
0x69: {  	_ =	shalt  }
0x6a: {  	_ =	shalt  }
0x6b: {  	_ =	shalt  }
0x6c: {  	_ =	shalt  }
0x6d: {  	_ =	shalt  }
0x6e: {  	_ =	shalt  }
0x6f: {  	_ =	shalt  }
0x70: {  	_ =	shalt  }
0x71: {  	_ =	shalt  }
0x72: {  	_ =	shalt  }
0x73: {  	_ =	shalt  }
0x74: {  	_ =	shalt  }
0x75: {  	_ =	shalt  }
0x76: {  	_ =	shalt  }
0x77: {  	_ =	shalt  }
0x78: {  	_ =	shalt  }
0x79: {  	_ =	shalt  }
0x7a: {  	_ =	shalt  }
0x7b: {  	_ =	shalt  }
0x7c: {  	_ =	shalt  }
0x7d: {  	_ =	shalt  }
0x7e: {  	_ =	shalt  }
0x7f: {  	_ =	shalt  }
0x80: {  	_ =	shalt  }
0x81: {  	_ =	shalt  }
0x82: {  	_ =	shalt  }
0x83: {  	_ =	shalt  }
0x84: {  	_ =	shalt  }
0x85: {  	_ =	shalt  }
0x86: {  	_ =	shalt  }
0x87: {  	_ =	shalt  }
.Lfunc_end0:
.L_simem_size_0:
called_computation.2_lowered:
.L_overlay_start_0:
0x88: {  	s2 =	sld [smem:$0x3FD9]  }
0x89: {  	s3 =	sld [smem:$0x3FFE];
	_ =	sdelay $0x1  }
0x8a: {  	s1 =	srdreg.scid  }
0x8b: {  	s0 =	sand.u32 $0x1, s1  }
0x8c: {  	s14 =	sshll.u32 s0, $0xA;
	s2 =	sadd.s32 s3, s2  }
0x8d: {  	s2 =	sadd.s32 s2, s14  }
0x8e: {  	[smem:$0x3FB9] =	sst s2  }
0x8f: {  	_ = 	snop  }
0x90: {  	s2 =	sld [smem:$0x3FD0];
	_ =	sdelay $0x2  }
0x91: {  	s15 =	simm.s32 $0xA;
	s4 =	simm.s32 $0x10  }
0x92: {  	[smem:s4], [sflag:s15] =	dma.local [hbm:s2], $0x1  }
0x93: {  	_ =	swait.eq [sflag:s15], $0x1  }
0x94: {  	[sflag:s15] =	ssyncset.done $0x0  }
0x95: {  	s16 =	sld [smem:$0x10];
	[sflag:s15] =	ssyncadd.s32 $0xFFFFFFFF  }
0x96: {  	s17 =	sld [smem:$0x11];
	(tm) =	ssettm $0x1  }
0x97: {  	s18 =	sld [smem:$0x3FFB];
	_ =	sdelay $0x3  }
0x98: {  	_ =	strace s18  }
0x99: {  	s4 =	sld [smem:$0x3FFC];
	_ =	sdelay $0x3  }
0x9a: {  	_ =	strace s4  }
0x9b: {  	s4 =	sld [smem:$0x3FFD];
	_ =	sdelay $0x3  }
0x9c: {  	_ =	strace s4  }
0x9d: {  	_ =	strace $0x8FFFFFFF  }
0x9e: {  	s19 =	sld [smem:$0x3FDB];
	_ =	sdelay $0x1  }
0x9f: {  	s5 =	simm.s32 $_scs_section_size  }
0xa0: {  	s6 =	simm.s32 $_size__tile_overlayer_lowered;
	s7 =	simm.s32 $_tile_overlayer_lowered  }
0xa1: {  	s22 =	simm.s32 $0x1BFF;
	s21 =	sshll.u32 s7, $0x1;
	s4 =	sadd.s32 s5, s19  }
0xa2: {  	s8 =	simm.s32 $0x0;
	s20 =	sshll.u32 s6, $0x1;
	s6 =	sadd.s32 s21, s4  }
0xa3: {  	[timem:s8], [sflag:s22] =	dma.local [hbm:s6], s20  }
0xa4: {  	_ =	swait.ge [sflag:s22], s20  }
0xa5: {  	s5 =	ssub.s32 $0x0, s20;
	[sflag:s22] =	ssyncset.done $0x0  }
0xa6: {  	[sflag:s22] =	ssyncadd.s32 s5;
	_ =	sdelay $0x1  }
0xa7: {  	s23 =	simm.s32 $0x1B8B  }
0xa8: {  	_ =	swait.ge [sflag:s23], $0x1  }
0xa9: {  	[sflag:s23] =	ssyncset.done $0x0  }
0xaa: {  	s25 =	simm.s32 $0x1B8E;
	s24 =	sld [smem:$0x3FFE];
	[sflag:s23] =	ssyncadd.s32 $0xFFFFFFFF  }
0xab: {  	s26 =	simm.s32 $execute0_lowered;
	[smem:$0x3FD2] =	sst s25  }
0xac: {  	s6 =	sshll.u32 s26, $0x1;
	_ =	strace $0x8000004C;
	[dreg:$0x1] =	wrdreg $0xFFFFFFFF  }
0xad: {  	s28 =	simm.s32 $_size_execute0_lowered;
	s4 =	sadd.s32 s4, s6;
	[dreg:$0x0] =	wrdreg $0x0  }
0xae: {  	s6 =	sshll.u32 s28, $0x1;
	[dreg:$0x2] =	wrdreg s4  }
0xaf: {  	[dreg:$0x3] =	wrdreg s6  }
0xb0: {  	[dreg:$0x4] =	wrdreg $0xC0  }
0xb1: {  	_ =	task [dreg:s8], $0x5FFFF  }
0xb2: {  	[dreg:$0x1] =	wrdreg $0xFFFFFFFF  }
0xb3: {  	[dreg:$0x0] =	wrdreg $0x60  }
0xb4: {  	[dreg:$0x2] =	wrdreg s16  }
0xb5: {  	[dreg:$0x3] =	wrdreg s17  }
0xb6: {  	[dreg:$0x4] =	wrdreg s24  }
0xb7: {  	[dreg:$0x5] =	wrdreg $0x9  }
0xb8: {  	_ =	task.clear_ibuf [dreg:s8], $0x6FFFF;
	_ =	strace $0x9000004C  }
0xb9: {  	s29 =	simm.s32 $0x9;
	_ =	strace $0x8000004E  }
0xba: {  	_ =	swait.ge [sflag:s29], $0x1  }
0xbb: {  	[sflag:s29] =	ssyncadd.s32 $0xFFFFFFFF  }
0xbc: {  	_ =	strace $0x9000004E  }
0xbd: {  	_ =	sfence  }
0xbe: {  	s30 =	sld [smem:$0x0];
	_ =	sdelay $0x2  }
0xbf: {  	s31 =	sshll.u32 s1, $0xD;
	s1 =	sshrl.u32 s1, $0x2  }
0xc0: {  	s3 =	sand.u32 $0x4000, s31;
	s1 =	sadd.s32 s1, s30  }
0xc1: {  	s0 =	sor.u32 s3, s0;
	s1 =	sshll.u32 s1, $0x11  }
0xc2: {  	s0 =	sor.u32 s1, s0  }
0xc3: {  	s0 =	sadd.s32 $0x8F2B, s0  }
0xc4: {  	[sflag:s0] =	ssyncadd.remote.s32 $0x1  }
0xc5: {  	_ =	sfence.sel $0xFFFF  }
0xc6: {  	[dreg:$0x0] =	wrdreg $0xFFFFFFFF;
	(pc) =	sbr.abs _section_cstart, $3  }
0xc7: {  	[dreg:$0x1] =	wrdreg $0xFFFFFFFF  }
0xc8: {  	_ =	task.clear_ibuf [dreg:s8], $0x2FFFF;
	_ =	strace $0x9FFFFFFF  }
0xc9: {  	(tm) =	ssettm $0x7FFFFFFF  }
tec
execute0_lowered:
.L_overlay_start_1:
0x0: {  	(tag) =	ssettag $0x1  }
0x1: {  	s1 =	rddreg [dreg:$0x0]  }
0x2: {  	s4 =	rddreg [dreg:$0x1]  }
0x3: {  	s3 =	rddreg [dreg:$0x2]  }
0x4: {  	s5 =	srdreg.scid;
	s11 =	stileid.u32;
	s2 =	simm.s32 $0x0  }
0x5: {  	s13 =	simm.s32 $0x1400;
	s14 =	simm.s32 $0x3400;
	s15 =	simm.s32 $0x1  }
0x6: {  	s16 =	simm.s32 $0x2;
	s17 =	simm.s32 $0x3;
	s18 =	simm.s32 $0x4  }
0x7: {  	s19 =	simm.s32 $0x0;
	s5 =	sand.u32 $0x1, s5;
	s6 =	sshll.u32 s11, $0x1  }
0x8: {  	[smem:$0x7FF] =	sst s2;
	s9 =	sadd.s32 $0x9C00, s3;
	s12 =	smul.u32 $0x4E, s11  }
0x9: {  	p0 =	seq.s32 s11, $0x0;
	s3 =	simm.s32 $0x28;
	s6 =	sor.u32 s5, s6  }
0xa: {  	_ =	strace $0x8000004D;
	s8 =	ssub.s32 $0x2, s5;
	s5 =	smul.u32 $0x27, s5  }
0xb: {  	s3 =	simm.s32 @!p0 $0x27;
	p0 =	sne.s32 s11, $0x0;
	s11 =	simm.s32 $0x5  }
0xc: {  	s7 =	smul.u32 $0x27, s6;
	s6 =	smin.u32 s6, $0x2;
	s10 =	sshrl.u32 s8, $0x1  }
0xd: {  	s8 =	ssub.s32 s8, s10;
	s29 =	sadd.s32 s5, s12;
	s12 =	simm.s32 $0x80  }
0xe: {  	s7 =	sadd.s32 s6, s7;
	s10 =	sadd.s32 s6, s29;
	s6 =	smax.u32 s8, $0x1  }
0xf: {  	s28 =	sshll.u32 s7, $0x4;
	s7 =	sshll.u32 s7, $0xA;
	s10 =	sshll.u32 s10, $0xA  }
0x10: {  	s4 =	sadd.s32 s4, s28;
	s30 =	sadd.s32 $0x400, s7;
	s7 =	sadd.s32 s9, s7  }
0x11: {  	s10 =	sadd.s32 s10, s9;
	s5 =	sadd.s32 $0x270, s4;
	s31 =	sand.u32 $0x1FFFFC00, s30  }
0x12: {  	s8 =	sadd.s32 s9, s31;
	s9 =	sadd.s32 $0x800, s10;
	s10 =	sadd.s32 $0xC00, s10  }
.LBB2_1:
0x13: {  	[tilespmem:s2], [sflag:$0x5] =	stream.linear.gather [hbm4b:s4+s2], $0x1380, $0x38;
	[tilespmem:$0x5400] =	vst v63  }
0x14: {  	_ =	swait.ge [sflag:s11], $0x1380  }
0x15: {  	[sflag:s11] =	ssyncset.done $0x0  }
0x16: {  	s20 =	simm.s32 @!p0 $0x0;
	s21 =	simm.s32 @!p0 $0x1380;
	[sflag:s11] =	ssyncadd.s32 $0xFFFFEC80  }
0x17: {  	[tilespmem:s21], [sflag:$0x5] =	stream.linear.gather @!p0 [hbm4b:s5+s20], $0x80, $0x38;
	[tilespmem:$0x5400] =	vst v63  }
0x18: {  	s20 =	simm.s32 @!p0 $0x5  }
0x19: {  	_ =	swait.ge @!p0 [sflag:s20], $0x80  }
0x1a: {  	[sflag:s20] =	ssyncset.done @!p0 $0x0  }
0x1b: {  	[sflag:s20] =	ssyncadd.s32 @!p0 $0xFFFFFF80  }
0x1c: {  	[tilespmem:s13], [sflag:$0x1] =	stream.indirect.gather [hbm4b:s1+s12], $0x40, s2, s12, $0xb8;
	[tilespmem:$0x5400] =	vst v63  }
0x1d: {  	_ = 	snop  }
0x1e: {  	[tilespmem:s14], [sflag:$0x2] =	stream.indirect.gather [hbm4b:s1+s12], $0x40, s12, s12, $0xb8;
	[tilespmem:$0x5400] =	vst v63  }
0x1f: {  	_ =	swait.ge [sflag:s15], $0x2000  }
0x20: {  	[sflag:s15] =	ssyncset.done $0x0  }
0x21: {  	[sflag:s15] =	ssyncadd.s32 $0xFFFFE000  }
0x22: {  	[hbm4b:s7+s2] =	stream.linear.scatter [tilespmem:s13], [sflag:$0x3], $0x2000, $0x38;
	[tilespmem:$0x5400] =	vst v63  }
0x23: {  	_ =	swait.ge [sflag:s16], $0x2000  }
0x24: {  	p2 =	sle.u32 s3, $0x2;
	[sflag:s16] =	ssyncset.done $0x0  }
0x25: {  	s20 =	simm.s32 @!p2 $0x3;
	[sflag:s16] =	ssyncadd.s32 $0xFFFFE000  }
0x26: {  	[hbm4b:s8+s2] =	stream.linear.scatter [tilespmem:s14], [sflag:$0x4], $0x2000, $0x38;
	[tilespmem:$0x5400] =	vst v63  }
0x27: {  	p1 =	sle.u32 s3, $0x3;
	_ =	swait.ge @!p2 [sflag:s20], $0x2000  }
0x28: {  	s22 =	simm.s32 @!p2 $0x1400;
	s23 =	simm.s32 @!p1 $0x4;
	[sflag:s20] =	ssyncset.done @!p2 $0x0  }
0x29: {  	s21 =	simm.s32 $0x100;
	[sflag:s20] =	ssyncadd.s32 @!p2 $0xFFFFE000;
	s20 =	simm.s32 @!p2 $0x80  }
0x2a: {  	[tilespmem:s22], [sflag:$0x1] =	stream.indirect.gather @!p2 [hbm4b:s1+s20], $0x40, s21, s20, $0xb8;
	[tilespmem:$0x5400] =	vst v63  }
0x2b: {  	_ =	swait.ge @!p1 [sflag:s23], $0x2000  }
0x2c: {  	s25 =	simm.s32 @!p1 $0x3400;
	s26 =	simm.s32 @!p2 $0x1;
	[sflag:s23] =	ssyncset.done @!p1 $0x0  }
0x2d: {  	s20 =	simm.s32 @!p1 $0x80;
	s21 =	simm.s32 @!p1 $0x180;
	[sflag:s23] =	ssyncadd.s32 @!p1 $0xFFFFE000  }
0x2e: {  	[tilespmem:s25], [sflag:$0x2] =	stream.indirect.gather @!p1 [hbm4b:s1+s20], $0x40, s21, s20, $0xb8;
	[tilespmem:$0x5400] =	vst v63  }
0x2f: {  	s24 =	simm.s32 $0x7;
	s28 =	simm.s32 @!p1 $0x2;
	_ =	swait.ge @!p2 [sflag:s26], $0x2000  }
0x30: {  	s29 =	simm.s32 @!p1 $0x0;
	s23 =	simm.s32 $0x5;
	[sflag:s26] =	ssyncset.done @!p2 $0x0  }
0x31: {  	s20 =	sadd.s32 $0x800, s10;
	s21 =	simm.s32 @!p2 $0x0;
	[sflag:s26] =	ssyncadd.s32 @!p2 $0xFFFFE000  }
0x32: {  	[hbm4b:s9+s21] =	stream.linear.scatter @!p2 [tilespmem:s22], [sflag:$0x3], $0x2000, $0x38;
	[tilespmem:$0x5400] =	vst v63  }
0x33: {  	s26 =	smov.u32 s10;
	s21 =	sadd.s32 $0x800, s9;
	_ =	swait.ge @!p1 [sflag:s28], $0x2000  }
0x34: {  	s22 =	simm.s32 $0x200;
	p2 =	sle.u32 s3, $0x4;
	[sflag:s28] =	ssyncset.done @!p1 $0x0  }
.LBB2_2:
0x35: {  	s30 =	simm.s32 @!p2 $0x3;
	[sflag:s28] =	ssyncadd.s32 @!p1 $0xFFFFE000  }
0x36: {  	s28 =	smov.u32 s24;
	s24 =	sadd.s32 $0x2, s24;
	s31 =	smov.u32 s21  }
0x37: {  	[hbm4b:s26+s29] =	stream.linear.scatter @!p1 [tilespmem:s25], [sflag:$0x4], $0x2000, $0x38;
	[tilespmem:$0x5400] =	vst v63  }
0x38: {  	p3 =	sne.s32 s24, $0x29;
	s26 =	smov.u32 s20;
	_ =	swait.ge @!p2 [sflag:s30], $0x2000  }
0x39: {  	s29 =	simm.s32 @!p2 $0x1400;
	p1 =	sge.u32 s23, s3;
	[sflag:s30] =	ssyncset.done @!p2 $0x0  }
0x3a: {  	s23 =	simm.s32 @!p2 $0x80;
	[sflag:s30] =	ssyncadd.s32 @!p2 $0xFFFFE000;
	s30 =	simm.s32 @!p1 $0x4  }
0x3b: {  	[tilespmem:s29], [sflag:$0x1] =	stream.indirect.gather @!p2 [hbm4b:s1+s23], $0x40, s22, s23, $0xb8;
	[tilespmem:$0x5400] =	vst v63  }
0x3c: {  	s23 =	smov.u32 s28;
	_ =	swait.ge @!p1 [sflag:s30], $0x2000  }
0x3d: {  	s25 =	simm.s32 @!p1 $0x3400;
	s28 =	simm.s32 @!p1 $0x80;
	[sflag:s30] =	ssyncset.done @!p1 $0x0  }
0x3e: {  	s0 =	simm.s32 @!p2 $0x1;
	[sflag:s30] =	ssyncadd.s32 @!p1 $0xFFFFE000;
	s30 =	sadd.s32 @!p1 $0x80, s22  }
0x3f: {  	[tilespmem:s25], [sflag:$0x2] =	stream.indirect.gather @!p1 [hbm4b:s1+s28], $0x40, s30, s28, $0xb8;
	[tilespmem:$0x5400] =	vst v63  }
0x40: {  	s20 =	sadd.s32 $0x800, s20;
	_ =	swait.ge @!p2 [sflag:s0], $0x2000  }
.Ltmp0:
0x41: {  	s21 =	sadd.s32 $0x800, s21;
	[sflag:s0] =	ssyncset.done @!p2 $0x0;
	(pc) =	sbr.rel @p3 .LBB2_2-.Ltmp0, $4  }
0x42: {  	s28 =	simm.s32 @!p1 $0x2;
	[sflag:s0] =	ssyncadd.s32 @!p2 $0xFFFFE000;
	s0 =	simm.s32 @!p2 $0x0  }
0x43: {  	[hbm4b:s31+s0] =	stream.linear.scatter @!p2 [tilespmem:s29], [sflag:$0x3], $0x2000, $0x38;
	[tilespmem:$0x5400] =	vst v63  }
0x44: {  	s22 =	sadd.s32 $0x100, s22;
	s0 =	sadd.s32 $0xFFFFFFFF, s23;
	_ =	swait.ge @!p1 [sflag:s28], $0x2000  }
0x45: {  	s29 =	simm.s32 @!p1 $0x0;
	p2 =	sge.u32 s0, s3;
	[sflag:s28] =	ssyncset.done @!p1 $0x0  }
0x46: {  	s0 =	simm.s32 @!p2 $0x3;
	[sflag:s28] =	ssyncadd.s32 @!p1 $0xFFFFE000  }
0x47: {  	[hbm4b:s26+s29] =	stream.linear.scatter @!p1 [tilespmem:s25], [sflag:$0x4], $0x2000, $0x38;
	[tilespmem:$0x5400] =	vst v63  }
0x48: {  	_ =	swait.ge @!p2 [sflag:s0], $0x2000  }
0x49: {  	s24 =	simm.s32 @!p2 $0x1400;
	p1 =	sge.u32 s23, s3;
	[sflag:s0] =	ssyncset.done @!p2 $0x0  }
0x4a: {  	s23 =	simm.s32 @!p1 $0x4;
	[sflag:s0] =	ssyncadd.s32 @!p2 $0xFFFFE000;
	s0 =	simm.s32 @!p2 $0x80  }
0x4b: {  	[tilespmem:s24], [sflag:$0x1] =	stream.indirect.gather @!p2 [hbm4b:s1+s0], $0x40, s22, s0, $0xb8;
	[tilespmem:$0x5400] =	vst v63  }
0x4c: {  	_ =	swait.ge @!p1 [sflag:s23], $0x2000  }
0x4d: {  	s25 =	simm.s32 @!p1 $0x3400;
	s0 =	simm.s32 @!p1 $0x80;
	[sflag:s23] =	ssyncset.done @!p1 $0x0  }
0x4e: {  	s22 =	sadd.s32 @!p1 $0x80, s22;
	[sflag:s23] =	ssyncadd.s32 @!p1 $0xFFFFE000;
	s23 =	simm.s32 @!p2 $0x1  }
0x4f: {  	[tilespmem:s25], [sflag:$0x2] =	stream.indirect.gather @!p1 [hbm4b:s1+s0], $0x40, s22, s0, $0xb8;
	[tilespmem:$0x5400] =	vst v63  }
0x50: {  	_ =	swait.ge @!p2 [sflag:s23], $0x2000  }
0x51: {  	[sflag:s23] =	ssyncset.done @!p2 $0x0  }
0x52: {  	s0 =	simm.s32 @!p2 $0x0;
	s22 =	simm.s32 @!p1 $0x2;
	[sflag:s23] =	ssyncadd.s32 @!p2 $0xFFFFE000  }
0x53: {  	[hbm4b:s21+s0] =	stream.linear.scatter @!p2 [tilespmem:s24], [sflag:$0x3], $0x2000, $0x38;
	[tilespmem:$0x5400] =	vst v63  }
0x54: {  	_ =	swait.ge @!p1 [sflag:s22], $0x2000  }
0x55: {  	[sflag:s22] =	ssyncset.done @!p1 $0x0  }
0x56: {  	s19 =	sadd.s32 $0x1, s19;
	s0 =	simm.s32 @!p1 $0x0;
	[sflag:s22] =	ssyncadd.s32 @!p1 $0xFFFFE000  }
0x57: {  	[hbm4b:s20+s0] =	stream.linear.scatter @!p1 [tilespmem:s25], [sflag:$0x4], $0x2000, $0x38;
	[tilespmem:$0x5400] =	vst v63  }
0x58: {  	p1 =	sne.s32 s19, s6;
	_ =	swait.ge [sflag:s17], $0x2000  }
.Ltmp1:
0x59: {  	[sflag:s17] =	ssyncset.done $0x0;
	(pc) =	sbr.rel @p1 .LBB2_1-.Ltmp1, $4  }
0x5a: {  	[sflag:s17] =	ssyncadd.s32 $0xFFFFE000  }
0x5b: {  	_ =	swait.ge [sflag:s18], $0x2000  }
0x5c: {  	[sflag:s18] =	ssyncset.done $0x0  }
0x5d: {  	[sflag:s18] =	ssyncadd.s32 $0xFFFFE000  }
0x5e: {  	_ =	sfence.sel $0x180000  }
0x5f: {  	[bflag:$0x0] =	sbarrier.arrive $0xFFFF  }
0x60: {  	_ =	strace $0x9000004D  }
0x61: {  	[bflag:$0x2] =	sbarrier.arrive $0xFFFF  }
0x62: {  	s0 =	rddreg [dreg:$0x3]  }
0x63: {  	s0 =	sadd.s32 @!p0 $0x100000, s0  }
0x64: {  	[sflag:s0] =	ssyncadd.tile.s32 @!p0 $0x1;
	_ =	shalt  }
.Lfunc_end2:
_tile_overlayer_lowered:
.L_overlay_start_2:
0x65: {  	(tag) =	ssettag $0x2  }
0x66: {  	s0 =	rddreg [dreg:$0x0];
	s2 =	stileid.u32  }
0x67: {  	s1 =	rddreg [dreg:$0x1];
	p0 =	sne.s32 s2, $0x0  }
0x68: {  	s3 =	rddreg [dreg:$0x2];
	[bflag:$0x3] =	sbarrier.arrive $0xFFFF;
	s2 =	simm.s32 @!p0 $0x1C05  }
0x69: {  	[timem:s3], [sflag:s2] =	dma.local @!p0 [hbm:s0], s1  }
0x6a: {  	s0 =	simm.s32 @!p0 $0x5  }
0x6b: {  	_ =	swait.ge @!p0 [sflag:s0], s1  }
0x6c: {  	s1 =	ssub.s32 @!p0 $0x0, s1;
	[sflag:s0] =	ssyncset.done @!p0 $0x0  }
0x6d: {  	[sflag:s0] =	ssyncadd.s32 @!p0 s1  }
0x6e: {  	[bflag:$0x3] =	sbarrier.arrive $0xFFFF  }
0x6f: {  	_ =	shalt  }

// kernel: kernel.22.cloned.1.call-start
scs
__scs_entry_jumppad:
0x0: {  	(pc) =	sbr.rel $0x88, $3  }
0x1: {  	(tag) =	ssettag $0x0;
	lr =	simm.s32 $0x1  }
0x2: {  	[smem:$0x3F92] =	sst lr;
	_ =	strace $0xD0000000  }
0x3: {  	_ = 	snop  }
0x4: {  	_ = 	snop  }
0x5: {  	_ = 	snop  }
0x6: {  	_ = 	snop  }
0x7: {  	_ = 	snop  }
__scs_overlays_trampoline_lowered:
0x8: {  	[smem:$0x3FA1] =	sst s0  }
0x9: {  	[smem:$0x3FA2] =	sst s1  }
0xa: {  	[smem:$0x3FA3] =	sst s2  }
0xb: {  	[smem:$0x3FA4] =	sst s3  }
0xc: {  	[smem:$0x3FA5] =	sst s4  }
0xd: {  	[smem:$0x3FA6] =	sst s5  }
0xe: {  	[smem:$0x3FA7] =	sst s6  }
0xf: {  	[smem:$0x3FA8] =	sst s7  }
0x10: {  	[smem:$0x3FA9] =	sst s8  }
0x11: {  	[smem:$0x3FAA] =	sst s9;
	s0 =	simm.s32 @!p0 $0x0  }
0x12: {  	s1 =	sld [smem:$0x3F90];
	s0 =	simm.s32 @p0 $0x1  }
0x13: {  	[smem:$0x3FAB] =	sst s0;
	s0 =	simm.s32 @!p1 $0x0  }
0x14: {  	s2 =	sld [smem:$0x3F8F];
	s0 =	simm.s32 @p1 $0x1  }
0x15: {  	[smem:$0x3FAC] =	sst s0;
	s0 =	simm.s32 @!p2 $0x0  }
0x16: {  	s3 =	sld [smem:$0x3FDB];
	s0 =	simm.s32 @p2 $0x1  }
0x17: {  	s4 =	simm.s32 $0x1BF5;
	[smem:$0x3FAE] =	sst s0  }
0x18: {  	s0 =	sld [smem:$0x3F91];
	_ =	swait.ge [sflag:s4], $0x0  }
0x19: {  	s7 =	sld [smem:$0x3F92]  }
0x1a: {  	s8 =	sadd.s32 $0xFFFFE003, lr  }
0x1b: {  	s9 =	sadd.s32 $0xFFFFFEF7, lr;
	s5 =	simm.s32 $0xFFFFFFFF;
	p2 =	slt.u32 s8, $0xFFFFF086  }
0x1c: {  	p1 =	slt.u32 s9, $0xF7A;
	s5 =	simm.s32 @!p2 $0x0  }
0x1d: {  	s5 =	simm.s32 @p1 $0x1;
	p0 =	seq.s32 s7, s2  }
0x1e: {  	s7 =	smul.u32 @!p0 $0xF7A, s2;
	p2 =	seq.s32 @!p0 s5, $0x0  }
0x1f: {  	s9 =	smul.u32 $0xF7A, s1;
	s8 =	simm.s32 @!p0 $0x1BF5;
	p2 =	por !p2, p0  }
0x20: {  	[sflag:s8] =	ssyncset.s32 @!p0 $0xFFFFF086;
	s6 =	sadd.s32 @!p0 s3, s7;
	s7 =	simm.s32 @!p0 $0x108  }
0x21: {  	s3 =	sadd.s32 s3, s9;
	s6 =	sadd.s32 @!p0 $0x88, s6;
	s7 =	simm.s32 @p2 $0x1082  }
0x22: {  	[simem:s7], [sflag:s8] =	dma.local @!p0 [hbm:s6], $0xF7A  }
0x23: {  	s9 =	sor.u32 $0xD0000000, s2;
	s6 =	simm.s32 $0x108;
	_ =	swait.ge @!p0 [sflag:s8], $0x0  }
0x24: {  	s3 =	sadd.s32 $0x88, s3;
	s6 =	simm.s32 @!p1 $0x1082;
	[sflag:s4] =	ssyncset.s32 $0xFFFFF086  }
0x25: {  	[simem:s6], [sflag:s4] =	dma.local [hbm:s3], $0xF7A  }
0x26: {  	[smem:$0x3F92] =	sst s1;
	(tag) =	ssettag s2;
	_ =	strace s9  }
0x27: {  	s1 =	sld [smem:$0x3FA2]  }
0x28: {  	s2 =	sld [smem:$0x3FA3]  }
0x29: {  	s4 =	sld [smem:$0x3FA5]  }
0x2a: {  	p0 =	seq.s32 s5, $0x0;
	s5 =	sld [smem:$0x3FA6]  }
0x2b: {  	s6 =	sld [smem:$0x3FA7]  }
0x2c: {  	s7 =	sld [smem:$0x3FA8]  }
0x2d: {  	s3 =	simm.s32 $0x108;
	s8 =	sld [smem:$0x3FA9]  }
0x2e: {  	s3 =	simm.s32 @!p0 $0x1082;
	s9 =	sld [smem:$0x3FAA]  }
0x2f: {  	lr =	sadd.s32 s0, s3;
	s0 =	sld [smem:$0x3FA1]  }
0x30: {  	s3 =	sld [smem:$0x3FA4]  }
0x31: {  	[smem:$0x3FAD] =	sst s10  }
0x32: {  	s10 =	sld [smem:$0x3FAB];
	_ =	sdelay $0x3  }
0x33: {  	p0 =	seq.s32 s10, $0x1;
	s10 =	sld [smem:$0x3FAD];
	_ =	sdelay $0x3  }
0x34: {  	[smem:$0x3FAD] =	sst s10  }
0x35: {  	s10 =	sld [smem:$0x3FAC];
	_ =	sdelay $0x3  }
0x36: {  	p1 =	seq.s32 s10, $0x1;
	s10 =	sld [smem:$0x3FAD];
	_ =	sdelay $0x3  }
0x37: {  	[smem:$0x3FAD] =	sst s10  }
0x38: {  	s10 =	sld [smem:$0x3FAE]  }
0x39: {  	_ = 	snop;
	(pc) =	sbr.ind lr, $3  }
0x3a: {  	_ = 	snop  }
0x3b: {  	_ = 	snop  }
0x3c: {  	p2 =	seq.s32 s10, $0x1;
	s10 =	sld [smem:$0x3FAD]  }
0x3d: {  	_ =	shalt  }
0x3e: {  	_ =	shalt  }
0x3f: {  	_ =	shalt  }
0x40: {  	_ =	shalt  }
0x41: {  	_ =	shalt  }
0x42: {  	_ =	shalt  }
0x43: {  	_ =	shalt  }
0x44: {  	_ =	shalt  }
0x45: {  	_ =	shalt  }
0x46: {  	_ =	shalt  }
0x47: {  	_ =	shalt  }
0x48: {  	_ =	shalt  }
0x49: {  	_ =	shalt  }
0x4a: {  	_ =	shalt  }
0x4b: {  	_ =	shalt  }
0x4c: {  	_ =	shalt  }
0x4d: {  	_ =	shalt  }
0x4e: {  	_ =	shalt  }
0x4f: {  	_ =	shalt  }
0x50: {  	_ =	shalt  }
0x51: {  	_ =	shalt  }
0x52: {  	_ =	shalt  }
0x53: {  	_ =	shalt  }
0x54: {  	_ =	shalt  }
0x55: {  	_ =	shalt  }
0x56: {  	_ =	shalt  }
0x57: {  	_ =	shalt  }
0x58: {  	_ =	shalt  }
0x59: {  	_ =	shalt  }
0x5a: {  	_ =	shalt  }
0x5b: {  	_ =	shalt  }
0x5c: {  	_ =	shalt  }
0x5d: {  	_ =	shalt  }
0x5e: {  	_ =	shalt  }
0x5f: {  	_ =	shalt  }
0x60: {  	_ =	shalt  }
0x61: {  	_ =	shalt  }
0x62: {  	_ =	shalt  }
0x63: {  	_ =	shalt  }
0x64: {  	_ =	shalt  }
0x65: {  	_ =	shalt  }
0x66: {  	_ =	shalt  }
0x67: {  	_ =	shalt  }
0x68: {  	_ =	shalt  }
0x69: {  	_ =	shalt  }
0x6a: {  	_ =	shalt  }
0x6b: {  	_ =	shalt  }
0x6c: {  	_ =	shalt  }
0x6d: {  	_ =	shalt  }
0x6e: {  	_ =	shalt  }
0x6f: {  	_ =	shalt  }
0x70: {  	_ =	shalt  }
0x71: {  	_ =	shalt  }
0x72: {  	_ =	shalt  }
0x73: {  	_ =	shalt  }
0x74: {  	_ =	shalt  }
0x75: {  	_ =	shalt  }
0x76: {  	_ =	shalt  }
0x77: {  	_ =	shalt  }
0x78: {  	_ =	shalt  }
0x79: {  	_ =	shalt  }
0x7a: {  	_ =	shalt  }
0x7b: {  	_ =	shalt  }
0x7c: {  	_ =	shalt  }
0x7d: {  	_ =	shalt  }
0x7e: {  	_ =	shalt  }
0x7f: {  	_ =	shalt  }
0x80: {  	_ =	shalt  }
0x81: {  	_ =	shalt  }
0x82: {  	_ =	shalt  }
0x83: {  	_ =	shalt  }
0x84: {  	_ =	shalt  }
0x85: {  	_ =	shalt  }
0x86: {  	_ =	shalt  }
0x87: {  	_ =	shalt  }
.Lfunc_end0:
.L_simem_size_0:
called_computation.3_lowered:
.L_overlay_start_0:
0x88: {  	s2 =	sld [smem:$0x3FD9]  }
0x89: {  	s3 =	sld [smem:$0x3FFE];
	_ =	sdelay $0x1  }
0x8a: {  	s1 =	srdreg.scid  }
0x8b: {  	s0 =	sand.u32 $0x1, s1  }
0x8c: {  	s16 =	sshll.u32 s0, $0xA;
	s2 =	sadd.s32 s3, s2  }
0x8d: {  	s2 =	sadd.s32 s2, s16  }
0x8e: {  	[smem:$0x3FB9] =	sst s2  }
0x8f: {  	_ = 	snop  }
0x90: {  	(tm) =	ssettm $0x1  }
0x91: {  	s17 =	sld [smem:$0x3FFB];
	_ =	sdelay $0x3  }
0x92: {  	_ =	strace s17  }
0x93: {  	s2 =	sld [smem:$0x3FFC];
	_ =	sdelay $0x3  }
0x94: {  	_ =	strace s2  }
0x95: {  	s2 =	sld [smem:$0x3FFD];
	_ =	sdelay $0x3  }
0x96: {  	_ =	strace s2  }
0x97: {  	_ =	strace $0x8FFFFFFF  }
0x98: {  	s18 =	sld [smem:$0x3FDB];
	_ =	sdelay $0x1  }
0x99: {  	s19 =	simm.s32 $_scs_section_size  }
0x9a: {  	s4 =	simm.s32 $_size__tile_overlayer_lowered;
	s5 =	simm.s32 $_tile_overlayer_lowered  }
0x9b: {  	s22 =	simm.s32 $0x1BFF;
	s21 =	sshll.u32 s5, $0x1;
	s2 =	sadd.s32 s19, s18  }
0x9c: {  	s6 =	simm.s32 $0x0;
	s20 =	sshll.u32 s4, $0x1;
	s4 =	sadd.s32 s21, s2  }
0x9d: {  	[timem:s6], [sflag:s22] =	dma.local [hbm:s4], s20  }
0x9e: {  	_ =	swait.ge [sflag:s22], s20  }
0x9f: {  	s3 =	ssub.s32 $0x0, s20;
	[sflag:s22] =	ssyncset.done $0x0  }
0xa0: {  	[sflag:s22] =	ssyncadd.s32 s3;
	_ =	sdelay $0x1  }
0xa1: {  	s23 =	simm.s32 $0x1B8B  }
0xa2: {  	_ =	swait.ge [sflag:s23], $0x1  }
0xa3: {  	[sflag:s23] =	ssyncset.done $0x0  }
0xa4: {  	s25 =	simm.s32 $0x1B8E;
	s24 =	sld [smem:$0x3FFE];
	[sflag:s23] =	ssyncadd.s32 $0xFFFFFFFF  }
0xa5: {  	s26 =	simm.s32 $execute0_lowered;
	[smem:$0x3FD2] =	sst s25  }
0xa6: {  	s4 =	sshll.u32 s26, $0x1;
	_ =	strace $0x8000004F;
	[dreg:$0x1] =	wrdreg $0xFFFFFFFF  }
0xa7: {  	s28 =	simm.s32 $_size_execute0_lowered;
	s2 =	sadd.s32 s2, s4;
	[dreg:$0x0] =	wrdreg $0x0  }
0xa8: {  	s4 =	sshll.u32 s28, $0x1;
	[dreg:$0x2] =	wrdreg s2  }
0xa9: {  	[dreg:$0x3] =	wrdreg s4  }
0xaa: {  	[dreg:$0x4] =	wrdreg $0xC0  }
0xab: {  	_ =	task [dreg:s6], $0x5FFFF  }
0xac: {  	[dreg:$0x1] =	wrdreg $0xFFFFFFFF  }
0xad: {  	[dreg:$0x0] =	wrdreg $0x60  }
0xae: {  	[dreg:$0x2] =	wrdreg s24  }
0xaf: {  	[dreg:$0x3] =	wrdreg $0x54000  }
0xb0: {  	[dreg:$0x4] =	wrdreg $0x9  }
0xb1: {  	_ =	task.clear_ibuf [dreg:s6], $0x5FFFF;
	_ =	strace $0x9000004F  }
0xb2: {  	s29 =	simm.s32 $0x9;
	_ =	strace $0x80000051  }
0xb3: {  	_ =	swait.ge [sflag:s29], $0x1  }
0xb4: {  	[sflag:s29] =	ssyncadd.s32 $0xFFFFFFFF  }
0xb5: {  	_ =	strace $0x90000051  }
0xb6: {  	_ =	sfence  }
0xb7: {  	s30 =	sld [smem:$0x0];
	_ =	sdelay $0x2  }
0xb8: {  	s31 =	sshll.u32 s1, $0xD;
	s1 =	sshrl.u32 s1, $0x2  }
0xb9: {  	s3 =	sand.u32 $0x4000, s31;
	s1 =	sadd.s32 s1, s30  }
0xba: {  	s0 =	sor.u32 s3, s0;
	s1 =	sshll.u32 s1, $0x11  }
0xbb: {  	s0 =	sor.u32 s1, s0  }
0xbc: {  	s0 =	sadd.s32 $0x8F2B, s0  }
0xbd: {  	[sflag:s0] =	ssyncadd.remote.s32 $0x1  }
0xbe: {  	_ =	sfence.sel $0xFFFF  }
0xbf: {  	[dreg:$0x0] =	wrdreg $0xFFFFFFFF;
	(pc) =	sbr.abs _section_cstart, $3  }
0xc0: {  	[dreg:$0x1] =	wrdreg $0xFFFFFFFF  }
0xc1: {  	_ =	task.clear_ibuf [dreg:s6], $0x2FFFF;
	_ =	strace $0x9FFFFFFF  }
0xc2: {  	(tm) =	ssettm $0x7FFFFFFF  }
0xc3: {  	_ =	shalt  }
tec
execute0_lowered:
.L_overlay_start_1:
0x0: {  	(tag) =	ssettag $0x1  }
0x1: {  	s4 =	rddreg [dreg:$0x0]  }
0x2: {  	s1 =	rddreg [dreg:$0x1]  }
0x3: {  	s2 =	srdreg.scid;
	s13 =	stileid.u32  }
0x4: {  	s0 =	rddreg [dreg:$0x2];
	s3 =	sand.u32 $0x1, s2;
	s6 =	smul.u32 $0x4E, s13  }
0x5: {  	s5 =	sshll.u32 s13, $0x1;
	s2 =	simm.s32 $0x0;
	s26 =	smul.u32 $0xFA00, s13  }
0x6: {  	s9 =	smul.u32 $0x3E800, s13;
	p0 =	seq.s32 s13, $0x0;
	p1 =	sgt.u32 s13, $0x9  }
0x7: {  	s5 =	sor.u32 s3, s5;
	s7 =	smul.u32 $0x27, s3;
	[smem:$0x7FF] =	sst s2  }
0x8: {  	s25 =	smul.u32 $0x9C400, s3;
	s30 =	ssub.s32 $0x2, s3;
	s3 =	sadd.s32 $0x2A1E00, s4  }
0x9: {  	s8 =	smul.u32 $0x27, s5;
	s5 =	smin.u32 s5, $0x2;
	_ =	strace $0x80000050  }
0xa: {  	s31 =	sshrl.u32 s30, $0x1;
	s9 =	sshrl.u32 s9, $0x2;
	s15 =	sadd.s32 s26, s1  }
0xb: {  	s6 =	sadd.s32 s7, s6;
	s29 =	sadd.s32 s26, s25;
	s12 =	ssub.s32 s30, s31  }
0xc: {  	s14 =	sadd.s32 s9, s1;
	s6 =	sadd.s32 s5, s6;
	s5 =	sadd.s32 s5, s8  }
0xd: {  	s8 =	smax.u32 s12, $0x1;
	s12 =	sshrl.u32 @!p1 s14, $0x3;
	s5 =	sshll.u32 s5, $0x4  }
0xe: {  	s6 =	sshll.u32 s6, $0xA;
	s28 =	sadd.s32 s5, s4;
	s5 =	sshrl.u32 s29, $0x3  }
0xf: {  	s14 =	sshrl.u32 @!p1 s15, $0x3;
	s10 =	sadd.s32 s6, s4;
	s11 =	sadd.s32 s5, s4  }
0x10: {  	s4 =	simm.s32 $0x28;
	s5 =	sadd.s32 $0x4C00, s28;
	s6 =	sadd.s32 $0x4E70, s28  }
0x11: {  	s15 =	simm.s32 $0x0;
	s9 =	sadd.s32 $0x783E00, s10;
	s10 =	sadd.s32 $0x784200, s10  }
0x12: {  	s4 =	simm.s32 @!p0 $0x27;
	s7 =	sadd.s32 $0x64B600, s11;
	s11 =	sshll.u32 @!p1 s13, $0x6  }
0x13: {  	p0 =	sne.s32 s13, $0x0;
	s13 =	simm.s32 $0x3;
	s11 =	sor.u32 @!p1 $0x1C03, s11  }
.LBB2_1:
0x14: {  	[spmem:s12], [sflag:s11] =	dma.local @!p1 [hbm:s3], $0x1F40  }
0x15: {  	s16 =	simm.s32 @!p1 $0x3  }
0x16: {  	_ =	swait.ge @!p1 [sflag:s16], $0x1F40  }
0x17: {  	[sflag:s16] =	ssyncset.done @!p1 $0x0  }
0x18: {  	[sflag:s16] =	ssyncadd.s32 @!p1 $0xFFFFE0C0  }
0x19: {  	[tilespmem:s2], [sflag:$0x3] =	stream.linear.gather [hbm4b:s5+s2], $0x1380, $0x38;
	[tilespmem:$0xF040] =	vst v63  }
0x1a: {  	_ =	swait.ge [sflag:s13], $0x1380  }
0x1b: {  	[sflag:s13] =	ssyncset.done $0x0  }
0x1c: {  	s17 =	simm.s32 @!p0 $0x1380;
	s16 =	simm.s32 @!p0 $0x0;
	[sflag:s13] =	ssyncadd.s32 $0xFFFFEC80  }
0x1d: {  	[tilespmem:s17], [sflag:$0x3] =	stream.linear.gather @!p0 [hbm4b:s6+s16], $0x80, $0x38;
	[tilespmem:$0xF040] =	vst v63  }
0x1e: {  	s16 =	simm.s32 @!p0 $0x3  }
0x1f: {  	_ =	swait.ge @!p0 [sflag:s16], $0x80  }
0x20: {  	[sflag:s16] =	ssyncset.done @!p0 $0x0  }
0x21: {  	p3 =	sle.u32 s4, $0x0;
	p2 =	sle.u32 s4, $0x1;
	[sflag:s16] =	ssyncadd.s32 @!p0 $0xFFFFFF80  }
0x22: {  	s17 =	simm.s32 @!p3 $0x1400;
	s16 =	simm.s32 @!p3 $0x0;
	[bflag:$0x0] =	sbarrier.arrive $0xFFFF  }
0x23: {  	[tilespmem:s17], [sflag:$0x1] =	stream.linear.gather @!p3 [hbm4b:s9+s16], $0x2000, $0x38;
	[tilespmem:$0xF040] =	vst v63  }
0x24: {  	s19 =	simm.s32 @!p2 $0x3400;
	s18 =	simm.s32 @!p3 $0x1;
	s16 =	simm.s32 @!p2 $0x0  }
0x25: {  	[tilespmem:s19], [sflag:$0x2] =	stream.linear.gather @!p2 [hbm4b:s10+s16], $0x2000, $0x38;
	[tilespmem:$0xF040] =	vst v63  }
0x26: {  	_ =	swait.ge @!p3 [sflag:s18], $0x2000  }
0x27: {  	[sflag:s18] =	ssyncset.done @!p3 $0x0  }
0x28: {  	s16 =	simm.s32 @!p3 $0x80;
	[sflag:s18] =	ssyncadd.s32 @!p3 $0xFFFFE000;
	s18 =	simm.s32 @!p3 $0x4  }
0x29: {  	[spmem:s1] =	stream.indirect.scatter.add.f32 @!p3 [tilespmem:s17], [sflag:$0x4], $0x40, s2, s16, $0xb8;
	[tilespmem:$0xF040] =	vst v63  }
0x2a: {  	_ =	swait.ge @!p3 [sflag:s18], $0x2000  }
0x2b: {  	p2 =	por p2, p2;
	[sflag:s18] =	ssyncset.done @!p3 $0x0  }
0x2c: {  	s16 =	simm.s32 @!p2 $0x2;
	[sflag:s18] =	ssyncadd.s32 @!p3 $0xFFFFE000  }
0x2d: {  	p4 =	sle.u32 s4, $0x3;
	_ =	swait.ge @!p2 [sflag:s16], $0x2000  }
0x2e: {  	s20 =	simm.s32 @!p2 $0x3;
	s21 =	simm.s32 @!p2 $0x80;
	[sflag:s16] =	ssyncset.done @!p2 $0x0  }
0x2f: {  	s17 =	sadd.s32 $0x800, s9;
	[sflag:s16] =	ssyncadd.s32 @!p2 $0xFFFFE000;
	s16 =	simm.s32 @!p2 $0x80  }
0x30: {  	[spmem:s1] =	stream.indirect.scatter.add.f32 @!p2 [tilespmem:s19], [sflag:$0x3], $0x40, s16, s21, $0xb8;
	[tilespmem:$0xF040] =	vst v63  }
0x31: {  	s18 =	simm.s32 $0x5;
	p3 =	sle.u32 s4, $0x2;
	_ =	swait.ge @!p2 [sflag:s20], $0x2000  }
0x32: {  	s19 =	sadd.s32 $0x800, s10;
	s16 =	simm.s32 $0x100;
	[sflag:s20] =	ssyncset.done @!p2 $0x0  }
.LBB2_2:
0x33: {  	s21 =	simm.s32 @!p3 $0x0;
	s22 =	simm.s32 @!p3 $0x1400;
	[sflag:s20] =	ssyncadd.s32 @!p2 $0xFFFFE000  }
0x34: {  	[tilespmem:s22], [sflag:$0x1] =	stream.linear.gather @!p3 [hbm4b:s17+s21], $0x2000, $0x38;
	[tilespmem:$0xF040] =	vst v63  }
0x35: {  	s20 =	simm.s32 @!p4 $0x0;
	s23 =	simm.s32 @!p3 $0x1;
	s21 =	simm.s32 @!p4 $0x3400  }
0x36: {  	[tilespmem:s21], [sflag:$0x2] =	stream.linear.gather @!p4 [hbm4b:s19+s20], $0x2000, $0x38;
	[tilespmem:$0xF040] =	vst v63  }
0x37: {  	s24 =	smov.u32 s18;
	s18 =	sadd.s32 $0x2, s18;
	_ =	swait.ge @!p3 [sflag:s23], $0x2000  }
0x38: {  	p2 =	por p4, p4;
	p5 =	sne.s32 s18, $0x29;
	[sflag:s23] =	ssyncset.done @!p3 $0x0  }
0x39: {  	s20 =	simm.s32 @!p3 $0x80;
	[sflag:s23] =	ssyncadd.s32 @!p3 $0xFFFFE000;
	s23 =	simm.s32 @!p3 $0x4  }
0x3a: {  	[spmem:s1] =	stream.indirect.scatter.add.f32 @!p3 [tilespmem:s22], [sflag:$0x4], $0x40, s16, s20, $0xb8;
	[tilespmem:$0xF040] =	vst v63  }
0x3b: {  	_ =	swait.ge @!p3 [sflag:s23], $0x2000  }
0x3c: {  	[sflag:s23] =	ssyncset.done @!p3 $0x0  }
0x3d: {  	s22 =	simm.s32 @!p2 $0x2;
	[sflag:s23] =	ssyncadd.s32 @!p3 $0xFFFFE000  }
0x3e: {  	s17 =	sadd.s32 $0x800, s17;
	s19 =	sadd.s32 $0x800, s19;
	_ =	swait.ge @!p2 [sflag:s22], $0x2000  }
.Ltmp0:
0x3f: {  	s20 =	simm.s32 @!p2 $0x3;
	[sflag:s22] =	ssyncset.done @!p2 $0x0;
	(pc) =	sbr.rel @p5 .LBB2_2-.Ltmp0, $4  }
0x40: {  	s23 =	simm.s32 @!p2 $0x80;
	[sflag:s22] =	ssyncadd.s32 @!p2 $0xFFFFE000;
	s22 =	sadd.s32 @!p2 $0x80, s16  }
0x41: {  	[spmem:s1] =	stream.indirect.scatter.add.f32 @!p2 [tilespmem:s21], [sflag:$0x3], $0x40, s22, s23, $0xb8;
	[tilespmem:$0xF040] =	vst v63  }
0x42: {  	s16 =	sadd.s32 $0x100, s16;
	s21 =	sadd.s32 $0xFFFFFFFF, s24;
	_ =	swait.ge @!p2 [sflag:s20], $0x2000  }
0x43: {  	p4 =	sge.u32 s24, s4;
	p3 =	sge.u32 s21, s4;
	[sflag:s20] =	ssyncset.done @!p2 $0x0  }
0x44: {  	s18 =	simm.s32 @!p3 $0x0;
	s21 =	simm.s32 @!p3 $0x1400;
	[sflag:s20] =	ssyncadd.s32 @!p2 $0xFFFFE000  }
0x45: {  	[tilespmem:s21], [sflag:$0x1] =	stream.linear.gather @!p3 [hbm4b:s17+s18], $0x2000, $0x38;
	[tilespmem:$0xF040] =	vst v63  }
0x46: {  	s20 =	simm.s32 @!p3 $0x1;
	s17 =	simm.s32 @!p4 $0x0;
	s18 =	simm.s32 @!p4 $0x3400  }
0x47: {  	[tilespmem:s18], [sflag:$0x2] =	stream.linear.gather @!p4 [hbm4b:s19+s17], $0x2000, $0x38;
	[tilespmem:$0xF040] =	vst v63  }
0x48: {  	_ =	swait.ge @!p3 [sflag:s20], $0x2000  }
0x49: {  	[sflag:s20] =	ssyncset.done @!p3 $0x0  }
0x4a: {  	s17 =	simm.s32 @!p3 $0x80;
	s19 =	simm.s32 @!p3 $0x4;
	[sflag:s20] =	ssyncadd.s32 @!p3 $0xFFFFE000  }
0x4b: {  	[spmem:s1] =	stream.indirect.scatter.add.f32 @!p3 [tilespmem:s21], [sflag:$0x4], $0x40, s16, s17, $0xb8;
	[tilespmem:$0xF040] =	vst v63  }
0x4c: {  	_ =	swait.ge @!p3 [sflag:s19], $0x2000  }
0x4d: {  	p2 =	por p4, p4;
	[sflag:s19] =	ssyncset.done @!p3 $0x0  }
0x4e: {  	s17 =	simm.s32 @!p2 $0x2;
	[sflag:s19] =	ssyncadd.s32 @!p3 $0xFFFFE000  }
0x4f: {  	_ =	swait.ge @!p2 [sflag:s17], $0x2000  }
0x50: {  	s16 =	sadd.s32 @!p2 $0x80, s16;
	[sflag:s17] =	ssyncset.done @!p2 $0x0  }
0x51: {  	s19 =	simm.s32 @!p2 $0x3;
	[sflag:s17] =	ssyncadd.s32 @!p2 $0xFFFFE000;
	s17 =	simm.s32 @!p2 $0x80  }
0x52: {  	[spmem:s1] =	stream.indirect.scatter.add.f32 @!p2 [tilespmem:s18], [sflag:$0x3], $0x40, s16, s17, $0xb8;
	[tilespmem:$0xF040] =	vst v63  }
0x53: {  	_ =	swait.ge @!p2 [sflag:s19], $0x2000  }
0x54: {  	s15 =	sadd.s32 $0x1, s15;
	[sflag:s19] =	ssyncset.done @!p2 $0x0  }
0x55: {  	[sflag:s19] =	ssyncadd.s32 @!p2 $0xFFFFE000;
	p2 =	sne.s32 s15, s8  }
.Ltmp1:
0x56: {  	s16 =	simm.s32 @!p1 $0x3;
	[bflag:$0x0] =	sbarrier.arrive $0xFFFF;
	(pc) =	sbr.rel @p2 .LBB2_1-.Ltmp1, $4  }
0x57: {  	[hbm:s7], [sflag:s11] =	dma.local @!p1 [spmem:s14], $0x1F40  }
0x58: {  	_ =	swait.ge @!p1 [sflag:s16], $0x1F40  }
0x59: {  	[sflag:s16] =	ssyncset.done @!p1 $0x0  }
0x5a: {  	[sflag:s16] =	ssyncadd.s32 @!p1 $0xFFFFE0C0  }
0x5b: {  	_ =	sfence.sel $0x180000  }
0x5c: {  	[bflag:$0x0] =	sbarrier.arrive $0xFFFF  }
0x5d: {  	_ =	strace $0x90000050  }
0x5e: {  	s0 =	sadd.s32 @!p0 $0x100000, s0;
	[bflag:$0x2] =	sbarrier.arrive $0xFFFF  }
0x5f: {  	[sflag:s0] =	ssyncadd.tile.s32 @!p0 $0x1;
	_ =	shalt  }
.Lfunc_end2:
_tile_overlayer_lowered:
.L_overlay_start_2:
0x60: {  	(tag) =	ssettag $0x2  }
0x61: {  	s0 =	rddreg [dreg:$0x0];
	s2 =	stileid.u32  }
0x62: {  	s1 =	rddreg [dreg:$0x1];
	p0 =	sne.s32 s2, $0x0  }
0x63: {  	s3 =	rddreg [dreg:$0x2];
	[bflag:$0x3] =	sbarrier.arrive $0xFFFF;
	s2 =	simm.s32 @!p0 $0x1C03  }
0x64: {  	[timem:s3], [sflag:s2] =	dma.local @!p0 [hbm:s0], s1  }
0x65: {  	s0 =	simm.s32 @!p0 $0x3  }
0x66: {  	_ =	swait.ge @!p0 [sflag:s0], s1  }
0x67: {  	s1 =	ssub.s32 @!p0 $0x0, s1;
	[sflag:s0] =	ssyncset.done @!p0 $0x0  }
0x68: {  	[sflag:s0] =	ssyncadd.s32 @!p0 s1  }
0x69: {  	[bflag:$0x3] =	sbarrier.arrive $0xFFFF  }
0x6a: {  	_ =	shalt  }

</sc_bundles>
